<compile_context>
chip_gen: v7x
topology: tpu7x:2x2x1
jax: 0.10.2.dev20260603
libtpu: 0.0.44.dev20260713+nightly
codegen_flags: <defaults>
</compile_context>

<pallas_src>
import dataclasses
import functools

import jax
import jax.numpy as jnp
from jax import lax
from jax.experimental import pallas as pl
from jax.experimental.pallas import tpu as pltpu
from jax.experimental.pallas import tpu_sc as plsc

NC = 2
NS = 16
L = 16
NW = NC * NS
BATCH = 16384
D = 128
CHUNK = 128
PER_W = BATCH // NW
N_CHUNK = PER_W // CHUNK
GMEAN = 3.6
TABLE = 100000


def _body(uid_hbm, mid_hbm, ud_idx_hbm, ib_idx_hbm, bin_hbm, utd_hbm,
          uemb_hbm, iemb_hbm, bias_hbm,
          out_hbm,
          uidx_v, midx_v, udix_v, ibix_v, bidx_v, utd_v, binp_v,
          u_v0, i_v0, ub_v0, ud_v0, ib_v0,
          u_v1, i_v1, ub_v1, ud_v1, ib_v1,
          out_v, sem0, sem1):
    wid = lax.axis_index("s") * NC + lax.axis_index("c")
    bufs = ((u_v0, i_v0, ub_v0, ud_v0, ib_v0),
            (u_v1, i_v1, ub_v1, ud_v1, ib_v1))
    sems = (sem0, sem1)

    cps = [
        pltpu.async_copy(uid_hbm.at[wid], uidx_v, sem0),
        pltpu.async_copy(mid_hbm.at[wid], midx_v, sem0),
        pltpu.async_copy(ud_idx_hbm.at[wid], udix_v, sem0),
        pltpu.async_copy(ib_idx_hbm.at[wid], ibix_v, sem0),
        pltpu.async_copy(bin_hbm.at[wid], bidx_v, sem0),
        pltpu.async_copy(utd_hbm.at[wid], utd_v, sem0),
        pltpu.async_copy(bias_hbm.at[pl.ds(3 * TABLE, 32)], binp_v, sem0),
    ]
    for cp in cps:
        cp.wait()

    lane = lax.iota(jnp.int32, L)

    def fire(c):
        u_v, i_v, ub_v, ud_v, ib_v = bufs[c % 2]
        sem = sems[c % 2]
        return [
            pltpu.async_copy(uemb_hbm.at[uidx_v.at[c]], u_v, sem),
            pltpu.async_copy(iemb_hbm.at[midx_v.at[c]], i_v, sem),
            pltpu.async_copy(bias_hbm.at[uidx_v.at[c]], ub_v, sem),
            pltpu.async_copy(bias_hbm.at[udix_v.at[c]], ud_v, sem),
            pltpu.async_copy(bias_hbm.at[ibix_v.at[c]], ib_v, sem),
        ]

    inflight = {0: fire(0)}
    for c in range(N_CHUNK):
        if c + 1 < N_CHUNK:
            inflight[c + 1] = fire(c + 1)
        for cp in inflight.pop(c):
            cp.wait()
        u_v, i_v, ub_v, ud_v, ib_v = bufs[c % 2]

        @pl.loop(0, CHUNK // L)
        def _(g):
            base = g * L

            def sub(s, dots):
                for rl in range(4):
                    row = base + s * 4 + rl
                    ps = [u_v[row, pl.ds(d * L, L)] *
                          i_v[row, pl.ds(d * L, L)] for d in range(D // L)]
                    while len(ps) > 1:
                        ps = [a + b for a, b in zip(ps[::2], ps[1::2])]
                    dots = jnp.where(lane == s * 4 + rl, jnp.sum(ps[0]),
                                     dots)
                return dots

            dots = lax.fori_loop(0, 4, sub, jnp.zeros((L,), jnp.float32))
            sl = pl.ds(base, L)
            bins = bidx_v[c, sl]
            bp = plsc.load_gather(binp_v, [bins])
            res = (dots + ub_v[sl] + ud_v[sl] * utd_v[c, sl]
                   + ib_v[sl] + bp + GMEAN)
            out_v[c, sl] = res

    pltpu.sync_copy(out_v, out_hbm.at[wid])


def kernel(batch_user_ids, batch_movie_ids, item_bin_ids, user_time_dev,
           user_emb, item_emb, user_bias, item_bias, user_dev_param,
           item_bin_param):
    uid = batch_user_ids.astype(jnp.int32).reshape(NW, N_CHUNK, CHUNK)
    mid = batch_movie_ids.astype(jnp.int32).reshape(NW, N_CHUNK, CHUNK)
    ud_idx = uid + TABLE
    ib_idx = mid + 2 * TABLE
    bins = item_bin_ids.astype(jnp.int32).reshape(NW, N_CHUNK, CHUNK)
    utd = user_time_dev.reshape(NW, N_CHUNK, CHUNK)
    bias = jnp.concatenate([
        user_bias, user_dev_param, item_bias,
        jnp.pad(item_bin_param, ((0, 1), (0, 0))),
    ], axis=0).reshape(-1)

    mesh = plsc.VectorSubcoreMesh(core_axis_name="c", subcore_axis_name="s")
    cp = pltpu.CompilerParams()
    if "needs_layout_passes" in pltpu.CompilerParams.__dataclass_fields__:
        cp = dataclasses.replace(cp, needs_layout_passes=False)
    run = pl.kernel(
        _body,
        out_type=jax.ShapeDtypeStruct((NW, N_CHUNK, CHUNK), jnp.float32),
        mesh=mesh,
        scratch_types=[
            pltpu.VMEM((N_CHUNK, CHUNK), jnp.int32),
            pltpu.VMEM((N_CHUNK, CHUNK), jnp.int32),
            pltpu.VMEM((N_CHUNK, CHUNK), jnp.int32),
            pltpu.VMEM((N_CHUNK, CHUNK), jnp.int32),
            pltpu.VMEM((N_CHUNK, CHUNK), jnp.int32),
            pltpu.VMEM((N_CHUNK, CHUNK), jnp.float32),
            pltpu.VMEM((32,), jnp.float32),
            pltpu.VMEM((CHUNK, D), jnp.float32),
            pltpu.VMEM((CHUNK, D), jnp.float32),
            pltpu.VMEM((CHUNK,), jnp.float32),
            pltpu.VMEM((CHUNK,), jnp.float32),
            pltpu.VMEM((CHUNK,), jnp.float32),
            pltpu.VMEM((CHUNK, D), jnp.float32),
            pltpu.VMEM((CHUNK, D), jnp.float32),
            pltpu.VMEM((CHUNK,), jnp.float32),
            pltpu.VMEM((CHUNK,), jnp.float32),
            pltpu.VMEM((CHUNK,), jnp.float32),
            pltpu.VMEM((N_CHUNK, CHUNK), jnp.float32),
            pltpu.SemaphoreType.DMA,
            pltpu.SemaphoreType.DMA,
        ],
        compiler_params=cp,
    )
    out = run(uid, mid, ud_idx, ib_idx, bins, utd, user_emb, item_emb, bias)
    return out.reshape(-1)

# --- scband reference (transcript-rebuilt; emitter-appended) ---
"""Pipeline reference for scband-mf-netflix-27513560498483 (READ-ONLY COPY).

The authoritative reference and input builder live on the scoring server;
editing this copy changes nothing except your own understanding.
"""

import jax, jax.numpy as jnp
import numpy as np

USER_COUNT = 100000
ITEM_COUNT = 100000
HIDDEN_DIM = 128
GLOBAL_MEAN = 3.6
BATCH = 16384


def setup_inputs(seed: int = 0) -> dict:
    key = jax.random.key(seed)
    k1, k2, k3, k4, k5, k6, k7, k8, k9, k10 = jax.random.split(key, 10)
    batch_user_ids = jax.random.randint(k1, (BATCH,), 0, USER_COUNT, dtype=jnp.int64 if jax.config.jax_enable_x64 else jnp.int32)
    batch_movie_ids = jax.random.randint(k2, (BATCH,), 0, ITEM_COUNT, dtype=jnp.int64 if jax.config.jax_enable_x64 else jnp.int32)
    item_bin_ids = jax.random.randint(k3, (BATCH,), 0, 31, dtype=jnp.int64 if jax.config.jax_enable_x64 else jnp.int32)
    user_time_dev = jax.random.normal(k4, (BATCH,), dtype=jnp.float32)
    # learned parameters (embedding tables), init matches RandomNormal(0.0, 0.1)
    user_emb = 0.1 * jax.random.normal(k5, (USER_COUNT, HIDDEN_DIM), dtype=jnp.float32)
    item_emb = 0.1 * jax.random.normal(k6, (ITEM_COUNT, HIDDEN_DIM), dtype=jnp.float32)
    user_bias = 0.1 * jax.random.normal(k7, (USER_COUNT, 1), dtype=jnp.float32)
    item_bias = 0.1 * jax.random.normal(k8, (ITEM_COUNT, 1), dtype=jnp.float32)
    user_dev_param = 0.1 * jax.random.normal(k9, (USER_COUNT, 1), dtype=jnp.float32)
    item_bin_param = 0.1 * jax.random.normal(k10, (31, 1), dtype=jnp.float32)
    return {
        "batch_user_ids": batch_user_ids,
        "batch_movie_ids": batch_movie_ids,
        "item_bin_ids": item_bin_ids,
        "user_time_dev": user_time_dev,
        "user_emb": user_emb,
        "item_emb": item_emb,
        "user_bias": user_bias,
        "item_bias": item_bias,
        "user_dev_param": user_dev_param,
        "item_bin_param": item_bin_param,
    }


def reference(batch_user_ids, batch_movie_ids, item_bin_ids, user_time_dev,
              user_emb, item_emb, user_bias, item_bias, user_dev_param, item_bin_param):
    batch_user_emb = jnp.take(user_emb, batch_user_ids, axis=0)          # [B, D]
    batch_item_emb = jnp.take(item_emb, batch_movie_ids, axis=0)         # [B, D]
    batch_user_base_bias = jnp.take(user_bias, batch_user_ids, axis=0).reshape(-1)
    batch_user_dev_bias = jnp.take(user_dev_param, batch_user_ids, axis=0).reshape(-1)
    batch_user_bias = batch_user_base_bias + batch_user_dev_bias * user_time_dev
    batch_item_base_bias = jnp.take(item_bias, batch_movie_ids, axis=0).reshape(-1)
    batch_item_bin_bias = jnp.take(item_bin_param, item_bin_ids, axis=0).reshape(-1)
    batch_item_bias_total = batch_item_base_bias + batch_item_bin_bias
    batch_score = jnp.sum(batch_user_emb * batch_item_emb, axis=1) + batch_user_bias + batch_item_bias_total + GLOBAL_MEAN
    return batch_score

if __name__ == "__main__":
    import jax
    _d = setup_inputs()
    print(jax.jit(kernel)(*tuple(_d.values())))

</pallas_src>

<mosaic_0001>
#map = affine_map<(d0, d1) -> (0, 0, 0)>
#map1 = affine_map<(d0, d1) -> (0, 0)>
#map2 = affine_map<(d0, d1) -> (0)>
module attributes {stable_mosaic.version = 14 : i64} {
  func.func @_body(%arg0: i32, %arg1: i32, %arg2: memref<32x4x128xi32, #tpu.memory_space<hbm>>, %arg3: memref<32x4x128xi32, #tpu.memory_space<hbm>>, %arg4: memref<32x4x128xi32, #tpu.memory_space<hbm>>, %arg5: memref<32x4x128xi32, #tpu.memory_space<hbm>>, %arg6: memref<32x4x128xi32, #tpu.memory_space<hbm>>, %arg7: memref<32x4x128xf32, #tpu.memory_space<hbm>>, %arg8: memref<100000x128xf32, #tpu.memory_space<hbm>>, %arg9: memref<100000x128xf32, #tpu.memory_space<hbm>>, %arg10: memref<300032xf32, #tpu.memory_space<hbm>>, %arg11: memref<32x4x128xf32, #tpu.memory_space<hbm>>, %arg12: memref<4x128xi32, #tpu.memory_space<vmem>>, %arg13: memref<4x128xi32, #tpu.memory_space<vmem>>, %arg14: memref<4x128xi32, #tpu.memory_space<vmem>>, %arg15: memref<4x128xi32, #tpu.memory_space<vmem>>, %arg16: memref<4x128xi32, #tpu.memory_space<vmem>>, %arg17: memref<4x128xf32, #tpu.memory_space<vmem>>, %arg18: memref<32xf32, #tpu.memory_space<vmem>>, %arg19: memref<128x128xf32, #tpu.memory_space<vmem>>, %arg20: memref<128x128xf32, #tpu.memory_space<vmem>>, %arg21: memref<128xf32, #tpu.memory_space<vmem>>, %arg22: memref<128xf32, #tpu.memory_space<vmem>>, %arg23: memref<128xf32, #tpu.memory_space<vmem>>, %arg24: memref<128x128xf32, #tpu.memory_space<vmem>>, %arg25: memref<128x128xf32, #tpu.memory_space<vmem>>, %arg26: memref<128xf32, #tpu.memory_space<vmem>>, %arg27: memref<128xf32, #tpu.memory_space<vmem>>, %arg28: memref<128xf32, #tpu.memory_space<vmem>>, %arg29: memref<4x128xf32, #tpu.memory_space<vmem>>, %arg30: memref<!tpu.dma_semaphore, #tpu.memory_space<semaphore_mem>>, %arg31: memref<!tpu.dma_semaphore, #tpu.memory_space<semaphore_mem>>) attributes {dimension_semantics = [#tpu.dimension_semantics<core_parallel>, #tpu.dimension_semantics<subcore_parallel>], iteration_bounds = array<i64: 2, 16>, scalar_prefetch = 0 : i64, scratch_operands = 20 : i64, tpu.core_type = #tpu.core_type<sc_vector_subcore>, window_params = [{transform_indices = #map}, {transform_indices = #map}, {transform_indices = #map}, {transform_indices = #map}, {transform_indices = #map}, {transform_indices = #map}, {transform_indices = #map1}, {transform_indices = #map1}, {transform_indices = #map2}, {transform_indices = #map}]} {
    %mul3A = arith.constant 2 : i32
    %mul3A_0 = arith.muli %arg1, %mul3A : i32
    %add3A = arith.addi %mul3A_0, %arg0 : i32
    %dma_start3A = arith.constant 0 : i32
    %dma_start3A_1 = arith.constant 0 : i32
    %dma_start3A_2 = tpu.memref_slice %arg2[%add3A, %dma_start3A, %dma_start3A_1] : memref<32x4x128xi32, #tpu.memory_space<hbm>> -> memref<1x4x128xi32, #tpu.memory_space<hbm>>
    %dma_start3A_3 = tpu.memref_squeeze %dma_start3A_2 : memref<1x4x128xi32, #tpu.memory_space<hbm>> -> memref<4x128xi32, #tpu.memory_space<hbm>>
    %dma_start3A_4 = arith.constant 0 : i32
    %dma_start3A_5 = arith.constant 0 : i32
    %dma_start3A_6 = tpu.memref_slice %arg2[%add3A, %dma_start3A_4, %dma_start3A_5] : memref<32x4x128xi32, #tpu.memory_space<hbm>> -> memref<1x4x128xi32, #tpu.memory_space<hbm>>
    %dma_start3A_7 = tpu.memref_squeeze %dma_start3A_6 : memref<1x4x128xi32, #tpu.memory_space<hbm>> -> memref<4x128xi32, #tpu.memory_space<hbm>>
    tpu.enqueue_dma source(%dma_start3A_7 : memref<4x128xi32, #tpu.memory_space<hbm>>) target(%arg12 : memref<4x128xi32, #tpu.memory_space<vmem>>) target_semaphore(%arg30 : memref<!tpu.dma_semaphore, #tpu.memory_space<semaphore_mem>>)
    %dma_start3A_8 = arith.constant 0 : i32
    %dma_start3A_9 = arith.constant 0 : i32
    %dma_start3A_10 = tpu.memref_slice %arg3[%add3A, %dma_start3A_8, %dma_start3A_9] : memref<32x4x128xi32, #tpu.memory_space<hbm>> -> memref<1x4x128xi32, #tpu.memory_space<hbm>>
    %dma_start3A_11 = tpu.memref_squeeze %dma_start3A_10 : memref<1x4x128xi32, #tpu.memory_space<hbm>> -> memref<4x128xi32, #tpu.memory_space<hbm>>
    %dma_start3A_12 = arith.constant 0 : i32
    %dma_start3A_13 = arith.constant 0 : i32
    %dma_start3A_14 = tpu.memref_slice %arg3[%add3A, %dma_start3A_12, %dma_start3A_13] : memref<32x4x128xi32, #tpu.memory_space<hbm>> -> memref<1x4x128xi32, #tpu.memory_space<hbm>>
    %dma_start3A_15 = tpu.memref_squeeze %dma_start3A_14 : memref<1x4x128xi32, #tpu.memory_space<hbm>> -> memref<4x128xi32, #tpu.memory_space<hbm>>
    tpu.enqueue_dma source(%dma_start3A_15 : memref<4x128xi32, #tpu.memory_space<hbm>>) target(%arg13 : memref<4x128xi32, #tpu.memory_space<vmem>>) target_semaphore(%arg30 : memref<!tpu.dma_semaphore, #tpu.memory_space<semaphore_mem>>)
    %dma_start3A_16 = arith.constant 0 : i32
    %dma_start3A_17 = arith.constant 0 : i32
    %dma_start3A_18 = tpu.memref_slice %arg4[%add3A, %dma_start3A_16, %dma_start3A_17] : memref<32x4x128xi32, #tpu.memory_space<hbm>> -> memref<1x4x128xi32, #tpu.memory_space<hbm>>
    %dma_start3A_19 = tpu.memref_squeeze %dma_start3A_18 : memref<1x4x128xi32, #tpu.memory_space<hbm>> -> memref<4x128xi32, #tpu.memory_space<hbm>>
    %dma_start3A_20 = arith.constant 0 : i32
    %dma_start3A_21 = arith.constant 0 : i32
    %dma_start3A_22 = tpu.memref_slice %arg4[%add3A, %dma_start3A_20, %dma_start3A_21] : memref<32x4x128xi32, #tpu.memory_space<hbm>> -> memref<1x4x128xi32, #tpu.memory_space<hbm>>
    %dma_start3A_23 = tpu.memref_squeeze %dma_start3A_22 : memref<1x4x128xi32, #tpu.memory_space<hbm>> -> memref<4x128xi32, #tpu.memory_space<hbm>>
    tpu.enqueue_dma source(%dma_start3A_23 : memref<4x128xi32, #tpu.memory_space<hbm>>) target(%arg14 : memref<4x128xi32, #tpu.memory_space<vmem>>) target_semaphore(%arg30 : memref<!tpu.dma_semaphore, #tpu.memory_space<semaphore_mem>>)
    %dma_start3A_24 = arith.constant 0 : i32
    %dma_start3A_25 = arith.constant 0 : i32
    %dma_start3A_26 = tpu.memref_slice %arg5[%add3A, %dma_start3A_24, %dma_start3A_25] : memref<32x4x128xi32, #tpu.memory_space<hbm>> -> memref<1x4x128xi32, #tpu.memory_space<hbm>>
    %dma_start3A_27 = tpu.memref_squeeze %dma_start3A_26 : memref<1x4x128xi32, #tpu.memory_space<hbm>> -> memref<4x128xi32, #tpu.memory_space<hbm>>
    %dma_start3A_28 = arith.constant 0 : i32
    %dma_start3A_29 = arith.constant 0 : i32
    %dma_start3A_30 = tpu.memref_slice %arg5[%add3A, %dma_start3A_28, %dma_start3A_29] : memref<32x4x128xi32, #tpu.memory_space<hbm>> -> memref<1x4x128xi32, #tpu.memory_space<hbm>>
    %dma_start3A_31 = tpu.memref_squeeze %dma_start3A_30 : memref<1x4x128xi32, #tpu.memory_space<hbm>> -> memref<4x128xi32, #tpu.memory_space<hbm>>
    tpu.enqueue_dma source(%dma_start3A_31 : memref<4x128xi32, #tpu.memory_space<hbm>>) target(%arg15 : memref<4x128xi32, #tpu.memory_space<vmem>>) target_semaphore(%arg30 : memref<!tpu.dma_semaphore, #tpu.memory_space<semaphore_mem>>)
    %dma_start3A_32 = arith.constant 0 : i32
    %dma_start3A_33 = arith.constant 0 : i32
    %dma_start3A_34 = tpu.memref_slice %arg6[%add3A, %dma_start3A_32, %dma_start3A_33] : memref<32x4x128xi32, #tpu.memory_space<hbm>> -> memref<1x4x128xi32, #tpu.memory_space<hbm>>
    %dma_start3A_35 = tpu.memref_squeeze %dma_start3A_34 : memref<1x4x128xi32, #tpu.memory_space<hbm>> -> memref<4x128xi32, #tpu.memory_space<hbm>>
    %dma_start3A_36 = arith.constant 0 : i32
    %dma_start3A_37 = arith.constant 0 : i32
    %dma_start3A_38 = tpu.memref_slice %arg6[%add3A, %dma_start3A_36, %dma_start3A_37] : memref<32x4x128xi32, #tpu.memory_space<hbm>> -> memref<1x4x128xi32, #tpu.memory_space<hbm>>
    %dma_start3A_39 = tpu.memref_squeeze %dma_start3A_38 : memref<1x4x128xi32, #tpu.memory_space<hbm>> -> memref<4x128xi32, #tpu.memory_space<hbm>>
    tpu.enqueue_dma source(%dma_start3A_39 : memref<4x128xi32, #tpu.memory_space<hbm>>) target(%arg16 : memref<4x128xi32, #tpu.memory_space<vmem>>) target_semaphore(%arg30 : memref<!tpu.dma_semaphore, #tpu.memory_space<semaphore_mem>>)
    %dma_start3A_40 = arith.constant 0 : i32
    %dma_start3A_41 = arith.constant 0 : i32
    %dma_start3A_42 = tpu.memref_slice %arg7[%add3A, %dma_start3A_40, %dma_start3A_41] : memref<32x4x128xf32, #tpu.memory_space<hbm>> -> memref<1x4x128xf32, #tpu.memory_space<hbm>>
    %dma_start3A_43 = tpu.memref_squeeze %dma_start3A_42 : memref<1x4x128xf32, #tpu.memory_space<hbm>> -> memref<4x128xf32, #tpu.memory_space<hbm>>
    %dma_start3A_44 = arith.constant 0 : i32
    %dma_start3A_45 = arith.constant 0 : i32
    %dma_start3A_46 = tpu.memref_slice %arg7[%add3A, %dma_start3A_44, %dma_start3A_45] : memref<32x4x128xf32, #tpu.memory_space<hbm>> -> memref<1x4x128xf32, #tpu.memory_space<hbm>>
    %dma_start3A_47 = tpu.memref_squeeze %dma_start3A_46 : memref<1x4x128xf32, #tpu.memory_space<hbm>> -> memref<4x128xf32, #tpu.memory_space<hbm>>
    tpu.enqueue_dma source(%dma_start3A_47 : memref<4x128xf32, #tpu.memory_space<hbm>>) target(%arg17 : memref<4x128xf32, #tpu.memory_space<vmem>>) target_semaphore(%arg30 : memref<!tpu.dma_semaphore, #tpu.memory_space<semaphore_mem>>)
    %dma_start3A_48 = arith.constant 300000 : i32
    %dma_start3A_49 = tpu.memref_slice %arg10[%dma_start3A_48] : memref<300032xf32, #tpu.memory_space<hbm>> -> memref<32xf32, #tpu.memory_space<hbm>>
    %dma_start3A_50 = arith.constant 300000 : i32
    %dma_start3A_51 = tpu.memref_slice %arg10[%dma_start3A_50] : memref<300032xf32, #tpu.memory_space<hbm>> -> memref<32xf32, #tpu.memory_space<hbm>>
    tpu.enqueue_dma source(%dma_start3A_51 : memref<32xf32, #tpu.memory_space<hbm>>) target(%arg18 : memref<32xf32, #tpu.memory_space<vmem>>) target_semaphore(%arg30 : memref<!tpu.dma_semaphore, #tpu.memory_space<semaphore_mem>>)
    %dma_wait3A = arith.constant 0 : i32
    %dma_wait3A_52 = arith.constant 0 : i32
    %dma_wait3A_53 = tpu.memref_slice %arg2[%add3A, %dma_wait3A, %dma_wait3A_52] : memref<32x4x128xi32, #tpu.memory_space<hbm>> -> memref<1x4x128xi32, #tpu.memory_space<hbm>>
    %dma_wait3A_54 = tpu.memref_squeeze %dma_wait3A_53 : memref<1x4x128xi32, #tpu.memory_space<hbm>> -> memref<4x128xi32, #tpu.memory_space<hbm>>
    %dma_wait3A_55 = arith.constant 0 : i32
    %dma_wait3A_56 = arith.constant 0 : i32
    %dma_wait3A_57 = tpu.memref_slice %arg2[%add3A, %dma_wait3A_55, %dma_wait3A_56] : memref<32x4x128xi32, #tpu.memory_space<hbm>> -> memref<1x4x128xi32, #tpu.memory_space<hbm>>
    %dma_wait3A_58 = tpu.memref_squeeze %dma_wait3A_57 : memref<1x4x128xi32, #tpu.memory_space<hbm>> -> memref<4x128xi32, #tpu.memory_space<hbm>>
    tpu.wait_dma2 semaphore(%arg30 : memref<!tpu.dma_semaphore, #tpu.memory_space<semaphore_mem>>) src(%dma_wait3A_58 : memref<4x128xi32, #tpu.memory_space<hbm>>) dst(%arg12 : memref<4x128xi32, #tpu.memory_space<vmem>>)
    %dma_wait3A_59 = arith.constant 0 : i32
    %dma_wait3A_60 = arith.constant 0 : i32
    %dma_wait3A_61 = tpu.memref_slice %arg3[%add3A, %dma_wait3A_59, %dma_wait3A_60] : memref<32x4x128xi32, #tpu.memory_space<hbm>> -> memref<1x4x128xi32, #tpu.memory_space<hbm>>
    %dma_wait3A_62 = tpu.memref_squeeze %dma_wait3A_61 : memref<1x4x128xi32, #tpu.memory_space<hbm>> -> memref<4x128xi32, #tpu.memory_space<hbm>>
    %dma_wait3A_63 = arith.constant 0 : i32
    %dma_wait3A_64 = arith.constant 0 : i32
    %dma_wait3A_65 = tpu.memref_slice %arg3[%add3A, %dma_wait3A_63, %dma_wait3A_64] : memref<32x4x128xi32, #tpu.memory_space<hbm>> -> memref<1x4x128xi32, #tpu.memory_space<hbm>>
    %dma_wait3A_66 = tpu.memref_squeeze %dma_wait3A_65 : memref<1x4x128xi32, #tpu.memory_space<hbm>> -> memref<4x128xi32, #tpu.memory_space<hbm>>
    tpu.wait_dma2 semaphore(%arg30 : memref<!tpu.dma_semaphore, #tpu.memory_space<semaphore_mem>>) src(%dma_wait3A_66 : memref<4x128xi32, #tpu.memory_space<hbm>>) dst(%arg13 : memref<4x128xi32, #tpu.memory_space<vmem>>)
    %dma_wait3A_67 = arith.constant 0 : i32
    %dma_wait3A_68 = arith.constant 0 : i32
    %dma_wait3A_69 = tpu.memref_slice %arg4[%add3A, %dma_wait3A_67, %dma_wait3A_68] : memref<32x4x128xi32, #tpu.memory_space<hbm>> -> memref<1x4x128xi32, #tpu.memory_space<hbm>>
    %dma_wait3A_70 = tpu.memref_squeeze %dma_wait3A_69 : memref<1x4x128xi32, #tpu.memory_space<hbm>> -> memref<4x128xi32, #tpu.memory_space<hbm>>
    %dma_wait3A_71 = arith.constant 0 : i32
    %dma_wait3A_72 = arith.constant 0 : i32
    %dma_wait3A_73 = tpu.memref_slice %arg4[%add3A, %dma_wait3A_71, %dma_wait3A_72] : memref<32x4x128xi32, #tpu.memory_space<hbm>> -> memref<1x4x128xi32, #tpu.memory_space<hbm>>
    %dma_wait3A_74 = tpu.memref_squeeze %dma_wait3A_73 : memref<1x4x128xi32, #tpu.memory_space<hbm>> -> memref<4x128xi32, #tpu.memory_space<hbm>>
    tpu.wait_dma2 semaphore(%arg30 : memref<!tpu.dma_semaphore, #tpu.memory_space<semaphore_mem>>) src(%dma_wait3A_74 : memref<4x128xi32, #tpu.memory_space<hbm>>) dst(%arg14 : memref<4x128xi32, #tpu.memory_space<vmem>>)
    %dma_wait3A_75 = arith.constant 0 : i32
    %dma_wait3A_76 = arith.constant 0 : i32
    %dma_wait3A_77 = tpu.memref_slice %arg5[%add3A, %dma_wait3A_75, %dma_wait3A_76] : memref<32x4x128xi32, #tpu.memory_space<hbm>> -> memref<1x4x128xi32, #tpu.memory_space<hbm>>
    %dma_wait3A_78 = tpu.memref_squeeze %dma_wait3A_77 : memref<1x4x128xi32, #tpu.memory_space<hbm>> -> memref<4x128xi32, #tpu.memory_space<hbm>>
    %dma_wait3A_79 = arith.constant 0 : i32
    %dma_wait3A_80 = arith.constant 0 : i32
    %dma_wait3A_81 = tpu.memref_slice %arg5[%add3A, %dma_wait3A_79, %dma_wait3A_80] : memref<32x4x128xi32, #tpu.memory_space<hbm>> -> memref<1x4x128xi32, #tpu.memory_space<hbm>>
    %dma_wait3A_82 = tpu.memref_squeeze %dma_wait3A_81 : memref<1x4x128xi32, #tpu.memory_space<hbm>> -> memref<4x128xi32, #tpu.memory_space<hbm>>
    tpu.wait_dma2 semaphore(%arg30 : memref<!tpu.dma_semaphore, #tpu.memory_space<semaphore_mem>>) src(%dma_wait3A_82 : memref<4x128xi32, #tpu.memory_space<hbm>>) dst(%arg15 : memref<4x128xi32, #tpu.memory_space<vmem>>)
    %dma_wait3A_83 = arith.constant 0 : i32
    %dma_wait3A_84 = arith.constant 0 : i32
    %dma_wait3A_85 = tpu.memref_slice %arg6[%add3A, %dma_wait3A_83, %dma_wait3A_84] : memref<32x4x128xi32, #tpu.memory_space<hbm>> -> memref<1x4x128xi32, #tpu.memory_space<hbm>>
    %dma_wait3A_86 = tpu.memref_squeeze %dma_wait3A_85 : memref<1x4x128xi32, #tpu.memory_space<hbm>> -> memref<4x128xi32, #tpu.memory_space<hbm>>
    %dma_wait3A_87 = arith.constant 0 : i32
    %dma_wait3A_88 = arith.constant 0 : i32
    %dma_wait3A_89 = tpu.memref_slice %arg6[%add3A, %dma_wait3A_87, %dma_wait3A_88] : memref<32x4x128xi32, #tpu.memory_space<hbm>> -> memref<1x4x128xi32, #tpu.memory_space<hbm>>
    %dma_wait3A_90 = tpu.memref_squeeze %dma_wait3A_89 : memref<1x4x128xi32, #tpu.memory_space<hbm>> -> memref<4x128xi32, #tpu.memory_space<hbm>>
    tpu.wait_dma2 semaphore(%arg30 : memref<!tpu.dma_semaphore, #tpu.memory_space<semaphore_mem>>) src(%dma_wait3A_90 : memref<4x128xi32, #tpu.memory_space<hbm>>) dst(%arg16 : memref<4x128xi32, #tpu.memory_space<vmem>>)
    %dma_wait3A_91 = arith.constant 0 : i32
    %dma_wait3A_92 = arith.constant 0 : i32
    %dma_wait3A_93 = tpu.memref_slice %arg7[%add3A, %dma_wait3A_91, %dma_wait3A_92] : memref<32x4x128xf32, #tpu.memory_space<hbm>> -> memref<1x4x128xf32, #tpu.memory_space<hbm>>
    %dma_wait3A_94 = tpu.memref_squeeze %dma_wait3A_93 : memref<1x4x128xf32, #tpu.memory_space<hbm>> -> memref<4x128xf32, #tpu.memory_space<hbm>>
    %dma_wait3A_95 = arith.constant 0 : i32
    %dma_wait3A_96 = arith.constant 0 : i32
    %dma_wait3A_97 = tpu.memref_slice %arg7[%add3A, %dma_wait3A_95, %dma_wait3A_96] : memref<32x4x128xf32, #tpu.memory_space<hbm>> -> memref<1x4x128xf32, #tpu.memory_space<hbm>>
    %dma_wait3A_98 = tpu.memref_squeeze %dma_wait3A_97 : memref<1x4x128xf32, #tpu.memory_space<hbm>> -> memref<4x128xf32, #tpu.memory_space<hbm>>
    tpu.wait_dma2 semaphore(%arg30 : memref<!tpu.dma_semaphore, #tpu.memory_space<semaphore_mem>>) src(%dma_wait3A_98 : memref<4x128xf32, #tpu.memory_space<hbm>>) dst(%arg17 : memref<4x128xf32, #tpu.memory_space<vmem>>)
    %dma_wait3A_99 = arith.constant 300000 : i32
    %dma_wait3A_100 = tpu.memref_slice %arg10[%dma_wait3A_99] : memref<300032xf32, #tpu.memory_space<hbm>> -> memref<32xf32, #tpu.memory_space<hbm>>
    %dma_wait3A_101 = arith.constant 300000 : i32
    %dma_wait3A_102 = tpu.memref_slice %arg10[%dma_wait3A_101] : memref<300032xf32, #tpu.memory_space<hbm>> -> memref<32xf32, #tpu.memory_space<hbm>>
    tpu.wait_dma2 semaphore(%arg30 : memref<!tpu.dma_semaphore, #tpu.memory_space<semaphore_mem>>) src(%dma_wait3A_102 : memref<32xf32, #tpu.memory_space<hbm>>) dst(%arg18 : memref<32xf32, #tpu.memory_space<vmem>>)
    %iota3A = tpu.iota {dimensions = array<i32: 0>} : vector<16xi32>
    %dma_start3A_103 = arith.constant 0 : i32
    %dma_start3A_104 = arith.constant 0 : i32
    %dma_start3A_105 = tpu.memref_slice %arg12[%dma_start3A_103, %dma_start3A_104] : memref<4x128xi32, #tpu.memory_space<vmem>> -> memref<1x128xi32, #tpu.memory_space<vmem>>
    %dma_start3A_106 = tpu.memref_squeeze %dma_start3A_105 : memref<1x128xi32, #tpu.memory_space<vmem>> -> memref<128xi32, #tpu.memory_space<vmem>>
    %dma_start3A_107 = arith.constant 0 : i32
    %dma_start3A_108 = arith.constant 0 : i32
    %dma_start3A_109 = tpu.memref_slice %arg8[%dma_start3A_107, %dma_start3A_108] : memref<100000x128xf32, #tpu.memory_space<hbm>> -> memref<100000x128xf32, #tpu.memory_space<hbm>>
    tpu.enqueue_indirect_dma source(%dma_start3A_109 : memref<100000x128xf32, #tpu.memory_space<hbm>>) target(%arg19 : memref<128x128xf32, #tpu.memory_space<vmem>>) offsets(%dma_start3A_106 : memref<128xi32, #tpu.memory_space<vmem>>) semaphore(%arg30 : memref<!tpu.dma_semaphore, #tpu.memory_space<semaphore_mem>>)
    %dma_start3A_110 = arith.constant 0 : i32
    %dma_start3A_111 = arith.constant 0 : i32
    %dma_start3A_112 = tpu.memref_slice %arg13[%dma_start3A_110, %dma_start3A_111] : memref<4x128xi32, #tpu.memory_space<vmem>> -> memref<1x128xi32, #tpu.memory_space<vmem>>
    %dma_start3A_113 = tpu.memref_squeeze %dma_start3A_112 : memref<1x128xi32, #tpu.memory_space<vmem>> -> memref<128xi32, #tpu.memory_space<vmem>>
    %dma_start3A_114 = arith.constant 0 : i32
    %dma_start3A_115 = arith.constant 0 : i32
    %dma_start3A_116 = tpu.memref_slice %arg9[%dma_start3A_114, %dma_start3A_115] : memref<100000x128xf32, #tpu.memory_space<hbm>> -> memref<100000x128xf32, #tpu.memory_space<hbm>>
    tpu.enqueue_indirect_dma source(%dma_start3A_116 : memref<100000x128xf32, #tpu.memory_space<hbm>>) target(%arg20 : memref<128x128xf32, #tpu.memory_space<vmem>>) offsets(%dma_start3A_113 : memref<128xi32, #tpu.memory_space<vmem>>) semaphore(%arg30 : memref<!tpu.dma_semaphore, #tpu.memory_space<semaphore_mem>>)
    %dma_start3A_117 = arith.constant 0 : i32
    %dma_start3A_118 = arith.constant 0 : i32
    %dma_start3A_119 = tpu.memref_slice %arg12[%dma_start3A_117, %dma_start3A_118] : memref<4x128xi32, #tpu.memory_space<vmem>> -> memref<1x128xi32, #tpu.memory_space<vmem>>
    %dma_start3A_120 = tpu.memref_squeeze %dma_start3A_119 : memref<1x128xi32, #tpu.memory_space<vmem>> -> memref<128xi32, #tpu.memory_space<vmem>>
    %dma_start3A_121 = arith.constant 0 : i32
    %dma_start3A_122 = tpu.memref_slice %arg10[%dma_start3A_121] : memref<300032xf32, #tpu.memory_space<hbm>> -> memref<300032xf32, #tpu.memory_space<hbm>>
    tpu.enqueue_indirect_dma source(%dma_start3A_122 : memref<300032xf32, #tpu.memory_space<hbm>>) target(%arg21 : memref<128xf32, #tpu.memory_space<vmem>>) offsets(%dma_start3A_120 : memref<128xi32, #tpu.memory_space<vmem>>) semaphore(%arg30 : memref<!tpu.dma_semaphore, #tpu.memory_space<semaphore_mem>>)
    %dma_start3A_123 = arith.constant 0 : i32
    %dma_start3A_124 = arith.constant 0 : i32
    %dma_start3A_125 = tpu.memref_slice %arg14[%dma_start3A_123, %dma_start3A_124] : memref<4x128xi32, #tpu.memory_space<vmem>> -> memref<1x128xi32, #tpu.memory_space<vmem>>
    %dma_start3A_126 = tpu.memref_squeeze %dma_start3A_125 : memref<1x128xi32, #tpu.memory_space<vmem>> -> memref<128xi32, #tpu.memory_space<vmem>>
    %dma_start3A_127 = arith.constant 0 : i32
    %dma_start3A_128 = tpu.memref_slice %arg10[%dma_start3A_127] : memref<300032xf32, #tpu.memory_space<hbm>> -> memref<300032xf32, #tpu.memory_space<hbm>>
    tpu.enqueue_indirect_dma source(%dma_start3A_128 : memref<300032xf32, #tpu.memory_space<hbm>>) target(%arg22 : memref<128xf32, #tpu.memory_space<vmem>>) offsets(%dma_start3A_126 : memref<128xi32, #tpu.memory_space<vmem>>) semaphore(%arg30 : memref<!tpu.dma_semaphore, #tpu.memory_space<semaphore_mem>>)
    %dma_start3A_129 = arith.constant 0 : i32
    %dma_start3A_130 = arith.constant 0 : i32
    %dma_start3A_131 = tpu.memref_slice %arg15[%dma_start3A_129, %dma_start3A_130] : memref<4x128xi32, #tpu.memory_space<vmem>> -> memref<1x128xi32, #tpu.memory_space<vmem>>
    %dma_start3A_132 = tpu.memref_squeeze %dma_start3A_131 : memref<1x128xi32, #tpu.memory_space<vmem>> -> memref<128xi32, #tpu.memory_space<vmem>>
    %dma_start3A_133 = arith.constant 0 : i32
    %dma_start3A_134 = tpu.memref_slice %arg10[%dma_start3A_133] : memref<300032xf32, #tpu.memory_space<hbm>> -> memref<300032xf32, #tpu.memory_space<hbm>>
    tpu.enqueue_indirect_dma source(%dma_start3A_134 : memref<300032xf32, #tpu.memory_space<hbm>>) target(%arg23 : memref<128xf32, #tpu.memory_space<vmem>>) offsets(%dma_start3A_132 : memref<128xi32, #tpu.memory_space<vmem>>) semaphore(%arg30 : memref<!tpu.dma_semaphore, #tpu.memory_space<semaphore_mem>>)
    %dma_start3A_135 = arith.constant 1 : i32
    %dma_start3A_136 = arith.constant 0 : i32
    %dma_start3A_137 = tpu.memref_slice %arg12[%dma_start3A_135, %dma_start3A_136] : memref<4x128xi32, #tpu.memory_space<vmem>> -> memref<1x128xi32, #tpu.memory_space<vmem>>
    %dma_start3A_138 = tpu.memref_squeeze %dma_start3A_137 : memref<1x128xi32, #tpu.memory_space<vmem>> -> memref<128xi32, #tpu.memory_space<vmem>>
    %dma_start3A_139 = arith.constant 0 : i32
    %dma_start3A_140 = arith.constant 0 : i32
    %dma_start3A_141 = tpu.memref_slice %arg8[%dma_start3A_139, %dma_start3A_140] : memref<100000x128xf32, #tpu.memory_space<hbm>> -> memref<100000x128xf32, #tpu.memory_space<hbm>>
    tpu.enqueue_indirect_dma source(%dma_start3A_141 : memref<100000x128xf32, #tpu.memory_space<hbm>>) target(%arg24 : memref<128x128xf32, #tpu.memory_space<vmem>>) offsets(%dma_start3A_138 : memref<128xi32, #tpu.memory_space<vmem>>) semaphore(%arg31 : memref<!tpu.dma_semaphore, #tpu.memory_space<semaphore_mem>>)
    %dma_start3A_142 = arith.constant 1 : i32
    %dma_start3A_143 = arith.constant 0 : i32
    %dma_start3A_144 = tpu.memref_slice %arg13[%dma_start3A_142, %dma_start3A_143] : memref<4x128xi32, #tpu.memory_space<vmem>> -> memref<1x128xi32, #tpu.memory_space<vmem>>
    %dma_start3A_145 = tpu.memref_squeeze %dma_start3A_144 : memref<1x128xi32, #tpu.memory_space<vmem>> -> memref<128xi32, #tpu.memory_space<vmem>>
    %dma_start3A_146 = arith.constant 0 : i32
    %dma_start3A_147 = arith.constant 0 : i32
    %dma_start3A_148 = tpu.memref_slice %arg9[%dma_start3A_146, %dma_start3A_147] : memref<100000x128xf32, #tpu.memory_space<hbm>> -> memref<100000x128xf32, #tpu.memory_space<hbm>>
    tpu.enqueue_indirect_dma source(%dma_start3A_148 : memref<100000x128xf32, #tpu.memory_space<hbm>>) target(%arg25 : memref<128x128xf32, #tpu.memory_space<vmem>>) offsets(%dma_start3A_145 : memref<128xi32, #tpu.memory_space<vmem>>) semaphore(%arg31 : memref<!tpu.dma_semaphore, #tpu.memory_space<semaphore_mem>>)
    %dma_start3A_149 = arith.constant 1 : i32
    %dma_start3A_150 = arith.constant 0 : i32
    %dma_start3A_151 = tpu.memref_slice %arg12[%dma_start3A_149, %dma_start3A_150] : memref<4x128xi32, #tpu.memory_space<vmem>> -> memref<1x128xi32, #tpu.memory_space<vmem>>
    %dma_start3A_152 = tpu.memref_squeeze %dma_start3A_151 : memref<1x128xi32, #tpu.memory_space<vmem>> -> memref<128xi32, #tpu.memory_space<vmem>>
    %dma_start3A_153 = arith.constant 0 : i32
    %dma_start3A_154 = tpu.memref_slice %arg10[%dma_start3A_153] : memref<300032xf32, #tpu.memory_space<hbm>> -> memref<300032xf32, #tpu.memory_space<hbm>>
    tpu.enqueue_indirect_dma source(%dma_start3A_154 : memref<300032xf32, #tpu.memory_space<hbm>>) target(%arg26 : memref<128xf32, #tpu.memory_space<vmem>>) offsets(%dma_start3A_152 : memref<128xi32, #tpu.memory_space<vmem>>) semaphore(%arg31 : memref<!tpu.dma_semaphore, #tpu.memory_space<semaphore_mem>>)
    %dma_start3A_155 = arith.constant 1 : i32
    %dma_start3A_156 = arith.constant 0 : i32
    %dma_start3A_157 = tpu.memref_slice %arg14[%dma_start3A_155, %dma_start3A_156] : memref<4x128xi32, #tpu.memory_space<vmem>> -> memref<1x128xi32, #tpu.memory_space<vmem>>
    %dma_start3A_158 = tpu.memref_squeeze %dma_start3A_157 : memref<1x128xi32, #tpu.memory_space<vmem>> -> memref<128xi32, #tpu.memory_space<vmem>>
    %dma_start3A_159 = arith.constant 0 : i32
    %dma_start3A_160 = tpu.memref_slice %arg10[%dma_start3A_159] : memref<300032xf32, #tpu.memory_space<hbm>> -> memref<300032xf32, #tpu.memory_space<hbm>>
    tpu.enqueue_indirect_dma source(%dma_start3A_160 : memref<300032xf32, #tpu.memory_space<hbm>>) target(%arg27 : memref<128xf32, #tpu.memory_space<vmem>>) offsets(%dma_start3A_158 : memref<128xi32, #tpu.memory_space<vmem>>) semaphore(%arg31 : memref<!tpu.dma_semaphore, #tpu.memory_space<semaphore_mem>>)
    %dma_start3A_161 = arith.constant 1 : i32
    %dma_start3A_162 = arith.constant 0 : i32
    %dma_start3A_163 = tpu.memref_slice %arg15[%dma_start3A_161, %dma_start3A_162] : memref<4x128xi32, #tpu.memory_space<vmem>> -> memref<1x128xi32, #tpu.memory_space<vmem>>
    %dma_start3A_164 = tpu.memref_squeeze %dma_start3A_163 : memref<1x128xi32, #tpu.memory_space<vmem>> -> memref<128xi32, #tpu.memory_space<vmem>>
    %dma_start3A_165 = arith.constant 0 : i32
    %dma_start3A_166 = tpu.memref_slice %arg10[%dma_start3A_165] : memref<300032xf32, #tpu.memory_space<hbm>> -> memref<300032xf32, #tpu.memory_space<hbm>>
    tpu.enqueue_indirect_dma source(%dma_start3A_166 : memref<300032xf32, #tpu.memory_space<hbm>>) target(%arg28 : memref<128xf32, #tpu.memory_space<vmem>>) offsets(%dma_start3A_164 : memref<128xi32, #tpu.memory_space<vmem>>) semaphore(%arg31 : memref<!tpu.dma_semaphore, #tpu.memory_space<semaphore_mem>>)
    %dma_wait3A_167 = arith.constant 0 : i32
    %dma_wait3A_168 = arith.constant 0 : i32
    %dma_wait3A_169 = tpu.memref_slice %arg12[%dma_wait3A_167, %dma_wait3A_168] : memref<4x128xi32, #tpu.memory_space<vmem>> -> memref<1x128xi32, #tpu.memory_space<vmem>>
    %dma_wait3A_170 = tpu.memref_squeeze %dma_wait3A_169 : memref<1x128xi32, #tpu.memory_space<vmem>> -> memref<128xi32, #tpu.memory_space<vmem>>
    %dma_wait3A_171 = arith.constant 0 : i32
    %dma_wait3A_172 = arith.constant 0 : i32
    %dma_wait3A_173 = tpu.memref_slice %arg8[%dma_wait3A_171, %dma_wait3A_172] : memref<100000x128xf32, #tpu.memory_space<hbm>> -> memref<100000x128xf32, #tpu.memory_space<hbm>>
    tpu.wait_indirect_dma semaphore(%arg30 : memref<!tpu.dma_semaphore, #tpu.memory_space<semaphore_mem>>) src(%dma_wait3A_173 : memref<100000x128xf32, #tpu.memory_space<hbm>>) dst(%arg19 : memref<128x128xf32, #tpu.memory_space<vmem>>)
    %dma_wait3A_174 = arith.constant 0 : i32
    %dma_wait3A_175 = arith.constant 0 : i32
    %dma_wait3A_176 = tpu.memref_slice %arg13[%dma_wait3A_174, %dma_wait3A_175] : memref<4x128xi32, #tpu.memory_space<vmem>> -> memref<1x128xi32, #tpu.memory_space<vmem>>
    %dma_wait3A_177 = tpu.memref_squeeze %dma_wait3A_176 : memref<1x128xi32, #tpu.memory_space<vmem>> -> memref<128xi32, #tpu.memory_space<vmem>>
    %dma_wait3A_178 = arith.constant 0 : i32
    %dma_wait3A_179 = arith.constant 0 : i32
    %dma_wait3A_180 = tpu.memref_slice %arg9[%dma_wait3A_178, %dma_wait3A_179] : memref<100000x128xf32, #tpu.memory_space<hbm>> -> memref<100000x128xf32, #tpu.memory_space<hbm>>
    tpu.wait_indirect_dma semaphore(%arg30 : memref<!tpu.dma_semaphore, #tpu.memory_space<semaphore_mem>>) src(%dma_wait3A_180 : memref<100000x128xf32, #tpu.memory_space<hbm>>) dst(%arg20 : memref<128x128xf32, #tpu.memory_space<vmem>>)
    %dma_wait3A_181 = arith.constant 0 : i32
    %dma_wait3A_182 = arith.constant 0 : i32
    %dma_wait3A_183 = tpu.memref_slice %arg12[%dma_wait3A_181, %dma_wait3A_182] : memref<4x128xi32, #tpu.memory_space<vmem>> -> memref<1x128xi32, #tpu.memory_space<vmem>>
    %dma_wait3A_184 = tpu.memref_squeeze %dma_wait3A_183 : memref<1x128xi32, #tpu.memory_space<vmem>> -> memref<128xi32, #tpu.memory_space<vmem>>
    %dma_wait3A_185 = arith.constant 0 : i32
    %dma_wait3A_186 = tpu.memref_slice %arg10[%dma_wait3A_185] : memref<300032xf32, #tpu.memory_space<hbm>> -> memref<300032xf32, #tpu.memory_space<hbm>>
    tpu.wait_indirect_dma semaphore(%arg30 : memref<!tpu.dma_semaphore, #tpu.memory_space<semaphore_mem>>) src(%dma_wait3A_186 : memref<300032xf32, #tpu.memory_space<hbm>>) dst(%arg21 : memref<128xf32, #tpu.memory_space<vmem>>)
    %dma_wait3A_187 = arith.constant 0 : i32
    %dma_wait3A_188 = arith.constant 0 : i32
    %dma_wait3A_189 = tpu.memref_slice %arg14[%dma_wait3A_187, %dma_wait3A_188] : memref<4x128xi32, #tpu.memory_space<vmem>> -> memref<1x128xi32, #tpu.memory_space<vmem>>
    %dma_wait3A_190 = tpu.memref_squeeze %dma_wait3A_189 : memref<1x128xi32, #tpu.memory_space<vmem>> -> memref<128xi32, #tpu.memory_space<vmem>>
    %dma_wait3A_191 = arith.constant 0 : i32
    %dma_wait3A_192 = tpu.memref_slice %arg10[%dma_wait3A_191] : memref<300032xf32, #tpu.memory_space<hbm>> -> memref<300032xf32, #tpu.memory_space<hbm>>
    tpu.wait_indirect_dma semaphore(%arg30 : memref<!tpu.dma_semaphore, #tpu.memory_space<semaphore_mem>>) src(%dma_wait3A_192 : memref<300032xf32, #tpu.memory_space<hbm>>) dst(%arg22 : memref<128xf32, #tpu.memory_space<vmem>>)
    %dma_wait3A_193 = arith.constant 0 : i32
    %dma_wait3A_194 = arith.constant 0 : i32
    %dma_wait3A_195 = tpu.memref_slice %arg15[%dma_wait3A_193, %dma_wait3A_194] : memref<4x128xi32, #tpu.memory_space<vmem>> -> memref<1x128xi32, #tpu.memory_space<vmem>>
    %dma_wait3A_196 = tpu.memref_squeeze %dma_wait3A_195 : memref<1x128xi32, #tpu.memory_space<vmem>> -> memref<128xi32, #tpu.memory_space<vmem>>
    %dma_wait3A_197 = arith.constant 0 : i32
    %dma_wait3A_198 = tpu.memref_slice %arg10[%dma_wait3A_197] : memref<300032xf32, #tpu.memory_space<hbm>> -> memref<300032xf32, #tpu.memory_space<hbm>>
    tpu.wait_indirect_dma semaphore(%arg30 : memref<!tpu.dma_semaphore, #tpu.memory_space<semaphore_mem>>) src(%dma_wait3A_198 : memref<300032xf32, #tpu.memory_space<hbm>>) dst(%arg23 : memref<128xf32, #tpu.memory_space<vmem>>)
    %scan3A = arith.constant 0 : i32
    %scan3A_199 = arith.constant 8 : i32
    %scan3A_200 = arith.addi %scan3A, %scan3A_199 : i32
    %scan3A_201 = arith.constant 1 : i32
    scf.for %scan3A_378 = %scan3A to %scan3A_200 step %scan3A_201  : i32 {
      %mul3A_379 = arith.constant 1 : i32
      %mul3A_380 = arith.muli %scan3A_378, %mul3A_379 : i32
      %add3A_381 = arith.constant 0 : i32
      %add3A_382 = arith.addi %add3A_381, %mul3A_380 : i32
      %mul3A_383 = arith.constant 16 : i32
      %mul3A_384 = arith.muli %add3A_382, %mul3A_383 : i32
      %broadcast_in_dim3A = arith.constant 0.000000e+00 : f32
      %broadcast_in_dim3A_385 = vector.broadcast %broadcast_in_dim3A : f32 to vector<16xf32>
      %scan3A_386 = arith.constant 0 : i32
      %scan3A_387 = arith.constant 4 : i32
      %scan3A_388 = arith.addi %scan3A_386, %scan3A_387 : i32
      %scan3A_389 = arith.constant 1 : i32
      %scan3A_390 = scf.for %scan3A_416 = %scan3A_386 to %scan3A_388 step %scan3A_389 iter_args(%scan3A_417 = %broadcast_in_dim3A_385) -> (vector<16xf32>)  : i32 {
        %mul3A_418 = arith.constant 4 : i32
        %mul3A_419 = arith.muli %scan3A_416, %mul3A_418 : i32
        %add3A_420 = arith.addi %mul3A_384, %mul3A_419 : i32
        %add3A_421 = arith.constant 0 : i32
        %add3A_422 = arith.addi %add3A_420, %add3A_421 : i32
        %get3A_423 = arith.index_cast %add3A_422 : i32 to index
        %get3A_424 = arith.constant 0 : index
        %get3A_425 = tpu.vector_load %arg19[%get3A_423, %get3A_424] {strides = array<i32>} : memref<128x128xf32, #tpu.memory_space<vmem>>, vector<16xf32>,
        %get3A_426 = arith.index_cast %add3A_422 : i32 to index
        %get3A_427 = arith.constant 0 : index
        %get3A_428 = tpu.vector_load %arg20[%get3A_426, %get3A_427] {strides = array<i32>} : memref<128x128xf32, #tpu.memory_space<vmem>>, vector<16xf32>,
        %mul3A_429 = arith.mulf %get3A_425, %get3A_428 : vector<16xf32>
        %get3A_430 = arith.index_cast %add3A_422 : i32 to index
        %get3A_431 = arith.constant 16 : index
        %get3A_432 = tpu.vector_load %arg19[%get3A_430, %get3A_431] {strides = array<i32>} : memref<128x128xf32, #tpu.memory_space<vmem>>, vector<16xf32>,
        %get3A_433 = arith.index_cast %add3A_422 : i32 to index
        %get3A_434 = arith.constant 16 : index
        %get3A_435 = tpu.vector_load %arg20[%get3A_433, %get3A_434] {strides = array<i32>} : memref<128x128xf32, #tpu.memory_space<vmem>>, vector<16xf32>,
        %mul3A_436 = arith.mulf %get3A_432, %get3A_435 : vector<16xf32>
        %get3A_437 = arith.index_cast %add3A_422 : i32 to index
        %get3A_438 = arith.constant 32 : index
        %get3A_439 = tpu.vector_load %arg19[%get3A_437, %get3A_438] {strides = array<i32>} : memref<128x128xf32, #tpu.memory_space<vmem>>, vector<16xf32>,
        %get3A_440 = arith.index_cast %add3A_422 : i32 to index
        %get3A_441 = arith.constant 32 : index
        %get3A_442 = tpu.vector_load %arg20[%get3A_440, %get3A_441] {strides = array<i32>} : memref<128x128xf32, #tpu.memory_space<vmem>>, vector<16xf32>,
        %mul3A_443 = arith.mulf %get3A_439, %get3A_442 : vector<16xf32>
        %get3A_444 = arith.index_cast %add3A_422 : i32 to index
        %get3A_445 = arith.constant 48 : index
        %get3A_446 = tpu.vector_load %arg19[%get3A_444, %get3A_445] {strides = array<i32>} : memref<128x128xf32, #tpu.memory_space<vmem>>, vector<16xf32>,
        %get3A_447 = arith.index_cast %add3A_422 : i32 to index
        %get3A_448 = arith.constant 48 : index
        %get3A_449 = tpu.vector_load %arg20[%get3A_447, %get3A_448] {strides = array<i32>} : memref<128x128xf32, #tpu.memory_space<vmem>>, vector<16xf32>,
        %mul3A_450 = arith.mulf %get3A_446, %get3A_449 : vector<16xf32>
        %get3A_451 = arith.index_cast %add3A_422 : i32 to index
        %get3A_452 = arith.constant 64 : index
        %get3A_453 = tpu.vector_load %arg19[%get3A_451, %get3A_452] {strides = array<i32>} : memref<128x128xf32, #tpu.memory_space<vmem>>, vector<16xf32>,
        %get3A_454 = arith.index_cast %add3A_422 : i32 to index
        %get3A_455 = arith.constant 64 : index
        %get3A_456 = tpu.vector_load %arg20[%get3A_454, %get3A_455] {strides = array<i32>} : memref<128x128xf32, #tpu.memory_space<vmem>>, vector<16xf32>,
        %mul3A_457 = arith.mulf %get3A_453, %get3A_456 : vector<16xf32>
        %get3A_458 = arith.index_cast %add3A_422 : i32 to index
        %get3A_459 = arith.constant 80 : index
        %get3A_460 = tpu.vector_load %arg19[%get3A_458, %get3A_459] {strides = array<i32>} : memref<128x128xf32, #tpu.memory_space<vmem>>, vector<16xf32>,
        %get3A_461 = arith.index_cast %add3A_422 : i32 to index
        %get3A_462 = arith.constant 80 : index
        %get3A_463 = tpu.vector_load %arg20[%get3A_461, %get3A_462] {strides = array<i32>} : memref<128x128xf32, #tpu.memory_space<vmem>>, vector<16xf32>,
        %mul3A_464 = arith.mulf %get3A_460, %get3A_463 : vector<16xf32>
        %get3A_465 = arith.index_cast %add3A_422 : i32 to index
        %get3A_466 = arith.constant 96 : index
        %get3A_467 = tpu.vector_load %arg19[%get3A_465, %get3A_466] {strides = array<i32>} : memref<128x128xf32, #tpu.memory_space<vmem>>, vector<16xf32>,
        %get3A_468 = arith.index_cast %add3A_422 : i32 to index
        %get3A_469 = arith.constant 96 : index
        %get3A_470 = tpu.vector_load %arg20[%get3A_468, %get3A_469] {strides = array<i32>} : memref<128x128xf32, #tpu.memory_space<vmem>>, vector<16xf32>,
        %mul3A_471 = arith.mulf %get3A_467, %get3A_470 : vector<16xf32>
        %get3A_472 = arith.index_cast %add3A_422 : i32 to index
        %get3A_473 = arith.constant 112 : index
        %get3A_474 = tpu.vector_load %arg19[%get3A_472, %get3A_473] {strides = array<i32>} : memref<128x128xf32, #tpu.memory_space<vmem>>, vector<16xf32>,
        %get3A_475 = arith.index_cast %add3A_422 : i32 to index
        %get3A_476 = arith.constant 112 : index
        %get3A_477 = tpu.vector_load %arg20[%get3A_475, %get3A_476] {strides = array<i32>} : memref<128x128xf32, #tpu.memory_space<vmem>>, vector<16xf32>,
        %mul3A_478 = arith.mulf %get3A_474, %get3A_477 : vector<16xf32>
        %add3A_479 = arith.addf %mul3A_429, %mul3A_436 : vector<16xf32>
        %add3A_480 = arith.addf %mul3A_443, %mul3A_450 : vector<16xf32>
        %add3A_481 = arith.addf %mul3A_457, %mul3A_464 : vector<16xf32>
        %add3A_482 = arith.addf %mul3A_471, %mul3A_478 : vector<16xf32>
        %add3A_483 = arith.addf %add3A_479, %add3A_480 : vector<16xf32>
        %add3A_484 = arith.addf %add3A_481, %add3A_482 : vector<16xf32>
        %add3A_485 = arith.addf %add3A_483, %add3A_484 : vector<16xf32>
        %mul3A_486 = arith.constant 4 : i32
        %mul3A_487 = arith.muli %scan3A_416, %mul3A_486 : i32
        %add3A_488 = arith.constant 0 : i32
        %add3A_489 = arith.addi %mul3A_487, %add3A_488 : i32
        %eq3A = vector.broadcast %add3A_489 : i32 to vector<16xi32>
        %eq3A_490 = arith.cmpi eq, %iota3A, %eq3A : vector<16xi32>
        %reduce_sum3A = arith.constant true
        %reduce_sum3A_491 = vector.broadcast %reduce_sum3A : i1 to vector<16xi1>
        %reduce_sum3A_492 = tpu.scan <sum>, %add3A_485 masked %reduce_sum3A_491 : vector<16xf32>, vector<16xi1> -> vector<16xf32>
        %reduce_sum3A_493 = vector.extract %reduce_sum3A_492[15] : f32 from vector<16xf32>
        %broadcast_in_dim3A_494 = vector.broadcast %reduce_sum3A_493 : f32 to vector<16xf32>
        %select_n3A = arith.select %eq3A_490, %broadcast_in_dim3A_494, %scan3A_417 : vector<16xi1>, vector<16xf32>
        %mul3A_495 = arith.constant 4 : i32
        %mul3A_496 = arith.muli %scan3A_416, %mul3A_495 : i32
        %add3A_497 = arith.addi %mul3A_384, %mul3A_496 : i32
        %add3A_498 = arith.constant 1 : i32
        %add3A_499 = arith.addi %add3A_497, %add3A_498 : i32
        %get3A_500 = arith.index_cast %add3A_499 : i32 to index
        %get3A_501 = arith.constant 0 : index
        %get3A_502 = tpu.vector_load %arg19[%get3A_500, %get3A_501] {strides = array<i32>} : memref<128x128xf32, #tpu.memory_space<vmem>>, vector<16xf32>,
        %get3A_503 = arith.index_cast %add3A_499 : i32 to index
        %get3A_504 = arith.constant 0 : index
        %get3A_505 = tpu.vector_load %arg20[%get3A_503, %get3A_504] {strides = array<i32>} : memref<128x128xf32, #tpu.memory_space<vmem>>, vector<16xf32>,
        %mul3A_506 = arith.mulf %get3A_502, %get3A_505 : vector<16xf32>
        %get3A_507 = arith.index_cast %add3A_499 : i32 to index
        %get3A_508 = arith.constant 16 : index
        %get3A_509 = tpu.vector_load %arg19[%get3A_507, %get3A_508] {strides = array<i32>} : memref<128x128xf32, #tpu.memory_space<vmem>>, vector<16xf32>,
        %get3A_510 = arith.index_cast %add3A_499 : i32 to index
        %get3A_511 = arith.constant 16 : index
        %get3A_512 = tpu.vector_load %arg20[%get3A_510, %get3A_511] {strides = array<i32>} : memref<128x128xf32, #tpu.memory_space<vmem>>, vector<16xf32>,
        %mul3A_513 = arith.mulf %get3A_509, %get3A_512 : vector<16xf32>
        %get3A_514 = arith.index_cast %add3A_499 : i32 to index
        %get3A_515 = arith.constant 32 : index
        %get3A_516 = tpu.vector_load %arg19[%get3A_514, %get3A_515] {strides = array<i32>} : memref<128x128xf32, #tpu.memory_space<vmem>>, vector<16xf32>,
        %get3A_517 = arith.index_cast %add3A_499 : i32 to index
        %get3A_518 = arith.constant 32 : index
        %get3A_519 = tpu.vector_load %arg20[%get3A_517, %get3A_518] {strides = array<i32>} : memref<128x128xf32, #tpu.memory_space<vmem>>, vector<16xf32>,
        %mul3A_520 = arith.mulf %get3A_516, %get3A_519 : vector<16xf32>
        %get3A_521 = arith.index_cast %add3A_499 : i32 to index
        %get3A_522 = arith.constant 48 : index
        %get3A_523 = tpu.vector_load %arg19[%get3A_521, %get3A_522] {strides = array<i32>} : memref<128x128xf32, #tpu.memory_space<vmem>>, vector<16xf32>,
        %get3A_524 = arith.index_cast %add3A_499 : i32 to index
        %get3A_525 = arith.constant 48 : index
        %get3A_526 = tpu.vector_load %arg20[%get3A_524, %get3A_525] {strides = array<i32>} : memref<128x128xf32, #tpu.memory_space<vmem>>, vector<16xf32>,
        %mul3A_527 = arith.mulf %get3A_523, %get3A_526 : vector<16xf32>
        %get3A_528 = arith.index_cast %add3A_499 : i32 to index
        %get3A_529 = arith.constant 64 : index
        %get3A_530 = tpu.vector_load %arg19[%get3A_528, %get3A_529] {strides = array<i32>} : memref<128x128xf32, #tpu.memory_space<vmem>>, vector<16xf32>,
        %get3A_531 = arith.index_cast %add3A_499 : i32 to index
        %get3A_532 = arith.constant 64 : index
        %get3A_533 = tpu.vector_load %arg20[%get3A_531, %get3A_532] {strides = array<i32>} : memref<128x128xf32, #tpu.memory_space<vmem>>, vector<16xf32>,
        %mul3A_534 = arith.mulf %get3A_530, %get3A_533 : vector<16xf32>
        %get3A_535 = arith.index_cast %add3A_499 : i32 to index
        %get3A_536 = arith.constant 80 : index
        %get3A_537 = tpu.vector_load %arg19[%get3A_535, %get3A_536] {strides = array<i32>} : memref<128x128xf32, #tpu.memory_space<vmem>>, vector<16xf32>,
        %get3A_538 = arith.index_cast %add3A_499 : i32 to index
        %get3A_539 = arith.constant 80 : index
        %get3A_540 = tpu.vector_load %arg20[%get3A_538, %get3A_539] {strides = array<i32>} : memref<128x128xf32, #tpu.memory_space<vmem>>, vector<16xf32>,
        %mul3A_541 = arith.mulf %get3A_537, %get3A_540 : vector<16xf32>
        %get3A_542 = arith.index_cast %add3A_499 : i32 to index
        %get3A_543 = arith.constant 96 : index
        %get3A_544 = tpu.vector_load %arg19[%get3A_542, %get3A_543] {strides = array<i32>} : memref<128x128xf32, #tpu.memory_space<vmem>>, vector<16xf32>,
        %get3A_545 = arith.index_cast %add3A_499 : i32 to index
        %get3A_546 = arith.constant 96 : index
        %get3A_547 = tpu.vector_load %arg20[%get3A_545, %get3A_546] {strides = array<i32>} : memref<128x128xf32, #tpu.memory_space<vmem>>, vector<16xf32>,
        %mul3A_548 = arith.mulf %get3A_544, %get3A_547 : vector<16xf32>
        %get3A_549 = arith.index_cast %add3A_499 : i32 to index
        %get3A_550 = arith.constant 112 : index
        %get3A_551 = tpu.vector_load %arg19[%get3A_549, %get3A_550] {strides = array<i32>} : memref<128x128xf32, #tpu.memory_space<vmem>>, vector<16xf32>,
        %get3A_552 = arith.index_cast %add3A_499 : i32 to index
        %get3A_553 = arith.constant 112 : index
        %get3A_554 = tpu.vector_load %arg20[%get3A_552, %get3A_553] {strides = array<i32>} : memref<128x128xf32, #tpu.memory_space<vmem>>, vector<16xf32>,
        %mul3A_555 = arith.mulf %get3A_551, %get3A_554 : vector<16xf32>
        %add3A_556 = arith.addf %mul3A_506, %mul3A_513 : vector<16xf32>
        %add3A_557 = arith.addf %mul3A_520, %mul3A_527 : vector<16xf32>
        %add3A_558 = arith.addf %mul3A_534, %mul3A_541 : vector<16xf32>
        %add3A_559 = arith.addf %mul3A_548, %mul3A_555 : vector<16xf32>
        %add3A_560 = arith.addf %add3A_556, %add3A_557 : vector<16xf32>
        %add3A_561 = arith.addf %add3A_558, %add3A_559 : vector<16xf32>
        %add3A_562 = arith.addf %add3A_560, %add3A_561 : vector<16xf32>
        %mul3A_563 = arith.constant 4 : i32
        %mul3A_564 = arith.muli %scan3A_416, %mul3A_563 : i32
        %add3A_565 = arith.constant 1 : i32
        %add3A_566 = arith.addi %mul3A_564, %add3A_565 : i32
        %eq3A_567 = vector.broadcast %add3A_566 : i32 to vector<16xi32>
        %eq3A_568 = arith.cmpi eq, %iota3A, %eq3A_567 : vector<16xi32>
        %reduce_sum3A_569 = arith.constant true
        %reduce_sum3A_570 = vector.broadcast %reduce_sum3A_569 : i1 to vector<16xi1>
        %reduce_sum3A_571 = tpu.scan <sum>, %add3A_562 masked %reduce_sum3A_570 : vector<16xf32>, vector<16xi1> -> vector<16xf32>
        %reduce_sum3A_572 = vector.extract %reduce_sum3A_571[15] : f32 from vector<16xf32>
        %broadcast_in_dim3A_573 = vector.broadcast %reduce_sum3A_572 : f32 to vector<16xf32>
        %select_n3A_574 = arith.select %eq3A_568, %broadcast_in_dim3A_573, %select_n3A : vector<16xi1>, vector<16xf32>
        %mul3A_575 = arith.constant 4 : i32
        %mul3A_576 = arith.muli %scan3A_416, %mul3A_575 : i32
        %add3A_577 = arith.addi %mul3A_384, %mul3A_576 : i32
        %add3A_578 = arith.constant 2 : i32
        %add3A_579 = arith.addi %add3A_577, %add3A_578 : i32
        %get3A_580 = arith.index_cast %add3A_579 : i32 to index
        %get3A_581 = arith.constant 0 : index
        %get3A_582 = tpu.vector_load %arg19[%get3A_580, %get3A_581] {strides = array<i32>} : memref<128x128xf32, #tpu.memory_space<vmem>>, vector<16xf32>,
        %get3A_583 = arith.index_cast %add3A_579 : i32 to index
        %get3A_584 = arith.constant 0 : index
        %get3A_585 = tpu.vector_load %arg20[%get3A_583, %get3A_584] {strides = array<i32>} : memref<128x128xf32, #tpu.memory_space<vmem>>, vector<16xf32>,
        %mul3A_586 = arith.mulf %get3A_582, %get3A_585 : vector<16xf32>
        %get3A_587 = arith.index_cast %add3A_579 : i32 to index
        %get3A_588 = arith.constant 16 : index
        %get3A_589 = tpu.vector_load %arg19[%get3A_587, %get3A_588] {strides = array<i32>} : memref<128x128xf32, #tpu.memory_space<vmem>>, vector<16xf32>,
        %get3A_590 = arith.index_cast %add3A_579 : i32 to index
        %get3A_591 = arith.constant 16 : index
        %get3A_592 = tpu.vector_load %arg20[%get3A_590, %get3A_591] {strides = array<i32>} : memref<128x128xf32, #tpu.memory_space<vmem>>, vector<16xf32>,
        %mul3A_593 = arith.mulf %get3A_589, %get3A_592 : vector<16xf32>
        %get3A_594 = arith.index_cast %add3A_579 : i32 to index
        %get3A_595 = arith.constant 32 : index
        %get3A_596 = tpu.vector_load %arg19[%get3A_594, %get3A_595] {strides = array<i32>} : memref<128x128xf32, #tpu.memory_space<vmem>>, vector<16xf32>,
        %get3A_597 = arith.index_cast %add3A_579 : i32 to index
        %get3A_598 = arith.constant 32 : index
        %get3A_599 = tpu.vector_load %arg20[%get3A_597, %get3A_598] {strides = array<i32>} : memref<128x128xf32, #tpu.memory_space<vmem>>, vector<16xf32>,
        %mul3A_600 = arith.mulf %get3A_596, %get3A_599 : vector<16xf32>
        %get3A_601 = arith.index_cast %add3A_579 : i32 to index
        %get3A_602 = arith.constant 48 : index
        %get3A_603 = tpu.vector_load %arg19[%get3A_601, %get3A_602] {strides = array<i32>} : memref<128x128xf32, #tpu.memory_space<vmem>>, vector<16xf32>,
        %get3A_604 = arith.index_cast %add3A_579 : i32 to index
        %get3A_605 = arith.constant 48 : index
        %get3A_606 = tpu.vector_load %arg20[%get3A_604, %get3A_605] {strides = array<i32>} : memref<128x128xf32, #tpu.memory_space<vmem>>, vector<16xf32>,
        %mul3A_607 = arith.mulf %get3A_603, %get3A_606 : vector<16xf32>
        %get3A_608 = arith.index_cast %add3A_579 : i32 to index
        %get3A_609 = arith.constant 64 : index
        %get3A_610 = tpu.vector_load %arg19[%get3A_608, %get3A_609] {strides = array<i32>} : memref<128x128xf32, #tpu.memory_space<vmem>>, vector<16xf32>,
        %get3A_611 = arith.index_cast %add3A_579 : i32 to index
        %get3A_612 = arith.constant 64 : index
        %get3A_613 = tpu.vector_load %arg20[%get3A_611, %get3A_612] {strides = array<i32>} : memref<128x128xf32, #tpu.memory_space<vmem>>, vector<16xf32>,
        %mul3A_614 = arith.mulf %get3A_610, %get3A_613 : vector<16xf32>
        %get3A_615 = arith.index_cast %add3A_579 : i32 to index
        %get3A_616 = arith.constant 80 : index
        %get3A_617 = tpu.vector_load %arg19[%get3A_615, %get3A_616] {strides = array<i32>} : memref<128x128xf32, #tpu.memory_space<vmem>>, vector<16xf32>,
        %get3A_618 = arith.index_cast %add3A_579 : i32 to index
        %get3A_619 = arith.constant 80 : index
        %get3A_620 = tpu.vector_load %arg20[%get3A_618, %get3A_619] {strides = array<i32>} : memref<128x128xf32, #tpu.memory_space<vmem>>, vector<16xf32>,
        %mul3A_621 = arith.mulf %get3A_617, %get3A_620 : vector<16xf32>
        %get3A_622 = arith.index_cast %add3A_579 : i32 to index
        %get3A_623 = arith.constant 96 : index
        %get3A_624 = tpu.vector_load %arg19[%get3A_622, %get3A_623] {strides = array<i32>} : memref<128x128xf32, #tpu.memory_space<vmem>>, vector<16xf32>,
        %get3A_625 = arith.index_cast %add3A_579 : i32 to index
        %get3A_626 = arith.constant 96 : index
        %get3A_627 = tpu.vector_load %arg20[%get3A_625, %get3A_626] {strides = array<i32>} : memref<128x128xf32, #tpu.memory_space<vmem>>, vector<16xf32>,
        %mul3A_628 = arith.mulf %get3A_624, %get3A_627 : vector<16xf32>
        %get3A_629 = arith.index_cast %add3A_579 : i32 to index
        %get3A_630 = arith.constant 112 : index
        %get3A_631 = tpu.vector_load %arg19[%get3A_629, %get3A_630] {strides = array<i32>} : memref<128x128xf32, #tpu.memory_space<vmem>>, vector<16xf32>,
        %get3A_632 = arith.index_cast %add3A_579 : i32 to index
        %get3A_633 = arith.constant 112 : index
        %get3A_634 = tpu.vector_load %arg20[%get3A_632, %get3A_633] {strides = array<i32>} : memref<128x128xf32, #tpu.memory_space<vmem>>, vector<16xf32>,
        %mul3A_635 = arith.mulf %get3A_631, %get3A_634 : vector<16xf32>
        %add3A_636 = arith.addf %mul3A_586, %mul3A_593 : vector<16xf32>
        %add3A_637 = arith.addf %mul3A_600, %mul3A_607 : vector<16xf32>
        %add3A_638 = arith.addf %mul3A_614, %mul3A_621 : vector<16xf32>
        %add3A_639 = arith.addf %mul3A_628, %mul3A_635 : vector<16xf32>
        %add3A_640 = arith.addf %add3A_636, %add3A_637 : vector<16xf32>
        %add3A_641 = arith.addf %add3A_638, %add3A_639 : vector<16xf32>
        %add3A_642 = arith.addf %add3A_640, %add3A_641 : vector<16xf32>
        %mul3A_643 = arith.constant 4 : i32
        %mul3A_644 = arith.muli %scan3A_416, %mul3A_643 : i32
        %add3A_645 = arith.constant 2 : i32
        %add3A_646 = arith.addi %mul3A_644, %add3A_645 : i32
        %eq3A_647 = vector.broadcast %add3A_646 : i32 to vector<16xi32>
        %eq3A_648 = arith.cmpi eq, %iota3A, %eq3A_647 : vector<16xi32>
        %reduce_sum3A_649 = arith.constant true
        %reduce_sum3A_650 = vector.broadcast %reduce_sum3A_649 : i1 to vector<16xi1>
        %reduce_sum3A_651 = tpu.scan <sum>, %add3A_642 masked %reduce_sum3A_650 : vector<16xf32>, vector<16xi1> -> vector<16xf32>
        %reduce_sum3A_652 = vector.extract %reduce_sum3A_651[15] : f32 from vector<16xf32>
        %broadcast_in_dim3A_653 = vector.broadcast %reduce_sum3A_652 : f32 to vector<16xf32>
        %select_n3A_654 = arith.select %eq3A_648, %broadcast_in_dim3A_653, %select_n3A_574 : vector<16xi1>, vector<16xf32>
        %mul3A_655 = arith.constant 4 : i32
        %mul3A_656 = arith.muli %scan3A_416, %mul3A_655 : i32
        %add3A_657 = arith.addi %mul3A_384, %mul3A_656 : i32
        %add3A_658 = arith.constant 3 : i32
        %add3A_659 = arith.addi %add3A_657, %add3A_658 : i32
        %get3A_660 = arith.index_cast %add3A_659 : i32 to index
        %get3A_661 = arith.constant 0 : index
        %get3A_662 = tpu.vector_load %arg19[%get3A_660, %get3A_661] {strides = array<i32>} : memref<128x128xf32, #tpu.memory_space<vmem>>, vector<16xf32>,
        %get3A_663 = arith.index_cast %add3A_659 : i32 to index
        %get3A_664 = arith.constant 0 : index
        %get3A_665 = tpu.vector_load %arg20[%get3A_663, %get3A_664] {strides = array<i32>} : memref<128x128xf32, #tpu.memory_space<vmem>>, vector<16xf32>,
        %mul3A_666 = arith.mulf %get3A_662, %get3A_665 : vector<16xf32>
        %get3A_667 = arith.index_cast %add3A_659 : i32 to index
        %get3A_668 = arith.constant 16 : index
        %get3A_669 = tpu.vector_load %arg19[%get3A_667, %get3A_668] {strides = array<i32>} : memref<128x128xf32, #tpu.memory_space<vmem>>, vector<16xf32>,
        %get3A_670 = arith.index_cast %add3A_659 : i32 to index
        %get3A_671 = arith.constant 16 : index
        %get3A_672 = tpu.vector_load %arg20[%get3A_670, %get3A_671] {strides = array<i32>} : memref<128x128xf32, #tpu.memory_space<vmem>>, vector<16xf32>,
        %mul3A_673 = arith.mulf %get3A_669, %get3A_672 : vector<16xf32>
        %get3A_674 = arith.index_cast %add3A_659 : i32 to index
        %get3A_675 = arith.constant 32 : index
        %get3A_676 = tpu.vector_load %arg19[%get3A_674, %get3A_675] {strides = array<i32>} : memref<128x128xf32, #tpu.memory_space<vmem>>, vector<16xf32>,
        %get3A_677 = arith.index_cast %add3A_659 : i32 to index
        %get3A_678 = arith.constant 32 : index
        %get3A_679 = tpu.vector_load %arg20[%get3A_677, %get3A_678] {strides = array<i32>} : memref<128x128xf32, #tpu.memory_space<vmem>>, vector<16xf32>,
        %mul3A_680 = arith.mulf %get3A_676, %get3A_679 : vector<16xf32>
        %get3A_681 = arith.index_cast %add3A_659 : i32 to index
        %get3A_682 = arith.constant 48 : index
        %get3A_683 = tpu.vector_load %arg19[%get3A_681, %get3A_682] {strides = array<i32>} : memref<128x128xf32, #tpu.memory_space<vmem>>, vector<16xf32>,
        %get3A_684 = arith.index_cast %add3A_659 : i32 to index
        %get3A_685 = arith.constant 48 : index
        %get3A_686 = tpu.vector_load %arg20[%get3A_684, %get3A_685] {strides = array<i32>} : memref<128x128xf32, #tpu.memory_space<vmem>>, vector<16xf32>,
        %mul3A_687 = arith.mulf %get3A_683, %get3A_686 : vector<16xf32>
        %get3A_688 = arith.index_cast %add3A_659 : i32 to index
        %get3A_689 = arith.constant 64 : index
        %get3A_690 = tpu.vector_load %arg19[%get3A_688, %get3A_689] {strides = array<i32>} : memref<128x128xf32, #tpu.memory_space<vmem>>, vector<16xf32>,
        %get3A_691 = arith.index_cast %add3A_659 : i32 to index
        %get3A_692 = arith.constant 64 : index
        %get3A_693 = tpu.vector_load %arg20[%get3A_691, %get3A_692] {strides = array<i32>} : memref<128x128xf32, #tpu.memory_space<vmem>>, vector<16xf32>,
        %mul3A_694 = arith.mulf %get3A_690, %get3A_693 : vector<16xf32>
        %get3A_695 = arith.index_cast %add3A_659 : i32 to index
        %get3A_696 = arith.constant 80 : index
        %get3A_697 = tpu.vector_load %arg19[%get3A_695, %get3A_696] {strides = array<i32>} : memref<128x128xf32, #tpu.memory_space<vmem>>, vector<16xf32>,
        %get3A_698 = arith.index_cast %add3A_659 : i32 to index
        %get3A_699 = arith.constant 80 : index
        %get3A_700 = tpu.vector_load %arg20[%get3A_698, %get3A_699] {strides = array<i32>} : memref<128x128xf32, #tpu.memory_space<vmem>>, vector<16xf32>,
        %mul3A_701 = arith.mulf %get3A_697, %get3A_700 : vector<16xf32>
        %get3A_702 = arith.index_cast %add3A_659 : i32 to index
        %get3A_703 = arith.constant 96 : index
        %get3A_704 = tpu.vector_load %arg19[%get3A_702, %get3A_703] {strides = array<i32>} : memref<128x128xf32, #tpu.memory_space<vmem>>, vector<16xf32>,
        %get3A_705 = arith.index_cast %add3A_659 : i32 to index
        %get3A_706 = arith.constant 96 : index
        %get3A_707 = tpu.vector_load %arg20[%get3A_705, %get3A_706] {strides = array<i32>} : memref<128x128xf32, #tpu.memory_space<vmem>>, vector<16xf32>,
        %mul3A_708 = arith.mulf %get3A_704, %get3A_707 : vector<16xf32>
        %get3A_709 = arith.index_cast %add3A_659 : i32 to index
        %get3A_710 = arith.constant 112 : index
        %get3A_711 = tpu.vector_load %arg19[%get3A_709, %get3A_710] {strides = array<i32>} : memref<128x128xf32, #tpu.memory_space<vmem>>, vector<16xf32>,
        %get3A_712 = arith.index_cast %add3A_659 : i32 to index
        %get3A_713 = arith.constant 112 : index
        %get3A_714 = tpu.vector_load %arg20[%get3A_712, %get3A_713] {strides = array<i32>} : memref<128x128xf32, #tpu.memory_space<vmem>>, vector<16xf32>,
        %mul3A_715 = arith.mulf %get3A_711, %get3A_714 : vector<16xf32>
        %add3A_716 = arith.addf %mul3A_666, %mul3A_673 : vector<16xf32>
        %add3A_717 = arith.addf %mul3A_680, %mul3A_687 : vector<16xf32>
        %add3A_718 = arith.addf %mul3A_694, %mul3A_701 : vector<16xf32>
        %add3A_719 = arith.addf %mul3A_708, %mul3A_715 : vector<16xf32>
        %add3A_720 = arith.addf %add3A_716, %add3A_717 : vector<16xf32>
        %add3A_721 = arith.addf %add3A_718, %add3A_719 : vector<16xf32>
        %add3A_722 = arith.addf %add3A_720, %add3A_721 : vector<16xf32>
        %mul3A_723 = arith.constant 4 : i32
        %mul3A_724 = arith.muli %scan3A_416, %mul3A_723 : i32
        %add3A_725 = arith.constant 3 : i32
        %add3A_726 = arith.addi %mul3A_724, %add3A_725 : i32
        %eq3A_727 = vector.broadcast %add3A_726 : i32 to vector<16xi32>
        %eq3A_728 = arith.cmpi eq, %iota3A, %eq3A_727 : vector<16xi32>
        %reduce_sum3A_729 = arith.constant true
        %reduce_sum3A_730 = vector.broadcast %reduce_sum3A_729 : i1 to vector<16xi1>
        %reduce_sum3A_731 = tpu.scan <sum>, %add3A_722 masked %reduce_sum3A_730 : vector<16xf32>, vector<16xi1> -> vector<16xf32>
        %reduce_sum3A_732 = vector.extract %reduce_sum3A_731[15] : f32 from vector<16xf32>
        %broadcast_in_dim3A_733 = vector.broadcast %reduce_sum3A_732 : f32 to vector<16xf32>
        %select_n3A_734 = arith.select %eq3A_728, %broadcast_in_dim3A_733, %select_n3A_654 : vector<16xi1>, vector<16xf32>
        scf.yield %select_n3A_734 : vector<16xf32>
      }
      %scan3A_391 = arith.constant 4 : i32
      %get3A = arith.constant 0 : i32
      %get3A_392 = arith.index_cast %get3A : i32 to index
      %get3A_393 = arith.index_cast %mul3A_384 : i32 to index
      %get3A_394 = tpu.vector_load %arg16[%get3A_392, %get3A_393] {strides = array<i32>} : memref<4x128xi32, #tpu.memory_space<vmem>>, vector<16xi32>,
      %gather3A = tpu.vector_load_idx %arg18[%get3A_394] : memref<32xf32, #tpu.memory_space<vmem>>[vector<16xi32>], vector<16xf32>,
      %get3A_395 = arith.index_cast %mul3A_384 : i32 to index
      %get3A_396 = tpu.vector_load %arg21[%get3A_395] {strides = array<i32>} : memref<128xf32, #tpu.memory_space<vmem>>, vector<16xf32>,
      %add3A_397 = arith.addf %scan3A_390, %get3A_396 : vector<16xf32>
      %get3A_398 = arith.index_cast %mul3A_384 : i32 to index
      %get3A_399 = tpu.vector_load %arg22[%get3A_398] {strides = array<i32>} : memref<128xf32, #tpu.memory_space<vmem>>, vector<16xf32>,
      %get3A_400 = arith.constant 0 : i32
      %get3A_401 = arith.index_cast %get3A_400 : i32 to index
      %get3A_402 = arith.index_cast %mul3A_384 : i32 to index
      %get3A_403 = tpu.vector_load %arg17[%get3A_401, %get3A_402] {strides = array<i32>} : memref<4x128xf32, #tpu.memory_space<vmem>>, vector<16xf32>,
      %mul3A_404 = arith.mulf %get3A_399, %get3A_403 : vector<16xf32>
      %add3A_405 = arith.addf %add3A_397, %mul3A_404 : vector<16xf32>
      %get3A_406 = arith.index_cast %mul3A_384 : i32 to index
      %get3A_407 = tpu.vector_load %arg23[%get3A_406] {strides = array<i32>} : memref<128xf32, #tpu.memory_space<vmem>>, vector<16xf32>,
      %add3A_408 = arith.addf %add3A_405, %get3A_407 : vector<16xf32>
      %add3A_409 = arith.addf %add3A_408, %gather3A : vector<16xf32>
      %add3A_410 = arith.constant 3.600000e+00 : f32
      %add3A_411 = vector.broadcast %add3A_410 : f32 to vector<16xf32>
      %add3A_412 = arith.addf %add3A_409, %add3A_411 : vector<16xf32>
      %swap3A = arith.constant 0 : i32
      %swap3A_413 = arith.index_cast %swap3A : i32 to index
      %swap3A_414 = arith.index_cast %mul3A_384 : i32 to index
      %swap3A_415 = tpu.vector_load %arg29[%swap3A_413, %swap3A_414] {strides = array<i32>} : memref<4x128xf32, #tpu.memory_space<vmem>>, vector<16xf32>,
      tpu.vector_store %arg29[%swap3A_413, %swap3A_414], %add3A_412 {strides = array<i32>} : memref<4x128xf32, #tpu.memory_space<vmem>>, vector<16xf32>,
    }
    %scan3A_202 = arith.constant 8 : i32
    %dma_start3A_203 = arith.constant 2 : i32
    %dma_start3A_204 = arith.constant 0 : i32
    %dma_start3A_205 = tpu.memref_slice %arg12[%dma_start3A_203, %dma_start3A_204] : memref<4x128xi32, #tpu.memory_space<vmem>> -> memref<1x128xi32, #tpu.memory_space<vmem>>
    %dma_start3A_206 = tpu.memref_squeeze %dma_start3A_205 : memref<1x128xi32, #tpu.memory_space<vmem>> -> memref<128xi32, #tpu.memory_space<vmem>>
    %dma_start3A_207 = arith.constant 0 : i32
    %dma_start3A_208 = arith.constant 0 : i32
    %dma_start3A_209 = tpu.memref_slice %arg8[%dma_start3A_207, %dma_start3A_208] : memref<100000x128xf32, #tpu.memory_space<hbm>> -> memref<100000x128xf32, #tpu.memory_space<hbm>>
    tpu.enqueue_indirect_dma source(%dma_start3A_209 : memref<100000x128xf32, #tpu.memory_space<hbm>>) target(%arg19 : memref<128x128xf32, #tpu.memory_space<vmem>>) offsets(%dma_start3A_206 : memref<128xi32, #tpu.memory_space<vmem>>) semaphore(%arg30 : memref<!tpu.dma_semaphore, #tpu.memory_space<semaphore_mem>>)
    %dma_start3A_210 = arith.constant 2 : i32
    %dma_start3A_211 = arith.constant 0 : i32
    %dma_start3A_212 = tpu.memref_slice %arg13[%dma_start3A_210, %dma_start3A_211] : memref<4x128xi32, #tpu.memory_space<vmem>> -> memref<1x128xi32, #tpu.memory_space<vmem>>
    %dma_start3A_213 = tpu.memref_squeeze %dma_start3A_212 : memref<1x128xi32, #tpu.memory_space<vmem>> -> memref<128xi32, #tpu.memory_space<vmem>>
    %dma_start3A_214 = arith.constant 0 : i32
    %dma_start3A_215 = arith.constant 0 : i32
    %dma_start3A_216 = tpu.memref_slice %arg9[%dma_start3A_214, %dma_start3A_215] : memref<100000x128xf32, #tpu.memory_space<hbm>> -> memref<100000x128xf32, #tpu.memory_space<hbm>>
    tpu.enqueue_indirect_dma source(%dma_start3A_216 : memref<100000x128xf32, #tpu.memory_space<hbm>>) target(%arg20 : memref<128x128xf32, #tpu.memory_space<vmem>>) offsets(%dma_start3A_213 : memref<128xi32, #tpu.memory_space<vmem>>) semaphore(%arg30 : memref<!tpu.dma_semaphore, #tpu.memory_space<semaphore_mem>>)
    %dma_start3A_217 = arith.constant 2 : i32
    %dma_start3A_218 = arith.constant 0 : i32
    %dma_start3A_219 = tpu.memref_slice %arg12[%dma_start3A_217, %dma_start3A_218] : memref<4x128xi32, #tpu.memory_space<vmem>> -> memref<1x128xi32, #tpu.memory_space<vmem>>
    %dma_start3A_220 = tpu.memref_squeeze %dma_start3A_219 : memref<1x128xi32, #tpu.memory_space<vmem>> -> memref<128xi32, #tpu.memory_space<vmem>>
    %dma_start3A_221 = arith.constant 0 : i32
    %dma_start3A_222 = tpu.memref_slice %arg10[%dma_start3A_221] : memref<300032xf32, #tpu.memory_space<hbm>> -> memref<300032xf32, #tpu.memory_space<hbm>>
    tpu.enqueue_indirect_dma source(%dma_start3A_222 : memref<300032xf32, #tpu.memory_space<hbm>>) target(%arg21 : memref<128xf32, #tpu.memory_space<vmem>>) offsets(%dma_start3A_220 : memref<128xi32, #tpu.memory_space<vmem>>) semaphore(%arg30 : memref<!tpu.dma_semaphore, #tpu.memory_space<semaphore_mem>>)
    %dma_start3A_223 = arith.constant 2 : i32
    %dma_start3A_224 = arith.constant 0 : i32
    %dma_start3A_225 = tpu.memref_slice %arg14[%dma_start3A_223, %dma_start3A_224] : memref<4x128xi32, #tpu.memory_space<vmem>> -> memref<1x128xi32, #tpu.memory_space<vmem>>
    %dma_start3A_226 = tpu.memref_squeeze %dma_start3A_225 : memref<1x128xi32, #tpu.memory_space<vmem>> -> memref<128xi32, #tpu.memory_space<vmem>>
    %dma_start3A_227 = arith.constant 0 : i32
    %dma_start3A_228 = tpu.memref_slice %arg10[%dma_start3A_227] : memref<300032xf32, #tpu.memory_space<hbm>> -> memref<300032xf32, #tpu.memory_space<hbm>>
    tpu.enqueue_indirect_dma source(%dma_start3A_228 : memref<300032xf32, #tpu.memory_space<hbm>>) target(%arg22 : memref<128xf32, #tpu.memory_space<vmem>>) offsets(%dma_start3A_226 : memref<128xi32, #tpu.memory_space<vmem>>) semaphore(%arg30 : memref<!tpu.dma_semaphore, #tpu.memory_space<semaphore_mem>>)
    %dma_start3A_229 = arith.constant 2 : i32
    %dma_start3A_230 = arith.constant 0 : i32
    %dma_start3A_231 = tpu.memref_slice %arg15[%dma_start3A_229, %dma_start3A_230] : memref<4x128xi32, #tpu.memory_space<vmem>> -> memref<1x128xi32, #tpu.memory_space<vmem>>
    %dma_start3A_232 = tpu.memref_squeeze %dma_start3A_231 : memref<1x128xi32, #tpu.memory_space<vmem>> -> memref<128xi32, #tpu.memory_space<vmem>>
    %dma_start3A_233 = arith.constant 0 : i32
    %dma_start3A_234 = tpu.memref_slice %arg10[%dma_start3A_233] : memref<300032xf32, #tpu.memory_space<hbm>> -> memref<300032xf32, #tpu.memory_space<hbm>>
    tpu.enqueue_indirect_dma source(%dma_start3A_234 : memref<300032xf32, #tpu.memory_space<hbm>>) target(%arg23 : memref<128xf32, #tpu.memory_space<vmem>>) offsets(%dma_start3A_232 : memref<128xi32, #tpu.memory_space<vmem>>) semaphore(%arg30 : memref<!tpu.dma_semaphore, #tpu.memory_space<semaphore_mem>>)
    %dma_wait3A_235 = arith.constant 1 : i32
    %dma_wait3A_236 = arith.constant 0 : i32
    %dma_wait3A_237 = tpu.memref_slice %arg12[%dma_wait3A_235, %dma_wait3A_236] : memref<4x128xi32, #tpu.memory_space<vmem>> -> memref<1x128xi32, #tpu.memory_space<vmem>>
    %dma_wait3A_238 = tpu.memref_squeeze %dma_wait3A_237 : memref<1x128xi32, #tpu.memory_space<vmem>> -> memref<128xi32, #tpu.memory_space<vmem>>
    %dma_wait3A_239 = arith.constant 0 : i32
    %dma_wait3A_240 = arith.constant 0 : i32
    %dma_wait3A_241 = tpu.memref_slice %arg8[%dma_wait3A_239, %dma_wait3A_240] : memref<100000x128xf32, #tpu.memory_space<hbm>> -> memref<100000x128xf32, #tpu.memory_space<hbm>>
    tpu.wait_indirect_dma semaphore(%arg31 : memref<!tpu.dma_semaphore, #tpu.memory_space<semaphore_mem>>) src(%dma_wait3A_241 : memref<100000x128xf32, #tpu.memory_space<hbm>>) dst(%arg24 : memref<128x128xf32, #tpu.memory_space<vmem>>)
    %dma_wait3A_242 = arith.constant 1 : i32
    %dma_wait3A_243 = arith.constant 0 : i32
    %dma_wait3A_244 = tpu.memref_slice %arg13[%dma_wait3A_242, %dma_wait3A_243] : memref<4x128xi32, #tpu.memory_space<vmem>> -> memref<1x128xi32, #tpu.memory_space<vmem>>
    %dma_wait3A_245 = tpu.memref_squeeze %dma_wait3A_244 : memref<1x128xi32, #tpu.memory_space<vmem>> -> memref<128xi32, #tpu.memory_space<vmem>>
    %dma_wait3A_246 = arith.constant 0 : i32
    %dma_wait3A_247 = arith.constant 0 : i32
    %dma_wait3A_248 = tpu.memref_slice %arg9[%dma_wait3A_246, %dma_wait3A_247] : memref<100000x128xf32, #tpu.memory_space<hbm>> -> memref<100000x128xf32, #tpu.memory_space<hbm>>
    tpu.wait_indirect_dma semaphore(%arg31 : memref<!tpu.dma_semaphore, #tpu.memory_space<semaphore_mem>>) src(%dma_wait3A_248 : memref<100000x128xf32, #tpu.memory_space<hbm>>) dst(%arg25 : memref<128x128xf32, #tpu.memory_space<vmem>>)
    %dma_wait3A_249 = arith.constant 1 : i32
    %dma_wait3A_250 = arith.constant 0 : i32
    %dma_wait3A_251 = tpu.memref_slice %arg12[%dma_wait3A_249, %dma_wait3A_250] : memref<4x128xi32, #tpu.memory_space<vmem>> -> memref<1x128xi32, #tpu.memory_space<vmem>>
    %dma_wait3A_252 = tpu.memref_squeeze %dma_wait3A_251 : memref<1x128xi32, #tpu.memory_space<vmem>> -> memref<128xi32, #tpu.memory_space<vmem>>
    %dma_wait3A_253 = arith.constant 0 : i32
    %dma_wait3A_254 = tpu.memref_slice %arg10[%dma_wait3A_253] : memref<300032xf32, #tpu.memory_space<hbm>> -> memref<300032xf32, #tpu.memory_space<hbm>>
    tpu.wait_indirect_dma semaphore(%arg31 : memref<!tpu.dma_semaphore, #tpu.memory_space<semaphore_mem>>) src(%dma_wait3A_254 : memref<300032xf32, #tpu.memory_space<hbm>>) dst(%arg26 : memref<128xf32, #tpu.memory_space<vmem>>)
    %dma_wait3A_255 = arith.constant 1 : i32
    %dma_wait3A_256 = arith.constant 0 : i32
    %dma_wait3A_257 = tpu.memref_slice %arg14[%dma_wait3A_255, %dma_wait3A_256] : memref<4x128xi32, #tpu.memory_space<vmem>> -> memref<1x128xi32, #tpu.memory_space<vmem>>
    %dma_wait3A_258 = tpu.memref_squeeze %dma_wait3A_257 : memref<1x128xi32, #tpu.memory_space<vmem>> -> memref<128xi32, #tpu.memory_space<vmem>>
    %dma_wait3A_259 = arith.constant 0 : i32
    %dma_wait3A_260 = tpu.memref_slice %arg10[%dma_wait3A_259] : memref<300032xf32, #tpu.memory_space<hbm>> -> memref<300032xf32, #tpu.memory_space<hbm>>
    tpu.wait_indirect_dma semaphore(%arg31 : memref<!tpu.dma_semaphore, #tpu.memory_space<semaphore_mem>>) src(%dma_wait3A_260 : memref<300032xf32, #tpu.memory_space<hbm>>) dst(%arg27 : memref<128xf32, #tpu.memory_space<vmem>>)
    %dma_wait3A_261 = arith.constant 1 : i32
    %dma_wait3A_262 = arith.constant 0 : i32
    %dma_wait3A_263 = tpu.memref_slice %arg15[%dma_wait3A_261, %dma_wait3A_262] : memref<4x128xi32, #tpu.memory_space<vmem>> -> memref<1x128xi32, #tpu.memory_space<vmem>>
    %dma_wait3A_264 = tpu.memref_squeeze %dma_wait3A_263 : memref<1x128xi32, #tpu.memory_space<vmem>> -> memref<128xi32, #tpu.memory_space<vmem>>
    %dma_wait3A_265 = arith.constant 0 : i32
    %dma_wait3A_266 = tpu.memref_slice %arg10[%dma_wait3A_265] : memref<300032xf32, #tpu.memory_space<hbm>> -> memref<300032xf32, #tpu.memory_space<hbm>>
    tpu.wait_indirect_dma semaphore(%arg31 : memref<!tpu.dma_semaphore, #tpu.memory_space<semaphore_mem>>) src(%dma_wait3A_266 : memref<300032xf32, #tpu.memory_space<hbm>>) dst(%arg28 : memref<128xf32, #tpu.memory_space<vmem>>)
    %scan3A_267 = arith.constant 0 : i32
    %scan3A_268 = arith.constant 8 : i32
    %scan3A_269 = arith.addi %scan3A_267, %scan3A_268 : i32
    %scan3A_270 = arith.constant 1 : i32
    scf.for %scan3A_378 = %scan3A_267 to %scan3A_269 step %scan3A_270  : i32 {
      %mul3A_379 = arith.constant 1 : i32
      %mul3A_380 = arith.muli %scan3A_378, %mul3A_379 : i32
      %add3A_381 = arith.constant 0 : i32
      %add3A_382 = arith.addi %add3A_381, %mul3A_380 : i32
      %mul3A_383 = arith.constant 16 : i32
      %mul3A_384 = arith.muli %add3A_382, %mul3A_383 : i32
      %broadcast_in_dim3A = arith.constant 0.000000e+00 : f32
      %broadcast_in_dim3A_385 = vector.broadcast %broadcast_in_dim3A : f32 to vector<16xf32>
      %scan3A_386 = arith.constant 0 : i32
      %scan3A_387 = arith.constant 4 : i32
      %scan3A_388 = arith.addi %scan3A_386, %scan3A_387 : i32
      %scan3A_389 = arith.constant 1 : i32
      %scan3A_390 = scf.for %scan3A_416 = %scan3A_386 to %scan3A_388 step %scan3A_389 iter_args(%scan3A_417 = %broadcast_in_dim3A_385) -> (vector<16xf32>)  : i32 {
        %mul3A_418 = arith.constant 4 : i32
        %mul3A_419 = arith.muli %scan3A_416, %mul3A_418 : i32
        %add3A_420 = arith.addi %mul3A_384, %mul3A_419 : i32
        %add3A_421 = arith.constant 0 : i32
        %add3A_422 = arith.addi %add3A_420, %add3A_421 : i32
        %get3A_423 = arith.index_cast %add3A_422 : i32 to index
        %get3A_424 = arith.constant 0 : index
        %get3A_425 = tpu.vector_load %arg24[%get3A_423, %get3A_424] {strides = array<i32>} : memref<128x128xf32, #tpu.memory_space<vmem>>, vector<16xf32>,
        %get3A_426 = arith.index_cast %add3A_422 : i32 to index
        %get3A_427 = arith.constant 0 : index
        %get3A_428 = tpu.vector_load %arg25[%get3A_426, %get3A_427] {strides = array<i32>} : memref<128x128xf32, #tpu.memory_space<vmem>>, vector<16xf32>,
        %mul3A_429 = arith.mulf %get3A_425, %get3A_428 : vector<16xf32>
        %get3A_430 = arith.index_cast %add3A_422 : i32 to index
        %get3A_431 = arith.constant 16 : index
        %get3A_432 = tpu.vector_load %arg24[%get3A_430, %get3A_431] {strides = array<i32>} : memref<128x128xf32, #tpu.memory_space<vmem>>, vector<16xf32>,
        %get3A_433 = arith.index_cast %add3A_422 : i32 to index
        %get3A_434 = arith.constant 16 : index
        %get3A_435 = tpu.vector_load %arg25[%get3A_433, %get3A_434] {strides = array<i32>} : memref<128x128xf32, #tpu.memory_space<vmem>>, vector<16xf32>,
        %mul3A_436 = arith.mulf %get3A_432, %get3A_435 : vector<16xf32>
        %get3A_437 = arith.index_cast %add3A_422 : i32 to index
        %get3A_438 = arith.constant 32 : index
        %get3A_439 = tpu.vector_load %arg24[%get3A_437, %get3A_438] {strides = array<i32>} : memref<128x128xf32, #tpu.memory_space<vmem>>, vector<16xf32>,
        %get3A_440 = arith.index_cast %add3A_422 : i32 to index
        %get3A_441 = arith.constant 32 : index
        %get3A_442 = tpu.vector_load %arg25[%get3A_440, %get3A_441] {strides = array<i32>} : memref<128x128xf32, #tpu.memory_space<vmem>>, vector<16xf32>,
        %mul3A_443 = arith.mulf %get3A_439, %get3A_442 : vector<16xf32>
        %get3A_444 = arith.index_cast %add3A_422 : i32 to index
        %get3A_445 = arith.constant 48 : index
        %get3A_446 = tpu.vector_load %arg24[%get3A_444, %get3A_445] {strides = array<i32>} : memref<128x128xf32, #tpu.memory_space<vmem>>, vector<16xf32>,
        %get3A_447 = arith.index_cast %add3A_422 : i32 to index
        %get3A_448 = arith.constant 48 : index
        %get3A_449 = tpu.vector_load %arg25[%get3A_447, %get3A_448] {strides = array<i32>} : memref<128x128xf32, #tpu.memory_space<vmem>>, vector<16xf32>,
        %mul3A_450 = arith.mulf %get3A_446, %get3A_449 : vector<16xf32>
        %get3A_451 = arith.index_cast %add3A_422 : i32 to index
        %get3A_452 = arith.constant 64 : index
        %get3A_453 = tpu.vector_load %arg24[%get3A_451, %get3A_452] {strides = array<i32>} : memref<128x128xf32, #tpu.memory_space<vmem>>, vector<16xf32>,
        %get3A_454 = arith.index_cast %add3A_422 : i32 to index
        %get3A_455 = arith.constant 64 : index
        %get3A_456 = tpu.vector_load %arg25[%get3A_454, %get3A_455] {strides = array<i32>} : memref<128x128xf32, #tpu.memory_space<vmem>>, vector<16xf32>,
        %mul3A_457 = arith.mulf %get3A_453, %get3A_456 : vector<16xf32>
        %get3A_458 = arith.index_cast %add3A_422 : i32 to index
        %get3A_459 = arith.constant 80 : index
        %get3A_460 = tpu.vector_load %arg24[%get3A_458, %get3A_459] {strides = array<i32>} : memref<128x128xf32, #tpu.memory_space<vmem>>, vector<16xf32>,
        %get3A_461 = arith.index_cast %add3A_422 : i32 to index
        %get3A_462 = arith.constant 80 : index
        %get3A_463 = tpu.vector_load %arg25[%get3A_461, %get3A_462] {strides = array<i32>} : memref<128x128xf32, #tpu.memory_space<vmem>>, vector<16xf32>,
        %mul3A_464 = arith.mulf %get3A_460, %get3A_463 : vector<16xf32>
        %get3A_465 = arith.index_cast %add3A_422 : i32 to index
        %get3A_466 = arith.constant 96 : index
        %get3A_467 = tpu.vector_load %arg24[%get3A_465, %get3A_466] {strides = array<i32>} : memref<128x128xf32, #tpu.memory_space<vmem>>, vector<16xf32>,
        %get3A_468 = arith.index_cast %add3A_422 : i32 to index
        %get3A_469 = arith.constant 96 : index
        %get3A_470 = tpu.vector_load %arg25[%get3A_468, %get3A_469] {strides = array<i32>} : memref<128x128xf32, #tpu.memory_space<vmem>>, vector<16xf32>,
        %mul3A_471 = arith.mulf %get3A_467, %get3A_470 : vector<16xf32>
        %get3A_472 = arith.index_cast %add3A_422 : i32 to index
        %get3A_473 = arith.constant 112 : index
        %get3A_474 = tpu.vector_load %arg24[%get3A_472, %get3A_473] {strides = array<i32>} : memref<128x128xf32, #tpu.memory_space<vmem>>, vector<16xf32>,
        %get3A_475 = arith.index_cast %add3A_422 : i32 to index
        %get3A_476 = arith.constant 112 : index
        %get3A_477 = tpu.vector_load %arg25[%get3A_475, %get3A_476] {strides = array<i32>} : memref<128x128xf32, #tpu.memory_space<vmem>>, vector<16xf32>,
        %mul3A_478 = arith.mulf %get3A_474, %get3A_477 : vector<16xf32>
        %add3A_479 = arith.addf %mul3A_429, %mul3A_436 : vector<16xf32>
        %add3A_480 = arith.addf %mul3A_443, %mul3A_450 : vector<16xf32>
        %add3A_481 = arith.addf %mul3A_457, %mul3A_464 : vector<16xf32>
        %add3A_482 = arith.addf %mul3A_471, %mul3A_478 : vector<16xf32>
        %add3A_483 = arith.addf %add3A_479, %add3A_480 : vector<16xf32>
        %add3A_484 = arith.addf %add3A_481, %add3A_482 : vector<16xf32>
        %add3A_485 = arith.addf %add3A_483, %add3A_484 : vector<16xf32>
        %mul3A_486 = arith.constant 4 : i32
        %mul3A_487 = arith.muli %scan3A_416, %mul3A_486 : i32
        %add3A_488 = arith.constant 0 : i32
        %add3A_489 = arith.addi %mul3A_487, %add3A_488 : i32
        %eq3A = vector.broadcast %add3A_489 : i32 to vector<16xi32>
        %eq3A_490 = arith.cmpi eq, %iota3A, %eq3A : vector<16xi32>
        %reduce_sum3A = arith.constant true
        %reduce_sum3A_491 = vector.broadcast %reduce_sum3A : i1 to vector<16xi1>
        %reduce_sum3A_492 = tpu.scan <sum>, %add3A_485 masked %reduce_sum3A_491 : vector<16xf32>, vector<16xi1> -> vector<16xf32>
        %reduce_sum3A_493 = vector.extract %reduce_sum3A_492[15] : f32 from vector<16xf32>
        %broadcast_in_dim3A_494 = vector.broadcast %reduce_sum3A_493 : f32 to vector<16xf32>
        %select_n3A = arith.select %eq3A_490, %broadcast_in_dim3A_494, %scan3A_417 : vector<16xi1>, vector<16xf32>
        %mul3A_495 = arith.constant 4 : i32
        %mul3A_496 = arith.muli %scan3A_416, %mul3A_495 : i32
        %add3A_497 = arith.addi %mul3A_384, %mul3A_496 : i32
        %add3A_498 = arith.constant 1 : i32
        %add3A_499 = arith.addi %add3A_497, %add3A_498 : i32
        %get3A_500 = arith.index_cast %add3A_499 : i32 to index
        %get3A_501 = arith.constant 0 : index
        %get3A_502 = tpu.vector_load %arg24[%get3A_500, %get3A_501] {strides = array<i32>} : memref<128x128xf32, #tpu.memory_space<vmem>>, vector<16xf32>,
        %get3A_503 = arith.index_cast %add3A_499 : i32 to index
        %get3A_504 = arith.constant 0 : index
        %get3A_505 = tpu.vector_load %arg25[%get3A_503, %get3A_504] {strides = array<i32>} : memref<128x128xf32, #tpu.memory_space<vmem>>, vector<16xf32>,
        %mul3A_506 = arith.mulf %get3A_502, %get3A_505 : vector<16xf32>
        %get3A_507 = arith.index_cast %add3A_499 : i32 to index
        %get3A_508 = arith.constant 16 : index
        %get3A_509 = tpu.vector_load %arg24[%get3A_507, %get3A_508] {strides = array<i32>} : memref<128x128xf32, #tpu.memory_space<vmem>>, vector<16xf32>,
        %get3A_510 = arith.index_cast %add3A_499 : i32 to index
        %get3A_511 = arith.constant 16 : index
        %get3A_512 = tpu.vector_load %arg25[%get3A_510, %get3A_511] {strides = array<i32>} : memref<128x128xf32, #tpu.memory_space<vmem>>, vector<16xf32>,
        %mul3A_513 = arith.mulf %get3A_509, %get3A_512 : vector<16xf32>
        %get3A_514 = arith.index_cast %add3A_499 : i32 to index
        %get3A_515 = arith.constant 32 : index
        %get3A_516 = tpu.vector_load %arg24[%get3A_514, %get3A_515] {strides = array<i32>} : memref<128x128xf32, #tpu.memory_space<vmem>>, vector<16xf32>,
        %get3A_517 = arith.index_cast %add3A_499 : i32 to index
        %get3A_518 = arith.constant 32 : index
        %get3A_519 = tpu.vector_load %arg25[%get3A_517, %get3A_518] {strides = array<i32>} : memref<128x128xf32, #tpu.memory_space<vmem>>, vector<16xf32>,
        %mul3A_520 = arith.mulf %get3A_516, %get3A_519 : vector<16xf32>
        %get3A_521 = arith.index_cast %add3A_499 : i32 to index
        %get3A_522 = arith.constant 48 : index
        %get3A_523 = tpu.vector_load %arg24[%get3A_521, %get3A_522] {strides = array<i32>} : memref<128x128xf32, #tpu.memory_space<vmem>>, vector<16xf32>,
        %get3A_524 = arith.index_cast %add3A_499 : i32 to index
        %get3A_525 = arith.constant 48 : index
        %get3A_526 = tpu.vector_load %arg25[%get3A_524, %get3A_525] {strides = array<i32>} : memref<128x128xf32, #tpu.memory_space<vmem>>, vector<16xf32>,
        %mul3A_527 = arith.mulf %get3A_523, %get3A_526 : vector<16xf32>
        %get3A_528 = arith.index_cast %add3A_499 : i32 to index
        %get3A_529 = arith.constant 64 : index
        %get3A_530 = tpu.vector_load %arg24[%get3A_528, %get3A_529] {strides = array<i32>} : memref<128x128xf32, #tpu.memory_space<vmem>>, vector<16xf32>,
        %get3A_531 = arith.index_cast %add3A_499 : i32 to index
        %get3A_532 = arith.constant 64 : index
        %get3A_533 = tpu.vector_load %arg25[%get3A_531, %get3A_532] {strides = array<i32>} : memref<128x128xf32, #tpu.memory_space<vmem>>, vector<16xf32>,
        %mul3A_534 = arith.mulf %get3A_530, %get3A_533 : vector<16xf32>
        %get3A_535 = arith.index_cast %add3A_499 : i32 to index
        %get3A_536 = arith.constant 80 : index
        %get3A_537 = tpu.vector_load %arg24[%get3A_535, %get3A_536] {strides = array<i32>} : memref<128x128xf32, #tpu.memory_space<vmem>>, vector<16xf32>,
        %get3A_538 = arith.index_cast %add3A_499 : i32 to index
        %get3A_539 = arith.constant 80 : index
        %get3A_540 = tpu.vector_load %arg25[%get3A_538, %get3A_539] {strides = array<i32>} : memref<128x128xf32, #tpu.memory_space<vmem>>, vector<16xf32>,
        %mul3A_541 = arith.mulf %get3A_537, %get3A_540 : vector<16xf32>
        %get3A_542 = arith.index_cast %add3A_499 : i32 to index
        %get3A_543 = arith.constant 96 : index
        %get3A_544 = tpu.vector_load %arg24[%get3A_542, %get3A_543] {strides = array<i32>} : memref<128x128xf32, #tpu.memory_space<vmem>>, vector<16xf32>,
        %get3A_545 = arith.index_cast %add3A_499 : i32 to index
        %get3A_546 = arith.constant 96 : index
        %get3A_547 = tpu.vector_load %arg25[%get3A_545, %get3A_546] {strides = array<i32>} : memref<128x128xf32, #tpu.memory_space<vmem>>, vector<16xf32>,
        %mul3A_548 = arith.mulf %get3A_544, %get3A_547 : vector<16xf32>
        %get3A_549 = arith.index_cast %add3A_499 : i32 to index
        %get3A_550 = arith.constant 112 : index
        %get3A_551 = tpu.vector_load %arg24[%get3A_549, %get3A_550] {strides = array<i32>} : memref<128x128xf32, #tpu.memory_space<vmem>>, vector<16xf32>,
        %get3A_552 = arith.index_cast %add3A_499 : i32 to index
        %get3A_553 = arith.constant 112 : index
        %get3A_554 = tpu.vector_load %arg25[%get3A_552, %get3A_553] {strides = array<i32>} : memref<128x128xf32, #tpu.memory_space<vmem>>, vector<16xf32>,
        %mul3A_555 = arith.mulf %get3A_551, %get3A_554 : vector<16xf32>
        %add3A_556 = arith.addf %mul3A_506, %mul3A_513 : vector<16xf32>
        %add3A_557 = arith.addf %mul3A_520, %mul3A_527 : vector<16xf32>
        %add3A_558 = arith.addf %mul3A_534, %mul3A_541 : vector<16xf32>
        %add3A_559 = arith.addf %mul3A_548, %mul3A_555 : vector<16xf32>
        %add3A_560 = arith.addf %add3A_556, %add3A_557 : vector<16xf32>
        %add3A_561 = arith.addf %add3A_558, %add3A_559 : vector<16xf32>
        %add3A_562 = arith.addf %add3A_560, %add3A_561 : vector<16xf32>
        %mul3A_563 = arith.constant 4 : i32
        %mul3A_564 = arith.muli %scan3A_416, %mul3A_563 : i32
        %add3A_565 = arith.constant 1 : i32
        %add3A_566 = arith.addi %mul3A_564, %add3A_565 : i32
        %eq3A_567 = vector.broadcast %add3A_566 : i32 to vector<16xi32>
        %eq3A_568 = arith.cmpi eq, %iota3A, %eq3A_567 : vector<16xi32>
        %reduce_sum3A_569 = arith.constant true
        %reduce_sum3A_570 = vector.broadcast %reduce_sum3A_569 : i1 to vector<16xi1>
        %reduce_sum3A_571 = tpu.scan <sum>, %add3A_562 masked %reduce_sum3A_570 : vector<16xf32>, vector<16xi1> -> vector<16xf32>
        %reduce_sum3A_572 = vector.extract %reduce_sum3A_571[15] : f32 from vector<16xf32>
        %broadcast_in_dim3A_573 = vector.broadcast %reduce_sum3A_572 : f32 to vector<16xf32>
        %select_n3A_574 = arith.select %eq3A_568, %broadcast_in_dim3A_573, %select_n3A : vector<16xi1>, vector<16xf32>
        %mul3A_575 = arith.constant 4 : i32
        %mul3A_576 = arith.muli %scan3A_416, %mul3A_575 : i32
        %add3A_577 = arith.addi %mul3A_384, %mul3A_576 : i32
        %add3A_578 = arith.constant 2 : i32
        %add3A_579 = arith.addi %add3A_577, %add3A_578 : i32
        %get3A_580 = arith.index_cast %add3A_579 : i32 to index
        %get3A_581 = arith.constant 0 : index
        %get3A_582 = tpu.vector_load %arg24[%get3A_580, %get3A_581] {strides = array<i32>} : memref<128x128xf32, #tpu.memory_space<vmem>>, vector<16xf32>,
        %get3A_583 = arith.index_cast %add3A_579 : i32 to index
        %get3A_584 = arith.constant 0 : index
        %get3A_585 = tpu.vector_load %arg25[%get3A_583, %get3A_584] {strides = array<i32>} : memref<128x128xf32, #tpu.memory_space<vmem>>, vector<16xf32>,
        %mul3A_586 = arith.mulf %get3A_582, %get3A_585 : vector<16xf32>
        %get3A_587 = arith.index_cast %add3A_579 : i32 to index
        %get3A_588 = arith.constant 16 : index
        %get3A_589 = tpu.vector_load %arg24[%get3A_587, %get3A_588] {strides = array<i32>} : memref<128x128xf32, #tpu.memory_space<vmem>>, vector<16xf32>,
        %get3A_590 = arith.index_cast %add3A_579 : i32 to index
        %get3A_591 = arith.constant 16 : index
        %get3A_592 = tpu.vector_load %arg25[%get3A_590, %get3A_591] {strides = array<i32>} : memref<128x128xf32, #tpu.memory_space<vmem>>, vector<16xf32>,
        %mul3A_593 = arith.mulf %get3A_589, %get3A_592 : vector<16xf32>
        %get3A_594 = arith.index_cast %add3A_579 : i32 to index
        %get3A_595 = arith.constant 32 : index
        %get3A_596 = tpu.vector_load %arg24[%get3A_594, %get3A_595] {strides = array<i32>} : memref<128x128xf32, #tpu.memory_space<vmem>>, vector<16xf32>,
        %get3A_597 = arith.index_cast %add3A_579 : i32 to index
        %get3A_598 = arith.constant 32 : index
        %get3A_599 = tpu.vector_load %arg25[%get3A_597, %get3A_598] {strides = array<i32>} : memref<128x128xf32, #tpu.memory_space<vmem>>, vector<16xf32>,
        %mul3A_600 = arith.mulf %get3A_596, %get3A_599 : vector<16xf32>
        %get3A_601 = arith.index_cast %add3A_579 : i32 to index
        %get3A_602 = arith.constant 48 : index
        %get3A_603 = tpu.vector_load %arg24[%get3A_601, %get3A_602] {strides = array<i32>} : memref<128x128xf32, #tpu.memory_space<vmem>>, vector<16xf32>,
        %get3A_604 = arith.index_cast %add3A_579 : i32 to index
        %get3A_605 = arith.constant 48 : index
        %get3A_606 = tpu.vector_load %arg25[%get3A_604, %get3A_605] {strides = array<i32>} : memref<128x128xf32, #tpu.memory_space<vmem>>, vector<16xf32>,
        %mul3A_607 = arith.mulf %get3A_603, %get3A_606 : vector<16xf32>
        %get3A_608 = arith.index_cast %add3A_579 : i32 to index
        %get3A_609 = arith.constant 64 : index
        %get3A_610 = tpu.vector_load %arg24[%get3A_608, %get3A_609] {strides = array<i32>} : memref<128x128xf32, #tpu.memory_space<vmem>>, vector<16xf32>,
        %get3A_611 = arith.index_cast %add3A_579 : i32 to index
        %get3A_612 = arith.constant 64 : index
        %get3A_613 = tpu.vector_load %arg25[%get3A_611, %get3A_612] {strides = array<i32>} : memref<128x128xf32, #tpu.memory_space<vmem>>, vector<16xf32>,
        %mul3A_614 = arith.mulf %get3A_610, %get3A_613 : vector<16xf32>
        %get3A_615 = arith.index_cast %add3A_579 : i32 to index
        %get3A_616 = arith.constant 80 : index
        %get3A_617 = tpu.vector_load %arg24[%get3A_615, %get3A_616] {strides = array<i32>} : memref<128x128xf32, #tpu.memory_space<vmem>>, vector<16xf32>,
        %get3A_618 = arith.index_cast %add3A_579 : i32 to index
        %get3A_619 = arith.constant 80 : index
        %get3A_620 = tpu.vector_load %arg25[%get3A_618, %get3A_619] {strides = array<i32>} : memref<128x128xf32, #tpu.memory_space<vmem>>, vector<16xf32>,
        %mul3A_621 = arith.mulf %get3A_617, %get3A_620 : vector<16xf32>
        %get3A_622 = arith.index_cast %add3A_579 : i32 to index
        %get3A_623 = arith.constant 96 : index
        %get3A_624 = tpu.vector_load %arg24[%get3A_622, %get3A_623] {strides = array<i32>} : memref<128x128xf32, #tpu.memory_space<vmem>>, vector<16xf32>,
        %get3A_625 = arith.index_cast %add3A_579 : i32 to index
        %get3A_626 = arith.constant 96 : index
        %get3A_627 = tpu.vector_load %arg25[%get3A_625, %get3A_626] {strides = array<i32>} : memref<128x128xf32, #tpu.memory_space<vmem>>, vector<16xf32>,
        %mul3A_628 = arith.mulf %get3A_624, %get3A_627 : vector<16xf32>
        %get3A_629 = arith.index_cast %add3A_579 : i32 to index
        %get3A_630 = arith.constant 112 : index
        %get3A_631 = tpu.vector_load %arg24[%get3A_629, %get3A_630] {strides = array<i32>} : memref<128x128xf32, #tpu.memory_space<vmem>>, vector<16xf32>,
        %get3A_632 = arith.index_cast %add3A_579 : i32 to index
        %get3A_633 = arith.constant 112 : index
        %get3A_634 = tpu.vector_load %arg25[%get3A_632, %get3A_633] {strides = array<i32>} : memref<128x128xf32, #tpu.memory_space<vmem>>, vector<16xf32>,
        %mul3A_635 = arith.mulf %get3A_631, %get3A_634 : vector<16xf32>
        %add3A_636 = arith.addf %mul3A_586, %mul3A_593 : vector<16xf32>
        %add3A_637 = arith.addf %mul3A_600, %mul3A_607 : vector<16xf32>
        %add3A_638 = arith.addf %mul3A_614, %mul3A_621 : vector<16xf32>
        %add3A_639 = arith.addf %mul3A_628, %mul3A_635 : vector<16xf32>
        %add3A_640 = arith.addf %add3A_636, %add3A_637 : vector<16xf32>
        %add3A_641 = arith.addf %add3A_638, %add3A_639 : vector<16xf32>
        %add3A_642 = arith.addf %add3A_640, %add3A_641 : vector<16xf32>
        %mul3A_643 = arith.constant 4 : i32
        %mul3A_644 = arith.muli %scan3A_416, %mul3A_643 : i32
        %add3A_645 = arith.constant 2 : i32
        %add3A_646 = arith.addi %mul3A_644, %add3A_645 : i32
        %eq3A_647 = vector.broadcast %add3A_646 : i32 to vector<16xi32>
        %eq3A_648 = arith.cmpi eq, %iota3A, %eq3A_647 : vector<16xi32>
        %reduce_sum3A_649 = arith.constant true
        %reduce_sum3A_650 = vector.broadcast %reduce_sum3A_649 : i1 to vector<16xi1>
        %reduce_sum3A_651 = tpu.scan <sum>, %add3A_642 masked %reduce_sum3A_650 : vector<16xf32>, vector<16xi1> -> vector<16xf32>
        %reduce_sum3A_652 = vector.extract %reduce_sum3A_651[15] : f32 from vector<16xf32>
        %broadcast_in_dim3A_653 = vector.broadcast %reduce_sum3A_652 : f32 to vector<16xf32>
        %select_n3A_654 = arith.select %eq3A_648, %broadcast_in_dim3A_653, %select_n3A_574 : vector<16xi1>, vector<16xf32>
        %mul3A_655 = arith.constant 4 : i32
        %mul3A_656 = arith.muli %scan3A_416, %mul3A_655 : i32
        %add3A_657 = arith.addi %mul3A_384, %mul3A_656 : i32
        %add3A_658 = arith.constant 3 : i32
        %add3A_659 = arith.addi %add3A_657, %add3A_658 : i32
        %get3A_660 = arith.index_cast %add3A_659 : i32 to index
        %get3A_661 = arith.constant 0 : index
        %get3A_662 = tpu.vector_load %arg24[%get3A_660, %get3A_661] {strides = array<i32>} : memref<128x128xf32, #tpu.memory_space<vmem>>, vector<16xf32>,
        %get3A_663 = arith.index_cast %add3A_659 : i32 to index
        %get3A_664 = arith.constant 0 : index
        %get3A_665 = tpu.vector_load %arg25[%get3A_663, %get3A_664] {strides = array<i32>} : memref<128x128xf32, #tpu.memory_space<vmem>>, vector<16xf32>,
        %mul3A_666 = arith.mulf %get3A_662, %get3A_665 : vector<16xf32>
        %get3A_667 = arith.index_cast %add3A_659 : i32 to index
        %get3A_668 = arith.constant 16 : index
        %get3A_669 = tpu.vector_load %arg24[%get3A_667, %get3A_668] {strides = array<i32>} : memref<128x128xf32, #tpu.memory_space<vmem>>, vector<16xf32>,
        %get3A_670 = arith.index_cast %add3A_659 : i32 to index
        %get3A_671 = arith.constant 16 : index
        %get3A_672 = tpu.vector_load %arg25[%get3A_670, %get3A_671] {strides = array<i32>} : memref<128x128xf32, #tpu.memory_space<vmem>>, vector<16xf32>,
        %mul3A_673 = arith.mulf %get3A_669, %get3A_672 : vector<16xf32>
        %get3A_674 = arith.index_cast %add3A_659 : i32 to index
        %get3A_675 = arith.constant 32 : index
        %get3A_676 = tpu.vector_load %arg24[%get3A_674, %get3A_675] {strides = array<i32>} : memref<128x128xf32, #tpu.memory_space<vmem>>, vector<16xf32>,
        %get3A_677 = arith.index_cast %add3A_659 : i32 to index
        %get3A_678 = arith.constant 32 : index
        %get3A_679 = tpu.vector_load %arg25[%get3A_677, %get3A_678] {strides = array<i32>} : memref<128x128xf32, #tpu.memory_space<vmem>>, vector<16xf32>,
        %mul3A_680 = arith.mulf %get3A_676, %get3A_679 : vector<16xf32>
        %get3A_681 = arith.index_cast %add3A_659 : i32 to index
        %get3A_682 = arith.constant 48 : index
        %get3A_683 = tpu.vector_load %arg24[%get3A_681, %get3A_682] {strides = array<i32>} : memref<128x128xf32, #tpu.memory_space<vmem>>, vector<16xf32>,
        %get3A_684 = arith.index_cast %add3A_659 : i32 to index
        %get3A_685 = arith.constant 48 : index
        %get3A_686 = tpu.vector_load %arg25[%get3A_684, %get3A_685] {strides = array<i32>} : memref<128x128xf32, #tpu.memory_space<vmem>>, vector<16xf32>,
        %mul3A_687 = arith.mulf %get3A_683, %get3A_686 : vector<16xf32>
        %get3A_688 = arith.index_cast %add3A_659 : i32 to index
        %get3A_689 = arith.constant 64 : index
        %get3A_690 = tpu.vector_load %arg24[%get3A_688, %get3A_689] {strides = array<i32>} : memref<128x128xf32, #tpu.memory_space<vmem>>, vector<16xf32>,
        %get3A_691 = arith.index_cast %add3A_659 : i32 to index
        %get3A_692 = arith.constant 64 : index
        %get3A_693 = tpu.vector_load %arg25[%get3A_691, %get3A_692] {strides = array<i32>} : memref<128x128xf32, #tpu.memory_space<vmem>>, vector<16xf32>,
        %mul3A_694 = arith.mulf %get3A_690, %get3A_693 : vector<16xf32>
        %get3A_695 = arith.index_cast %add3A_659 : i32 to index
        %get3A_696 = arith.constant 80 : index
        %get3A_697 = tpu.vector_load %arg24[%get3A_695, %get3A_696] {strides = array<i32>} : memref<128x128xf32, #tpu.memory_space<vmem>>, vector<16xf32>,
        %get3A_698 = arith.index_cast %add3A_659 : i32 to index
        %get3A_699 = arith.constant 80 : index
        %get3A_700 = tpu.vector_load %arg25[%get3A_698, %get3A_699] {strides = array<i32>} : memref<128x128xf32, #tpu.memory_space<vmem>>, vector<16xf32>,
        %mul3A_701 = arith.mulf %get3A_697, %get3A_700 : vector<16xf32>
        %get3A_702 = arith.index_cast %add3A_659 : i32 to index
        %get3A_703 = arith.constant 96 : index
        %get3A_704 = tpu.vector_load %arg24[%get3A_702, %get3A_703] {strides = array<i32>} : memref<128x128xf32, #tpu.memory_space<vmem>>, vector<16xf32>,
        %get3A_705 = arith.index_cast %add3A_659 : i32 to index
        %get3A_706 = arith.constant 96 : index
        %get3A_707 = tpu.vector_load %arg25[%get3A_705, %get3A_706] {strides = array<i32>} : memref<128x128xf32, #tpu.memory_space<vmem>>, vector<16xf32>,
        %mul3A_708 = arith.mulf %get3A_704, %get3A_707 : vector<16xf32>
        %get3A_709 = arith.index_cast %add3A_659 : i32 to index
        %get3A_710 = arith.constant 112 : index
        %get3A_711 = tpu.vector_load %arg24[%get3A_709, %get3A_710] {strides = array<i32>} : memref<128x128xf32, #tpu.memory_space<vmem>>, vector<16xf32>,
        %get3A_712 = arith.index_cast %add3A_659 : i32 to index
        %get3A_713 = arith.constant 112 : index
        %get3A_714 = tpu.vector_load %arg25[%get3A_712, %get3A_713] {strides = array<i32>} : memref<128x128xf32, #tpu.memory_space<vmem>>, vector<16xf32>,
        %mul3A_715 = arith.mulf %get3A_711, %get3A_714 : vector<16xf32>
        %add3A_716 = arith.addf %mul3A_666, %mul3A_673 : vector<16xf32>
        %add3A_717 = arith.addf %mul3A_680, %mul3A_687 : vector<16xf32>
        %add3A_718 = arith.addf %mul3A_694, %mul3A_701 : vector<16xf32>
        %add3A_719 = arith.addf %mul3A_708, %mul3A_715 : vector<16xf32>
        %add3A_720 = arith.addf %add3A_716, %add3A_717 : vector<16xf32>
        %add3A_721 = arith.addf %add3A_718, %add3A_719 : vector<16xf32>
        %add3A_722 = arith.addf %add3A_720, %add3A_721 : vector<16xf32>
        %mul3A_723 = arith.constant 4 : i32
        %mul3A_724 = arith.muli %scan3A_416, %mul3A_723 : i32
        %add3A_725 = arith.constant 3 : i32
        %add3A_726 = arith.addi %mul3A_724, %add3A_725 : i32
        %eq3A_727 = vector.broadcast %add3A_726 : i32 to vector<16xi32>
        %eq3A_728 = arith.cmpi eq, %iota3A, %eq3A_727 : vector<16xi32>
        %reduce_sum3A_729 = arith.constant true
        %reduce_sum3A_730 = vector.broadcast %reduce_sum3A_729 : i1 to vector<16xi1>
        %reduce_sum3A_731 = tpu.scan <sum>, %add3A_722 masked %reduce_sum3A_730 : vector<16xf32>, vector<16xi1> -> vector<16xf32>
        %reduce_sum3A_732 = vector.extract %reduce_sum3A_731[15] : f32 from vector<16xf32>
        %broadcast_in_dim3A_733 = vector.broadcast %reduce_sum3A_732 : f32 to vector<16xf32>
        %select_n3A_734 = arith.select %eq3A_728, %broadcast_in_dim3A_733, %select_n3A_654 : vector<16xi1>, vector<16xf32>
        scf.yield %select_n3A_734 : vector<16xf32>
      }
      %scan3A_391 = arith.constant 4 : i32
      %get3A = arith.constant 1 : i32
      %get3A_392 = arith.index_cast %get3A : i32 to index
      %get3A_393 = arith.index_cast %mul3A_384 : i32 to index
      %get3A_394 = tpu.vector_load %arg16[%get3A_392, %get3A_393] {strides = array<i32>} : memref<4x128xi32, #tpu.memory_space<vmem>>, vector<16xi32>,
      %gather3A = tpu.vector_load_idx %arg18[%get3A_394] : memref<32xf32, #tpu.memory_space<vmem>>[vector<16xi32>], vector<16xf32>,
      %get3A_395 = arith.index_cast %mul3A_384 : i32 to index
      %get3A_396 = tpu.vector_load %arg26[%get3A_395] {strides = array<i32>} : memref<128xf32, #tpu.memory_space<vmem>>, vector<16xf32>,
      %add3A_397 = arith.addf %scan3A_390, %get3A_396 : vector<16xf32>
      %get3A_398 = arith.index_cast %mul3A_384 : i32 to index
      %get3A_399 = tpu.vector_load %arg27[%get3A_398] {strides = array<i32>} : memref<128xf32, #tpu.memory_space<vmem>>, vector<16xf32>,
      %get3A_400 = arith.constant 1 : i32
      %get3A_401 = arith.index_cast %get3A_400 : i32 to index
      %get3A_402 = arith.index_cast %mul3A_384 : i32 to index
      %get3A_403 = tpu.vector_load %arg17[%get3A_401, %get3A_402] {strides = array<i32>} : memref<4x128xf32, #tpu.memory_space<vmem>>, vector<16xf32>,
      %mul3A_404 = arith.mulf %get3A_399, %get3A_403 : vector<16xf32>
      %add3A_405 = arith.addf %add3A_397, %mul3A_404 : vector<16xf32>
      %get3A_406 = arith.index_cast %mul3A_384 : i32 to index
      %get3A_407 = tpu.vector_load %arg28[%get3A_406] {strides = array<i32>} : memref<128xf32, #tpu.memory_space<vmem>>, vector<16xf32>,
      %add3A_408 = arith.addf %add3A_405, %get3A_407 : vector<16xf32>
      %add3A_409 = arith.addf %add3A_408, %gather3A : vector<16xf32>
      %add3A_410 = arith.constant 3.600000e+00 : f32
      %add3A_411 = vector.broadcast %add3A_410 : f32 to vector<16xf32>
      %add3A_412 = arith.addf %add3A_409, %add3A_411 : vector<16xf32>
      %swap3A = arith.constant 1 : i32
      %swap3A_413 = arith.index_cast %swap3A : i32 to index
      %swap3A_414 = arith.index_cast %mul3A_384 : i32 to index
      %swap3A_415 = tpu.vector_load %arg29[%swap3A_413, %swap3A_414] {strides = array<i32>} : memref<4x128xf32, #tpu.memory_space<vmem>>, vector<16xf32>,
      tpu.vector_store %arg29[%swap3A_413, %swap3A_414], %add3A_412 {strides = array<i32>} : memref<4x128xf32, #tpu.memory_space<vmem>>, vector<16xf32>,
    }
    %scan3A_271 = arith.constant 8 : i32
    %dma_start3A_272 = arith.constant 3 : i32
    %dma_start3A_273 = arith.constant 0 : i32
    %dma_start3A_274 = tpu.memref_slice %arg12[%dma_start3A_272, %dma_start3A_273] : memref<4x128xi32, #tpu.memory_space<vmem>> -> memref<1x128xi32, #tpu.memory_space<vmem>>
    %dma_start3A_275 = tpu.memref_squeeze %dma_start3A_274 : memref<1x128xi32, #tpu.memory_space<vmem>> -> memref<128xi32, #tpu.memory_space<vmem>>
    %dma_start3A_276 = arith.constant 0 : i32
    %dma_start3A_277 = arith.constant 0 : i32
    %dma_start3A_278 = tpu.memref_slice %arg8[%dma_start3A_276, %dma_start3A_277] : memref<100000x128xf32, #tpu.memory_space<hbm>> -> memref<100000x128xf32, #tpu.memory_space<hbm>>
    tpu.enqueue_indirect_dma source(%dma_start3A_278 : memref<100000x128xf32, #tpu.memory_space<hbm>>) target(%arg24 : memref<128x128xf32, #tpu.memory_space<vmem>>) offsets(%dma_start3A_275 : memref<128xi32, #tpu.memory_space<vmem>>) semaphore(%arg31 : memref<!tpu.dma_semaphore, #tpu.memory_space<semaphore_mem>>)
    %dma_start3A_279 = arith.constant 3 : i32
    %dma_start3A_280 = arith.constant 0 : i32
    %dma_start3A_281 = tpu.memref_slice %arg13[%dma_start3A_279, %dma_start3A_280] : memref<4x128xi32, #tpu.memory_space<vmem>> -> memref<1x128xi32, #tpu.memory_space<vmem>>
    %dma_start3A_282 = tpu.memref_squeeze %dma_start3A_281 : memref<1x128xi32, #tpu.memory_space<vmem>> -> memref<128xi32, #tpu.memory_space<vmem>>
    %dma_start3A_283 = arith.constant 0 : i32
    %dma_start3A_284 = arith.constant 0 : i32
    %dma_start3A_285 = tpu.memref_slice %arg9[%dma_start3A_283, %dma_start3A_284] : memref<100000x128xf32, #tpu.memory_space<hbm>> -> memref<100000x128xf32, #tpu.memory_space<hbm>>
    tpu.enqueue_indirect_dma source(%dma_start3A_285 : memref<100000x128xf32, #tpu.memory_space<hbm>>) target(%arg25 : memref<128x128xf32, #tpu.memory_space<vmem>>) offsets(%dma_start3A_282 : memref<128xi32, #tpu.memory_space<vmem>>) semaphore(%arg31 : memref<!tpu.dma_semaphore, #tpu.memory_space<semaphore_mem>>)
    %dma_start3A_286 = arith.constant 3 : i32
    %dma_start3A_287 = arith.constant 0 : i32
    %dma_start3A_288 = tpu.memref_slice %arg12[%dma_start3A_286, %dma_start3A_287] : memref<4x128xi32, #tpu.memory_space<vmem>> -> memref<1x128xi32, #tpu.memory_space<vmem>>
    %dma_start3A_289 = tpu.memref_squeeze %dma_start3A_288 : memref<1x128xi32, #tpu.memory_space<vmem>> -> memref<128xi32, #tpu.memory_space<vmem>>
    %dma_start3A_290 = arith.constant 0 : i32
    %dma_start3A_291 = tpu.memref_slice %arg10[%dma_start3A_290] : memref<300032xf32, #tpu.memory_space<hbm>> -> memref<300032xf32, #tpu.memory_space<hbm>>
    tpu.enqueue_indirect_dma source(%dma_start3A_291 : memref<300032xf32, #tpu.memory_space<hbm>>) target(%arg26 : memref<128xf32, #tpu.memory_space<vmem>>) offsets(%dma_start3A_289 : memref<128xi32, #tpu.memory_space<vmem>>) semaphore(%arg31 : memref<!tpu.dma_semaphore, #tpu.memory_space<semaphore_mem>>)
    %dma_start3A_292 = arith.constant 3 : i32
    %dma_start3A_293 = arith.constant 0 : i32
    %dma_start3A_294 = tpu.memref_slice %arg14[%dma_start3A_292, %dma_start3A_293] : memref<4x128xi32, #tpu.memory_space<vmem>> -> memref<1x128xi32, #tpu.memory_space<vmem>>
    %dma_start3A_295 = tpu.memref_squeeze %dma_start3A_294 : memref<1x128xi32, #tpu.memory_space<vmem>> -> memref<128xi32, #tpu.memory_space<vmem>>
    %dma_start3A_296 = arith.constant 0 : i32
    %dma_start3A_297 = tpu.memref_slice %arg10[%dma_start3A_296] : memref<300032xf32, #tpu.memory_space<hbm>> -> memref<300032xf32, #tpu.memory_space<hbm>>
    tpu.enqueue_indirect_dma source(%dma_start3A_297 : memref<300032xf32, #tpu.memory_space<hbm>>) target(%arg27 : memref<128xf32, #tpu.memory_space<vmem>>) offsets(%dma_start3A_295 : memref<128xi32, #tpu.memory_space<vmem>>) semaphore(%arg31 : memref<!tpu.dma_semaphore, #tpu.memory_space<semaphore_mem>>)
    %dma_start3A_298 = arith.constant 3 : i32
    %dma_start3A_299 = arith.constant 0 : i32
    %dma_start3A_300 = tpu.memref_slice %arg15[%dma_start3A_298, %dma_start3A_299] : memref<4x128xi32, #tpu.memory_space<vmem>> -> memref<1x128xi32, #tpu.memory_space<vmem>>
    %dma_start3A_301 = tpu.memref_squeeze %dma_start3A_300 : memref<1x128xi32, #tpu.memory_space<vmem>> -> memref<128xi32, #tpu.memory_space<vmem>>
    %dma_start3A_302 = arith.constant 0 : i32
    %dma_start3A_303 = tpu.memref_slice %arg10[%dma_start3A_302] : memref<300032xf32, #tpu.memory_space<hbm>> -> memref<300032xf32, #tpu.memory_space<hbm>>
    tpu.enqueue_indirect_dma source(%dma_start3A_303 : memref<300032xf32, #tpu.memory_space<hbm>>) target(%arg28 : memref<128xf32, #tpu.memory_space<vmem>>) offsets(%dma_start3A_301 : memref<128xi32, #tpu.memory_space<vmem>>) semaphore(%arg31 : memref<!tpu.dma_semaphore, #tpu.memory_space<semaphore_mem>>)
    %dma_wait3A_304 = arith.constant 2 : i32
    %dma_wait3A_305 = arith.constant 0 : i32
    %dma_wait3A_306 = tpu.memref_slice %arg12[%dma_wait3A_304, %dma_wait3A_305] : memref<4x128xi32, #tpu.memory_space<vmem>> -> memref<1x128xi32, #tpu.memory_space<vmem>>
    %dma_wait3A_307 = tpu.memref_squeeze %dma_wait3A_306 : memref<1x128xi32, #tpu.memory_space<vmem>> -> memref<128xi32, #tpu.memory_space<vmem>>
    %dma_wait3A_308 = arith.constant 0 : i32
    %dma_wait3A_309 = arith.constant 0 : i32
    %dma_wait3A_310 = tpu.memref_slice %arg8[%dma_wait3A_308, %dma_wait3A_309] : memref<100000x128xf32, #tpu.memory_space<hbm>> -> memref<100000x128xf32, #tpu.memory_space<hbm>>
    tpu.wait_indirect_dma semaphore(%arg30 : memref<!tpu.dma_semaphore, #tpu.memory_space<semaphore_mem>>) src(%dma_wait3A_310 : memref<100000x128xf32, #tpu.memory_space<hbm>>) dst(%arg19 : memref<128x128xf32, #tpu.memory_space<vmem>>)
    %dma_wait3A_311 = arith.constant 2 : i32
    %dma_wait3A_312 = arith.constant 0 : i32
    %dma_wait3A_313 = tpu.memref_slice %arg13[%dma_wait3A_311, %dma_wait3A_312] : memref<4x128xi32, #tpu.memory_space<vmem>> -> memref<1x128xi32, #tpu.memory_space<vmem>>
    %dma_wait3A_314 = tpu.memref_squeeze %dma_wait3A_313 : memref<1x128xi32, #tpu.memory_space<vmem>> -> memref<128xi32, #tpu.memory_space<vmem>>
    %dma_wait3A_315 = arith.constant 0 : i32
    %dma_wait3A_316 = arith.constant 0 : i32
    %dma_wait3A_317 = tpu.memref_slice %arg9[%dma_wait3A_315, %dma_wait3A_316] : memref<100000x128xf32, #tpu.memory_space<hbm>> -> memref<100000x128xf32, #tpu.memory_space<hbm>>
    tpu.wait_indirect_dma semaphore(%arg30 : memref<!tpu.dma_semaphore, #tpu.memory_space<semaphore_mem>>) src(%dma_wait3A_317 : memref<100000x128xf32, #tpu.memory_space<hbm>>) dst(%arg20 : memref<128x128xf32, #tpu.memory_space<vmem>>)
    %dma_wait3A_318 = arith.constant 2 : i32
    %dma_wait3A_319 = arith.constant 0 : i32
    %dma_wait3A_320 = tpu.memref_slice %arg12[%dma_wait3A_318, %dma_wait3A_319] : memref<4x128xi32, #tpu.memory_space<vmem>> -> memref<1x128xi32, #tpu.memory_space<vmem>>
    %dma_wait3A_321 = tpu.memref_squeeze %dma_wait3A_320 : memref<1x128xi32, #tpu.memory_space<vmem>> -> memref<128xi32, #tpu.memory_space<vmem>>
    %dma_wait3A_322 = arith.constant 0 : i32
    %dma_wait3A_323 = tpu.memref_slice %arg10[%dma_wait3A_322] : memref<300032xf32, #tpu.memory_space<hbm>> -> memref<300032xf32, #tpu.memory_space<hbm>>
    tpu.wait_indirect_dma semaphore(%arg30 : memref<!tpu.dma_semaphore, #tpu.memory_space<semaphore_mem>>) src(%dma_wait3A_323 : memref<300032xf32, #tpu.memory_space<hbm>>) dst(%arg21 : memref<128xf32, #tpu.memory_space<vmem>>)
    %dma_wait3A_324 = arith.constant 2 : i32
    %dma_wait3A_325 = arith.constant 0 : i32
    %dma_wait3A_326 = tpu.memref_slice %arg14[%dma_wait3A_324, %dma_wait3A_325] : memref<4x128xi32, #tpu.memory_space<vmem>> -> memref<1x128xi32, #tpu.memory_space<vmem>>
    %dma_wait3A_327 = tpu.memref_squeeze %dma_wait3A_326 : memref<1x128xi32, #tpu.memory_space<vmem>> -> memref<128xi32, #tpu.memory_space<vmem>>
    %dma_wait3A_328 = arith.constant 0 : i32
    %dma_wait3A_329 = tpu.memref_slice %arg10[%dma_wait3A_328] : memref<300032xf32, #tpu.memory_space<hbm>> -> memref<300032xf32, #tpu.memory_space<hbm>>
    tpu.wait_indirect_dma semaphore(%arg30 : memref<!tpu.dma_semaphore, #tpu.memory_space<semaphore_mem>>) src(%dma_wait3A_329 : memref<300032xf32, #tpu.memory_space<hbm>>) dst(%arg22 : memref<128xf32, #tpu.memory_space<vmem>>)
    %dma_wait3A_330 = arith.constant 2 : i32
    %dma_wait3A_331 = arith.constant 0 : i32
    %dma_wait3A_332 = tpu.memref_slice %arg15[%dma_wait3A_330, %dma_wait3A_331] : memref<4x128xi32, #tpu.memory_space<vmem>> -> memref<1x128xi32, #tpu.memory_space<vmem>>
    %dma_wait3A_333 = tpu.memref_squeeze %dma_wait3A_332 : memref<1x128xi32, #tpu.memory_space<vmem>> -> memref<128xi32, #tpu.memory_space<vmem>>
    %dma_wait3A_334 = arith.constant 0 : i32
    %dma_wait3A_335 = tpu.memref_slice %arg10[%dma_wait3A_334] : memref<300032xf32, #tpu.memory_space<hbm>> -> memref<300032xf32, #tpu.memory_space<hbm>>
    tpu.wait_indirect_dma semaphore(%arg30 : memref<!tpu.dma_semaphore, #tpu.memory_space<semaphore_mem>>) src(%dma_wait3A_335 : memref<300032xf32, #tpu.memory_space<hbm>>) dst(%arg23 : memref<128xf32, #tpu.memory_space<vmem>>)
    %scan3A_336 = arith.constant 0 : i32
    %scan3A_337 = arith.constant 8 : i32
    %scan3A_338 = arith.addi %scan3A_336, %scan3A_337 : i32
    %scan3A_339 = arith.constant 1 : i32
    scf.for %scan3A_378 = %scan3A_336 to %scan3A_338 step %scan3A_339  : i32 {
      %mul3A_379 = arith.constant 1 : i32
      %mul3A_380 = arith.muli %scan3A_378, %mul3A_379 : i32
      %add3A_381 = arith.constant 0 : i32
      %add3A_382 = arith.addi %add3A_381, %mul3A_380 : i32
      %mul3A_383 = arith.constant 16 : i32
      %mul3A_384 = arith.muli %add3A_382, %mul3A_383 : i32
      %broadcast_in_dim3A = arith.constant 0.000000e+00 : f32
      %broadcast_in_dim3A_385 = vector.broadcast %broadcast_in_dim3A : f32 to vector<16xf32>
      %scan3A_386 = arith.constant 0 : i32
      %scan3A_387 = arith.constant 4 : i32
      %scan3A_388 = arith.addi %scan3A_386, %scan3A_387 : i32
      %scan3A_389 = arith.constant 1 : i32
      %scan3A_390 = scf.for %scan3A_416 = %scan3A_386 to %scan3A_388 step %scan3A_389 iter_args(%scan3A_417 = %broadcast_in_dim3A_385) -> (vector<16xf32>)  : i32 {
        %mul3A_418 = arith.constant 4 : i32
        %mul3A_419 = arith.muli %scan3A_416, %mul3A_418 : i32
        %add3A_420 = arith.addi %mul3A_384, %mul3A_419 : i32
        %add3A_421 = arith.constant 0 : i32
        %add3A_422 = arith.addi %add3A_420, %add3A_421 : i32
        %get3A_423 = arith.index_cast %add3A_422 : i32 to index
        %get3A_424 = arith.constant 0 : index
        %get3A_425 = tpu.vector_load %arg19[%get3A_423, %get3A_424] {strides = array<i32>} : memref<128x128xf32, #tpu.memory_space<vmem>>, vector<16xf32>,
        %get3A_426 = arith.index_cast %add3A_422 : i32 to index
        %get3A_427 = arith.constant 0 : index
        %get3A_428 = tpu.vector_load %arg20[%get3A_426, %get3A_427] {strides = array<i32>} : memref<128x128xf32, #tpu.memory_space<vmem>>, vector<16xf32>,
        %mul3A_429 = arith.mulf %get3A_425, %get3A_428 : vector<16xf32>
        %get3A_430 = arith.index_cast %add3A_422 : i32 to index
        %get3A_431 = arith.constant 16 : index
        %get3A_432 = tpu.vector_load %arg19[%get3A_430, %get3A_431] {strides = array<i32>} : memref<128x128xf32, #tpu.memory_space<vmem>>, vector<16xf32>,
        %get3A_433 = arith.index_cast %add3A_422 : i32 to index
        %get3A_434 = arith.constant 16 : index
        %get3A_435 = tpu.vector_load %arg20[%get3A_433, %get3A_434] {strides = array<i32>} : memref<128x128xf32, #tpu.memory_space<vmem>>, vector<16xf32>,
        %mul3A_436 = arith.mulf %get3A_432, %get3A_435 : vector<16xf32>
        %get3A_437 = arith.index_cast %add3A_422 : i32 to index
        %get3A_438 = arith.constant 32 : index
        %get3A_439 = tpu.vector_load %arg19[%get3A_437, %get3A_438] {strides = array<i32>} : memref<128x128xf32, #tpu.memory_space<vmem>>, vector<16xf32>,
        %get3A_440 = arith.index_cast %add3A_422 : i32 to index
        %get3A_441 = arith.constant 32 : index
        %get3A_442 = tpu.vector_load %arg20[%get3A_440, %get3A_441] {strides = array<i32>} : memref<128x128xf32, #tpu.memory_space<vmem>>, vector<16xf32>,
        %mul3A_443 = arith.mulf %get3A_439, %get3A_442 : vector<16xf32>
        %get3A_444 = arith.index_cast %add3A_422 : i32 to index
        %get3A_445 = arith.constant 48 : index
        %get3A_446 = tpu.vector_load %arg19[%get3A_444, %get3A_445] {strides = array<i32>} : memref<128x128xf32, #tpu.memory_space<vmem>>, vector<16xf32>,
        %get3A_447 = arith.index_cast %add3A_422 : i32 to index
        %get3A_448 = arith.constant 48 : index
        %get3A_449 = tpu.vector_load %arg20[%get3A_447, %get3A_448] {strides = array<i32>} : memref<128x128xf32, #tpu.memory_space<vmem>>, vector<16xf32>,
        %mul3A_450 = arith.mulf %get3A_446, %get3A_449 : vector<16xf32>
        %get3A_451 = arith.index_cast %add3A_422 : i32 to index
        %get3A_452 = arith.constant 64 : index
        %get3A_453 = tpu.vector_load %arg19[%get3A_451, %get3A_452] {strides = array<i32>} : memref<128x128xf32, #tpu.memory_space<vmem>>, vector<16xf32>,
        %get3A_454 = arith.index_cast %add3A_422 : i32 to index
        %get3A_455 = arith.constant 64 : index
        %get3A_456 = tpu.vector_load %arg20[%get3A_454, %get3A_455] {strides = array<i32>} : memref<128x128xf32, #tpu.memory_space<vmem>>, vector<16xf32>,
        %mul3A_457 = arith.mulf %get3A_453, %get3A_456 : vector<16xf32>
        %get3A_458 = arith.index_cast %add3A_422 : i32 to index
        %get3A_459 = arith.constant 80 : index
        %get3A_460 = tpu.vector_load %arg19[%get3A_458, %get3A_459] {strides = array<i32>} : memref<128x128xf32, #tpu.memory_space<vmem>>, vector<16xf32>,
        %get3A_461 = arith.index_cast %add3A_422 : i32 to index
        %get3A_462 = arith.constant 80 : index
        %get3A_463 = tpu.vector_load %arg20[%get3A_461, %get3A_462] {strides = array<i32>} : memref<128x128xf32, #tpu.memory_space<vmem>>, vector<16xf32>,
        %mul3A_464 = arith.mulf %get3A_460, %get3A_463 : vector<16xf32>
        %get3A_465 = arith.index_cast %add3A_422 : i32 to index
        %get3A_466 = arith.constant 96 : index
        %get3A_467 = tpu.vector_load %arg19[%get3A_465, %get3A_466] {strides = array<i32>} : memref<128x128xf32, #tpu.memory_space<vmem>>, vector<16xf32>,
        %get3A_468 = arith.index_cast %add3A_422 : i32 to index
        %get3A_469 = arith.constant 96 : index
        %get3A_470 = tpu.vector_load %arg20[%get3A_468, %get3A_469] {strides = array<i32>} : memref<128x128xf32, #tpu.memory_space<vmem>>, vector<16xf32>,
        %mul3A_471 = arith.mulf %get3A_467, %get3A_470 : vector<16xf32>
        %get3A_472 = arith.index_cast %add3A_422 : i32 to index
        %get3A_473 = arith.constant 112 : index
        %get3A_474 = tpu.vector_load %arg19[%get3A_472, %get3A_473] {strides = array<i32>} : memref<128x128xf32, #tpu.memory_space<vmem>>, vector<16xf32>,
        %get3A_475 = arith.index_cast %add3A_422 : i32 to index
        %get3A_476 = arith.constant 112 : index
        %get3A_477 = tpu.vector_load %arg20[%get3A_475, %get3A_476] {strides = array<i32>} : memref<128x128xf32, #tpu.memory_space<vmem>>, vector<16xf32>,
        %mul3A_478 = arith.mulf %get3A_474, %get3A_477 : vector<16xf32>
        %add3A_479 = arith.addf %mul3A_429, %mul3A_436 : vector<16xf32>
        %add3A_480 = arith.addf %mul3A_443, %mul3A_450 : vector<16xf32>
        %add3A_481 = arith.addf %mul3A_457, %mul3A_464 : vector<16xf32>
        %add3A_482 = arith.addf %mul3A_471, %mul3A_478 : vector<16xf32>
        %add3A_483 = arith.addf %add3A_479, %add3A_480 : vector<16xf32>
        %add3A_484 = arith.addf %add3A_481, %add3A_482 : vector<16xf32>
        %add3A_485 = arith.addf %add3A_483, %add3A_484 : vector<16xf32>
        %mul3A_486 = arith.constant 4 : i32
        %mul3A_487 = arith.muli %scan3A_416, %mul3A_486 : i32
        %add3A_488 = arith.constant 0 : i32
        %add3A_489 = arith.addi %mul3A_487, %add3A_488 : i32
        %eq3A = vector.broadcast %add3A_489 : i32 to vector<16xi32>
        %eq3A_490 = arith.cmpi eq, %iota3A, %eq3A : vector<16xi32>
        %reduce_sum3A = arith.constant true
        %reduce_sum3A_491 = vector.broadcast %reduce_sum3A : i1 to vector<16xi1>
        %reduce_sum3A_492 = tpu.scan <sum>, %add3A_485 masked %reduce_sum3A_491 : vector<16xf32>, vector<16xi1> -> vector<16xf32>
        %reduce_sum3A_493 = vector.extract %reduce_sum3A_492[15] : f32 from vector<16xf32>
        %broadcast_in_dim3A_494 = vector.broadcast %reduce_sum3A_493 : f32 to vector<16xf32>
        %select_n3A = arith.select %eq3A_490, %broadcast_in_dim3A_494, %scan3A_417 : vector<16xi1>, vector<16xf32>
        %mul3A_495 = arith.constant 4 : i32
        %mul3A_496 = arith.muli %scan3A_416, %mul3A_495 : i32
        %add3A_497 = arith.addi %mul3A_384, %mul3A_496 : i32
        %add3A_498 = arith.constant 1 : i32
        %add3A_499 = arith.addi %add3A_497, %add3A_498 : i32
        %get3A_500 = arith.index_cast %add3A_499 : i32 to index
        %get3A_501 = arith.constant 0 : index
        %get3A_502 = tpu.vector_load %arg19[%get3A_500, %get3A_501] {strides = array<i32>} : memref<128x128xf32, #tpu.memory_space<vmem>>, vector<16xf32>,
        %get3A_503 = arith.index_cast %add3A_499 : i32 to index
        %get3A_504 = arith.constant 0 : index
        %get3A_505 = tpu.vector_load %arg20[%get3A_503, %get3A_504] {strides = array<i32>} : memref<128x128xf32, #tpu.memory_space<vmem>>, vector<16xf32>,
        %mul3A_506 = arith.mulf %get3A_502, %get3A_505 : vector<16xf32>
        %get3A_507 = arith.index_cast %add3A_499 : i32 to index
        %get3A_508 = arith.constant 16 : index
        %get3A_509 = tpu.vector_load %arg19[%get3A_507, %get3A_508] {strides = array<i32>} : memref<128x128xf32, #tpu.memory_space<vmem>>, vector<16xf32>,
        %get3A_510 = arith.index_cast %add3A_499 : i32 to index
        %get3A_511 = arith.constant 16 : index
        %get3A_512 = tpu.vector_load %arg20[%get3A_510, %get3A_511] {strides = array<i32>} : memref<128x128xf32, #tpu.memory_space<vmem>>, vector<16xf32>,
        %mul3A_513 = arith.mulf %get3A_509, %get3A_512 : vector<16xf32>
        %get3A_514 = arith.index_cast %add3A_499 : i32 to index
        %get3A_515 = arith.constant 32 : index
        %get3A_516 = tpu.vector_load %arg19[%get3A_514, %get3A_515] {strides = array<i32>} : memref<128x128xf32, #tpu.memory_space<vmem>>, vector<16xf32>,
        %get3A_517 = arith.index_cast %add3A_499 : i32 to index
        %get3A_518 = arith.constant 32 : index
        %get3A_519 = tpu.vector_load %arg20[%get3A_517, %get3A_518] {strides = array<i32>} : memref<128x128xf32, #tpu.memory_space<vmem>>, vector<16xf32>,
        %mul3A_520 = arith.mulf %get3A_516, %get3A_519 : vector<16xf32>
        %get3A_521 = arith.index_cast %add3A_499 : i32 to index
        %get3A_522 = arith.constant 48 : index
        %get3A_523 = tpu.vector_load %arg19[%get3A_521, %get3A_522] {strides = array<i32>} : memref<128x128xf32, #tpu.memory_space<vmem>>, vector<16xf32>,
        %get3A_524 = arith.index_cast %add3A_499 : i32 to index
        %get3A_525 = arith.constant 48 : index
        %get3A_526 = tpu.vector_load %arg20[%get3A_524, %get3A_525] {strides = array<i32>} : memref<128x128xf32, #tpu.memory_space<vmem>>, vector<16xf32>,
        %mul3A_527 = arith.mulf %get3A_523, %get3A_526 : vector<16xf32>
        %get3A_528 = arith.index_cast %add3A_499 : i32 to index
        %get3A_529 = arith.constant 64 : index
        %get3A_530 = tpu.vector_load %arg19[%get3A_528, %get3A_529] {strides = array<i32>} : memref<128x128xf32, #tpu.memory_space<vmem>>, vector<16xf32>,
        %get3A_531 = arith.index_cast %add3A_499 : i32 to index
        %get3A_532 = arith.constant 64 : index
        %get3A_533 = tpu.vector_load %arg20[%get3A_531, %get3A_532] {strides = array<i32>} : memref<128x128xf32, #tpu.memory_space<vmem>>, vector<16xf32>,
        %mul3A_534 = arith.mulf %get3A_530, %get3A_533 : vector<16xf32>
        %get3A_535 = arith.index_cast %add3A_499 : i32 to index
        %get3A_536 = arith.constant 80 : index
        %get3A_537 = tpu.vector_load %arg19[%get3A_535, %get3A_536] {strides = array<i32>} : memref<128x128xf32, #tpu.memory_space<vmem>>, vector<16xf32>,
        %get3A_538 = arith.index_cast %add3A_499 : i32 to index
        %get3A_539 = arith.constant 80 : index
        %get3A_540 = tpu.vector_load %arg20[%get3A_538, %get3A_539] {strides = array<i32>} : memref<128x128xf32, #tpu.memory_space<vmem>>, vector<16xf32>,
        %mul3A_541 = arith.mulf %get3A_537, %get3A_540 : vector<16xf32>
        %get3A_542 = arith.index_cast %add3A_499 : i32 to index
        %get3A_543 = arith.constant 96 : index
        %get3A_544 = tpu.vector_load %arg19[%get3A_542, %get3A_543] {strides = array<i32>} : memref<128x128xf32, #tpu.memory_space<vmem>>, vector<16xf32>,
        %get3A_545 = arith.index_cast %add3A_499 : i32 to index
        %get3A_546 = arith.constant 96 : index
        %get3A_547 = tpu.vector_load %arg20[%get3A_545, %get3A_546] {strides = array<i32>} : memref<128x128xf32, #tpu.memory_space<vmem>>, vector<16xf32>,
        %mul3A_548 = arith.mulf %get3A_544, %get3A_547 : vector<16xf32>
        %get3A_549 = arith.index_cast %add3A_499 : i32 to index
        %get3A_550 = arith.constant 112 : index
        %get3A_551 = tpu.vector_load %arg19[%get3A_549, %get3A_550] {strides = array<i32>} : memref<128x128xf32, #tpu.memory_space<vmem>>, vector<16xf32>,
        %get3A_552 = arith.index_cast %add3A_499 : i32 to index
        %get3A_553 = arith.constant 112 : index
        %get3A_554 = tpu.vector_load %arg20[%get3A_552, %get3A_553] {strides = array<i32>} : memref<128x128xf32, #tpu.memory_space<vmem>>, vector<16xf32>,
        %mul3A_555 = arith.mulf %get3A_551, %get3A_554 : vector<16xf32>
        %add3A_556 = arith.addf %mul3A_506, %mul3A_513 : vector<16xf32>
        %add3A_557 = arith.addf %mul3A_520, %mul3A_527 : vector<16xf32>
        %add3A_558 = arith.addf %mul3A_534, %mul3A_541 : vector<16xf32>
        %add3A_559 = arith.addf %mul3A_548, %mul3A_555 : vector<16xf32>
        %add3A_560 = arith.addf %add3A_556, %add3A_557 : vector<16xf32>
        %add3A_561 = arith.addf %add3A_558, %add3A_559 : vector<16xf32>
        %add3A_562 = arith.addf %add3A_560, %add3A_561 : vector<16xf32>
        %mul3A_563 = arith.constant 4 : i32
        %mul3A_564 = arith.muli %scan3A_416, %mul3A_563 : i32
        %add3A_565 = arith.constant 1 : i32
        %add3A_566 = arith.addi %mul3A_564, %add3A_565 : i32
        %eq3A_567 = vector.broadcast %add3A_566 : i32 to vector<16xi32>
        %eq3A_568 = arith.cmpi eq, %iota3A, %eq3A_567 : vector<16xi32>
        %reduce_sum3A_569 = arith.constant true
        %reduce_sum3A_570 = vector.broadcast %reduce_sum3A_569 : i1 to vector<16xi1>
        %reduce_sum3A_571 = tpu.scan <sum>, %add3A_562 masked %reduce_sum3A_570 : vector<16xf32>, vector<16xi1> -> vector<16xf32>
        %reduce_sum3A_572 = vector.extract %reduce_sum3A_571[15] : f32 from vector<16xf32>
        %broadcast_in_dim3A_573 = vector.broadcast %reduce_sum3A_572 : f32 to vector<16xf32>
        %select_n3A_574 = arith.select %eq3A_568, %broadcast_in_dim3A_573, %select_n3A : vector<16xi1>, vector<16xf32>
        %mul3A_575 = arith.constant 4 : i32
        %mul3A_576 = arith.muli %scan3A_416, %mul3A_575 : i32
        %add3A_577 = arith.addi %mul3A_384, %mul3A_576 : i32
        %add3A_578 = arith.constant 2 : i32
        %add3A_579 = arith.addi %add3A_577, %add3A_578 : i32
        %get3A_580 = arith.index_cast %add3A_579 : i32 to index
        %get3A_581 = arith.constant 0 : index
        %get3A_582 = tpu.vector_load %arg19[%get3A_580, %get3A_581] {strides = array<i32>} : memref<128x128xf32, #tpu.memory_space<vmem>>, vector<16xf32>,
        %get3A_583 = arith.index_cast %add3A_579 : i32 to index
        %get3A_584 = arith.constant 0 : index
        %get3A_585 = tpu.vector_load %arg20[%get3A_583, %get3A_584] {strides = array<i32>} : memref<128x128xf32, #tpu.memory_space<vmem>>, vector<16xf32>,
        %mul3A_586 = arith.mulf %get3A_582, %get3A_585 : vector<16xf32>
        %get3A_587 = arith.index_cast %add3A_579 : i32 to index
        %get3A_588 = arith.constant 16 : index
        %get3A_589 = tpu.vector_load %arg19[%get3A_587, %get3A_588] {strides = array<i32>} : memref<128x128xf32, #tpu.memory_space<vmem>>, vector<16xf32>,
        %get3A_590 = arith.index_cast %add3A_579 : i32 to index
        %get3A_591 = arith.constant 16 : index
        %get3A_592 = tpu.vector_load %arg20[%get3A_590, %get3A_591] {strides = array<i32>} : memref<128x128xf32, #tpu.memory_space<vmem>>, vector<16xf32>,
        %mul3A_593 = arith.mulf %get3A_589, %get3A_592 : vector<16xf32>
        %get3A_594 = arith.index_cast %add3A_579 : i32 to index
        %get3A_595 = arith.constant 32 : index
        %get3A_596 = tpu.vector_load %arg19[%get3A_594, %get3A_595] {strides = array<i32>} : memref<128x128xf32, #tpu.memory_space<vmem>>, vector<16xf32>,
        %get3A_597 = arith.index_cast %add3A_579 : i32 to index
        %get3A_598 = arith.constant 32 : index
        %get3A_599 = tpu.vector_load %arg20[%get3A_597, %get3A_598] {strides = array<i32>} : memref<128x128xf32, #tpu.memory_space<vmem>>, vector<16xf32>,
        %mul3A_600 = arith.mulf %get3A_596, %get3A_599 : vector<16xf32>
        %get3A_601 = arith.index_cast %add3A_579 : i32 to index
        %get3A_602 = arith.constant 48 : index
        %get3A_603 = tpu.vector_load %arg19[%get3A_601, %get3A_602] {strides = array<i32>} : memref<128x128xf32, #tpu.memory_space<vmem>>, vector<16xf32>,
        %get3A_604 = arith.index_cast %add3A_579 : i32 to index
        %get3A_605 = arith.constant 48 : index
        %get3A_606 = tpu.vector_load %arg20[%get3A_604, %get3A_605] {strides = array<i32>} : memref<128x128xf32, #tpu.memory_space<vmem>>, vector<16xf32>,
        %mul3A_607 = arith.mulf %get3A_603, %get3A_606 : vector<16xf32>
        %get3A_608 = arith.index_cast %add3A_579 : i32 to index
        %get3A_609 = arith.constant 64 : index
        %get3A_610 = tpu.vector_load %arg19[%get3A_608, %get3A_609] {strides = array<i32>} : memref<128x128xf32, #tpu.memory_space<vmem>>, vector<16xf32>,
        %get3A_611 = arith.index_cast %add3A_579 : i32 to index
        %get3A_612 = arith.constant 64 : index
        %get3A_613 = tpu.vector_load %arg20[%get3A_611, %get3A_612] {strides = array<i32>} : memref<128x128xf32, #tpu.memory_space<vmem>>, vector<16xf32>,
        %mul3A_614 = arith.mulf %get3A_610, %get3A_613 : vector<16xf32>
        %get3A_615 = arith.index_cast %add3A_579 : i32 to index
        %get3A_616 = arith.constant 80 : index
        %get3A_617 = tpu.vector_load %arg19[%get3A_615, %get3A_616] {strides = array<i32>} : memref<128x128xf32, #tpu.memory_space<vmem>>, vector<16xf32>,
        %get3A_618 = arith.index_cast %add3A_579 : i32 to index
        %get3A_619 = arith.constant 80 : index
        %get3A_620 = tpu.vector_load %arg20[%get3A_618, %get3A_619] {strides = array<i32>} : memref<128x128xf32, #tpu.memory_space<vmem>>, vector<16xf32>,
        %mul3A_621 = arith.mulf %get3A_617, %get3A_620 : vector<16xf32>
        %get3A_622 = arith.index_cast %add3A_579 : i32 to index
        %get3A_623 = arith.constant 96 : index
        %get3A_624 = tpu.vector_load %arg19[%get3A_622, %get3A_623] {strides = array<i32>} : memref<128x128xf32, #tpu.memory_space<vmem>>, vector<16xf32>,
        %get3A_625 = arith.index_cast %add3A_579 : i32 to index
        %get3A_626 = arith.constant 96 : index
        %get3A_627 = tpu.vector_load %arg20[%get3A_625, %get3A_626] {strides = array<i32>} : memref<128x128xf32, #tpu.memory_space<vmem>>, vector<16xf32>,
        %mul3A_628 = arith.mulf %get3A_624, %get3A_627 : vector<16xf32>
        %get3A_629 = arith.index_cast %add3A_579 : i32 to index
        %get3A_630 = arith.constant 112 : index
        %get3A_631 = tpu.vector_load %arg19[%get3A_629, %get3A_630] {strides = array<i32>} : memref<128x128xf32, #tpu.memory_space<vmem>>, vector<16xf32>,
        %get3A_632 = arith.index_cast %add3A_579 : i32 to index
        %get3A_633 = arith.constant 112 : index
        %get3A_634 = tpu.vector_load %arg20[%get3A_632, %get3A_633] {strides = array<i32>} : memref<128x128xf32, #tpu.memory_space<vmem>>, vector<16xf32>,
        %mul3A_635 = arith.mulf %get3A_631, %get3A_634 : vector<16xf32>
        %add3A_636 = arith.addf %mul3A_586, %mul3A_593 : vector<16xf32>
        %add3A_637 = arith.addf %mul3A_600, %mul3A_607 : vector<16xf32>
        %add3A_638 = arith.addf %mul3A_614, %mul3A_621 : vector<16xf32>
        %add3A_639 = arith.addf %mul3A_628, %mul3A_635 : vector<16xf32>
        %add3A_640 = arith.addf %add3A_636, %add3A_637 : vector<16xf32>
        %add3A_641 = arith.addf %add3A_638, %add3A_639 : vector<16xf32>
        %add3A_642 = arith.addf %add3A_640, %add3A_641 : vector<16xf32>
        %mul3A_643 = arith.constant 4 : i32
        %mul3A_644 = arith.muli %scan3A_416, %mul3A_643 : i32
        %add3A_645 = arith.constant 2 : i32
        %add3A_646 = arith.addi %mul3A_644, %add3A_645 : i32
        %eq3A_647 = vector.broadcast %add3A_646 : i32 to vector<16xi32>
        %eq3A_648 = arith.cmpi eq, %iota3A, %eq3A_647 : vector<16xi32>
        %reduce_sum3A_649 = arith.constant true
        %reduce_sum3A_650 = vector.broadcast %reduce_sum3A_649 : i1 to vector<16xi1>
        %reduce_sum3A_651 = tpu.scan <sum>, %add3A_642 masked %reduce_sum3A_650 : vector<16xf32>, vector<16xi1> -> vector<16xf32>
        %reduce_sum3A_652 = vector.extract %reduce_sum3A_651[15] : f32 from vector<16xf32>
        %broadcast_in_dim3A_653 = vector.broadcast %reduce_sum3A_652 : f32 to vector<16xf32>
        %select_n3A_654 = arith.select %eq3A_648, %broadcast_in_dim3A_653, %select_n3A_574 : vector<16xi1>, vector<16xf32>
        %mul3A_655 = arith.constant 4 : i32
        %mul3A_656 = arith.muli %scan3A_416, %mul3A_655 : i32
        %add3A_657 = arith.addi %mul3A_384, %mul3A_656 : i32
        %add3A_658 = arith.constant 3 : i32
        %add3A_659 = arith.addi %add3A_657, %add3A_658 : i32
        %get3A_660 = arith.index_cast %add3A_659 : i32 to index
        %get3A_661 = arith.constant 0 : index
        %get3A_662 = tpu.vector_load %arg19[%get3A_660, %get3A_661] {strides = array<i32>} : memref<128x128xf32, #tpu.memory_space<vmem>>, vector<16xf32>,
        %get3A_663 = arith.index_cast %add3A_659 : i32 to index
        %get3A_664 = arith.constant 0 : index
        %get3A_665 = tpu.vector_load %arg20[%get3A_663, %get3A_664] {strides = array<i32>} : memref<128x128xf32, #tpu.memory_space<vmem>>, vector<16xf32>,
        %mul3A_666 = arith.mulf %get3A_662, %get3A_665 : vector<16xf32>
        %get3A_667 = arith.index_cast %add3A_659 : i32 to index
        %get3A_668 = arith.constant 16 : index
        %get3A_669 = tpu.vector_load %arg19[%get3A_667, %get3A_668] {strides = array<i32>} : memref<128x128xf32, #tpu.memory_space<vmem>>, vector<16xf32>,
        %get3A_670 = arith.index_cast %add3A_659 : i32 to index
        %get3A_671 = arith.constant 16 : index
        %get3A_672 = tpu.vector_load %arg20[%get3A_670, %get3A_671] {strides = array<i32>} : memref<128x128xf32, #tpu.memory_space<vmem>>, vector<16xf32>,
        %mul3A_673 = arith.mulf %get3A_669, %get3A_672 : vector<16xf32>
        %get3A_674 = arith.index_cast %add3A_659 : i32 to index
        %get3A_675 = arith.constant 32 : index
        %get3A_676 = tpu.vector_load %arg19[%get3A_674, %get3A_675] {strides = array<i32>} : memref<128x128xf32, #tpu.memory_space<vmem>>, vector<16xf32>,
        %get3A_677 = arith.index_cast %add3A_659 : i32 to index
        %get3A_678 = arith.constant 32 : index
        %get3A_679 = tpu.vector_load %arg20[%get3A_677, %get3A_678] {strides = array<i32>} : memref<128x128xf32, #tpu.memory_space<vmem>>, vector<16xf32>,
        %mul3A_680 = arith.mulf %get3A_676, %get3A_679 : vector<16xf32>
        %get3A_681 = arith.index_cast %add3A_659 : i32 to index
        %get3A_682 = arith.constant 48 : index
        %get3A_683 = tpu.vector_load %arg19[%get3A_681, %get3A_682] {strides = array<i32>} : memref<128x128xf32, #tpu.memory_space<vmem>>, vector<16xf32>,
        %get3A_684 = arith.index_cast %add3A_659 : i32 to index
        %get3A_685 = arith.constant 48 : index
        %get3A_686 = tpu.vector_load %arg20[%get3A_684, %get3A_685] {strides = array<i32>} : memref<128x128xf32, #tpu.memory_space<vmem>>, vector<16xf32>,
        %mul3A_687 = arith.mulf %get3A_683, %get3A_686 : vector<16xf32>
        %get3A_688 = arith.index_cast %add3A_659 : i32 to index
        %get3A_689 = arith.constant 64 : index
        %get3A_690 = tpu.vector_load %arg19[%get3A_688, %get3A_689] {strides = array<i32>} : memref<128x128xf32, #tpu.memory_space<vmem>>, vector<16xf32>,
        %get3A_691 = arith.index_cast %add3A_659 : i32 to index
        %get3A_692 = arith.constant 64 : index
        %get3A_693 = tpu.vector_load %arg20[%get3A_691, %get3A_692] {strides = array<i32>} : memref<128x128xf32, #tpu.memory_space<vmem>>, vector<16xf32>,
        %mul3A_694 = arith.mulf %get3A_690, %get3A_693 : vector<16xf32>
        %get3A_695 = arith.index_cast %add3A_659 : i32 to index
        %get3A_696 = arith.constant 80 : index
        %get3A_697 = tpu.vector_load %arg19[%get3A_695, %get3A_696] {strides = array<i32>} : memref<128x128xf32, #tpu.memory_space<vmem>>, vector<16xf32>,
        %get3A_698 = arith.index_cast %add3A_659 : i32 to index
        %get3A_699 = arith.constant 80 : index
        %get3A_700 = tpu.vector_load %arg20[%get3A_698, %get3A_699] {strides = array<i32>} : memref<128x128xf32, #tpu.memory_space<vmem>>, vector<16xf32>,
        %mul3A_701 = arith.mulf %get3A_697, %get3A_700 : vector<16xf32>
        %get3A_702 = arith.index_cast %add3A_659 : i32 to index
        %get3A_703 = arith.constant 96 : index
        %get3A_704 = tpu.vector_load %arg19[%get3A_702, %get3A_703] {strides = array<i32>} : memref<128x128xf32, #tpu.memory_space<vmem>>, vector<16xf32>,
        %get3A_705 = arith.index_cast %add3A_659 : i32 to index
        %get3A_706 = arith.constant 96 : index
        %get3A_707 = tpu.vector_load %arg20[%get3A_705, %get3A_706] {strides = array<i32>} : memref<128x128xf32, #tpu.memory_space<vmem>>, vector<16xf32>,
        %mul3A_708 = arith.mulf %get3A_704, %get3A_707 : vector<16xf32>
        %get3A_709 = arith.index_cast %add3A_659 : i32 to index
        %get3A_710 = arith.constant 112 : index
        %get3A_711 = tpu.vector_load %arg19[%get3A_709, %get3A_710] {strides = array<i32>} : memref<128x128xf32, #tpu.memory_space<vmem>>, vector<16xf32>,
        %get3A_712 = arith.index_cast %add3A_659 : i32 to index
        %get3A_713 = arith.constant 112 : index
        %get3A_714 = tpu.vector_load %arg20[%get3A_712, %get3A_713] {strides = array<i32>} : memref<128x128xf32, #tpu.memory_space<vmem>>, vector<16xf32>,
        %mul3A_715 = arith.mulf %get3A_711, %get3A_714 : vector<16xf32>
        %add3A_716 = arith.addf %mul3A_666, %mul3A_673 : vector<16xf32>
        %add3A_717 = arith.addf %mul3A_680, %mul3A_687 : vector<16xf32>
        %add3A_718 = arith.addf %mul3A_694, %mul3A_701 : vector<16xf32>
        %add3A_719 = arith.addf %mul3A_708, %mul3A_715 : vector<16xf32>
        %add3A_720 = arith.addf %add3A_716, %add3A_717 : vector<16xf32>
        %add3A_721 = arith.addf %add3A_718, %add3A_719 : vector<16xf32>
        %add3A_722 = arith.addf %add3A_720, %add3A_721 : vector<16xf32>
        %mul3A_723 = arith.constant 4 : i32
        %mul3A_724 = arith.muli %scan3A_416, %mul3A_723 : i32
        %add3A_725 = arith.constant 3 : i32
        %add3A_726 = arith.addi %mul3A_724, %add3A_725 : i32
        %eq3A_727 = vector.broadcast %add3A_726 : i32 to vector<16xi32>
        %eq3A_728 = arith.cmpi eq, %iota3A, %eq3A_727 : vector<16xi32>
        %reduce_sum3A_729 = arith.constant true
        %reduce_sum3A_730 = vector.broadcast %reduce_sum3A_729 : i1 to vector<16xi1>
        %reduce_sum3A_731 = tpu.scan <sum>, %add3A_722 masked %reduce_sum3A_730 : vector<16xf32>, vector<16xi1> -> vector<16xf32>
        %reduce_sum3A_732 = vector.extract %reduce_sum3A_731[15] : f32 from vector<16xf32>
        %broadcast_in_dim3A_733 = vector.broadcast %reduce_sum3A_732 : f32 to vector<16xf32>
        %select_n3A_734 = arith.select %eq3A_728, %broadcast_in_dim3A_733, %select_n3A_654 : vector<16xi1>, vector<16xf32>
        scf.yield %select_n3A_734 : vector<16xf32>
      }
      %scan3A_391 = arith.constant 4 : i32
      %get3A = arith.constant 2 : i32
      %get3A_392 = arith.index_cast %get3A : i32 to index
      %get3A_393 = arith.index_cast %mul3A_384 : i32 to index
      %get3A_394 = tpu.vector_load %arg16[%get3A_392, %get3A_393] {strides = array<i32>} : memref<4x128xi32, #tpu.memory_space<vmem>>, vector<16xi32>,
      %gather3A = tpu.vector_load_idx %arg18[%get3A_394] : memref<32xf32, #tpu.memory_space<vmem>>[vector<16xi32>], vector<16xf32>,
      %get3A_395 = arith.index_cast %mul3A_384 : i32 to index
      %get3A_396 = tpu.vector_load %arg21[%get3A_395] {strides = array<i32>} : memref<128xf32, #tpu.memory_space<vmem>>, vector<16xf32>,
      %add3A_397 = arith.addf %scan3A_390, %get3A_396 : vector<16xf32>
      %get3A_398 = arith.index_cast %mul3A_384 : i32 to index
      %get3A_399 = tpu.vector_load %arg22[%get3A_398] {strides = array<i32>} : memref<128xf32, #tpu.memory_space<vmem>>, vector<16xf32>,
      %get3A_400 = arith.constant 2 : i32
      %get3A_401 = arith.index_cast %get3A_400 : i32 to index
      %get3A_402 = arith.index_cast %mul3A_384 : i32 to index
      %get3A_403 = tpu.vector_load %arg17[%get3A_401, %get3A_402] {strides = array<i32>} : memref<4x128xf32, #tpu.memory_space<vmem>>, vector<16xf32>,
      %mul3A_404 = arith.mulf %get3A_399, %get3A_403 : vector<16xf32>
      %add3A_405 = arith.addf %add3A_397, %mul3A_404 : vector<16xf32>
      %get3A_406 = arith.index_cast %mul3A_384 : i32 to index
      %get3A_407 = tpu.vector_load %arg23[%get3A_406] {strides = array<i32>} : memref<128xf32, #tpu.memory_space<vmem>>, vector<16xf32>,
      %add3A_408 = arith.addf %add3A_405, %get3A_407 : vector<16xf32>
      %add3A_409 = arith.addf %add3A_408, %gather3A : vector<16xf32>
      %add3A_410 = arith.constant 3.600000e+00 : f32
      %add3A_411 = vector.broadcast %add3A_410 : f32 to vector<16xf32>
      %add3A_412 = arith.addf %add3A_409, %add3A_411 : vector<16xf32>
      %swap3A = arith.constant 2 : i32
      %swap3A_413 = arith.index_cast %swap3A : i32 to index
      %swap3A_414 = arith.index_cast %mul3A_384 : i32 to index
      %swap3A_415 = tpu.vector_load %arg29[%swap3A_413, %swap3A_414] {strides = array<i32>} : memref<4x128xf32, #tpu.memory_space<vmem>>, vector<16xf32>,
      tpu.vector_store %arg29[%swap3A_413, %swap3A_414], %add3A_412 {strides = array<i32>} : memref<4x128xf32, #tpu.memory_space<vmem>>, vector<16xf32>,
    }
    %scan3A_340 = arith.constant 8 : i32
    %dma_wait3A_341 = arith.constant 3 : i32
    %dma_wait3A_342 = arith.constant 0 : i32
    %dma_wait3A_343 = tpu.memref_slice %arg12[%dma_wait3A_341, %dma_wait3A_342] : memref<4x128xi32, #tpu.memory_space<vmem>> -> memref<1x128xi32, #tpu.memory_space<vmem>>
    %dma_wait3A_344 = tpu.memref_squeeze %dma_wait3A_343 : memref<1x128xi32, #tpu.memory_space<vmem>> -> memref<128xi32, #tpu.memory_space<vmem>>
    %dma_wait3A_345 = arith.constant 0 : i32
    %dma_wait3A_346 = arith.constant 0 : i32
    %dma_wait3A_347 = tpu.memref_slice %arg8[%dma_wait3A_345, %dma_wait3A_346] : memref<100000x128xf32, #tpu.memory_space<hbm>> -> memref<100000x128xf32, #tpu.memory_space<hbm>>
    tpu.wait_indirect_dma semaphore(%arg31 : memref<!tpu.dma_semaphore, #tpu.memory_space<semaphore_mem>>) src(%dma_wait3A_347 : memref<100000x128xf32, #tpu.memory_space<hbm>>) dst(%arg24 : memref<128x128xf32, #tpu.memory_space<vmem>>)
    %dma_wait3A_348 = arith.constant 3 : i32
    %dma_wait3A_349 = arith.constant 0 : i32
    %dma_wait3A_350 = tpu.memref_slice %arg13[%dma_wait3A_348, %dma_wait3A_349] : memref<4x128xi32, #tpu.memory_space<vmem>> -> memref<1x128xi32, #tpu.memory_space<vmem>>
    %dma_wait3A_351 = tpu.memref_squeeze %dma_wait3A_350 : memref<1x128xi32, #tpu.memory_space<vmem>> -> memref<128xi32, #tpu.memory_space<vmem>>
    %dma_wait3A_352 = arith.constant 0 : i32
    %dma_wait3A_353 = arith.constant 0 : i32
    %dma_wait3A_354 = tpu.memref_slice %arg9[%dma_wait3A_352, %dma_wait3A_353] : memref<100000x128xf32, #tpu.memory_space<hbm>> -> memref<100000x128xf32, #tpu.memory_space<hbm>>
    tpu.wait_indirect_dma semaphore(%arg31 : memref<!tpu.dma_semaphore, #tpu.memory_space<semaphore_mem>>) src(%dma_wait3A_354 : memref<100000x128xf32, #tpu.memory_space<hbm>>) dst(%arg25 : memref<128x128xf32, #tpu.memory_space<vmem>>)
    %dma_wait3A_355 = arith.constant 3 : i32
    %dma_wait3A_356 = arith.constant 0 : i32
    %dma_wait3A_357 = tpu.memref_slice %arg12[%dma_wait3A_355, %dma_wait3A_356] : memref<4x128xi32, #tpu.memory_space<vmem>> -> memref<1x128xi32, #tpu.memory_space<vmem>>
    %dma_wait3A_358 = tpu.memref_squeeze %dma_wait3A_357 : memref<1x128xi32, #tpu.memory_space<vmem>> -> memref<128xi32, #tpu.memory_space<vmem>>
    %dma_wait3A_359 = arith.constant 0 : i32
    %dma_wait3A_360 = tpu.memref_slice %arg10[%dma_wait3A_359] : memref<300032xf32, #tpu.memory_space<hbm>> -> memref<300032xf32, #tpu.memory_space<hbm>>
    tpu.wait_indirect_dma semaphore(%arg31 : memref<!tpu.dma_semaphore, #tpu.memory_space<semaphore_mem>>) src(%dma_wait3A_360 : memref<300032xf32, #tpu.memory_space<hbm>>) dst(%arg26 : memref<128xf32, #tpu.memory_space<vmem>>)
    %dma_wait3A_361 = arith.constant 3 : i32
    %dma_wait3A_362 = arith.constant 0 : i32
    %dma_wait3A_363 = tpu.memref_slice %arg14[%dma_wait3A_361, %dma_wait3A_362] : memref<4x128xi32, #tpu.memory_space<vmem>> -> memref<1x128xi32, #tpu.memory_space<vmem>>
    %dma_wait3A_364 = tpu.memref_squeeze %dma_wait3A_363 : memref<1x128xi32, #tpu.memory_space<vmem>> -> memref<128xi32, #tpu.memory_space<vmem>>
    %dma_wait3A_365 = arith.constant 0 : i32
    %dma_wait3A_366 = tpu.memref_slice %arg10[%dma_wait3A_365] : memref<300032xf32, #tpu.memory_space<hbm>> -> memref<300032xf32, #tpu.memory_space<hbm>>
    tpu.wait_indirect_dma semaphore(%arg31 : memref<!tpu.dma_semaphore, #tpu.memory_space<semaphore_mem>>) src(%dma_wait3A_366 : memref<300032xf32, #tpu.memory_space<hbm>>) dst(%arg27 : memref<128xf32, #tpu.memory_space<vmem>>)
    %dma_wait3A_367 = arith.constant 3 : i32
    %dma_wait3A_368 = arith.constant 0 : i32
    %dma_wait3A_369 = tpu.memref_slice %arg15[%dma_wait3A_367, %dma_wait3A_368] : memref<4x128xi32, #tpu.memory_space<vmem>> -> memref<1x128xi32, #tpu.memory_space<vmem>>
    %dma_wait3A_370 = tpu.memref_squeeze %dma_wait3A_369 : memref<1x128xi32, #tpu.memory_space<vmem>> -> memref<128xi32, #tpu.memory_space<vmem>>
    %dma_wait3A_371 = arith.constant 0 : i32
    %dma_wait3A_372 = tpu.memref_slice %arg10[%dma_wait3A_371] : memref<300032xf32, #tpu.memory_space<hbm>> -> memref<300032xf32, #tpu.memory_space<hbm>>
    tpu.wait_indirect_dma semaphore(%arg31 : memref<!tpu.dma_semaphore, #tpu.memory_space<semaphore_mem>>) src(%dma_wait3A_372 : memref<300032xf32, #tpu.memory_space<hbm>>) dst(%arg28 : memref<128xf32, #tpu.memory_space<vmem>>)
    %scan3A_373 = arith.constant 0 : i32
    %scan3A_374 = arith.constant 8 : i32
    %scan3A_375 = arith.addi %scan3A_373, %scan3A_374 : i32
    %scan3A_376 = arith.constant 1 : i32
    scf.for %scan3A_378 = %scan3A_373 to %scan3A_375 step %scan3A_376  : i32 {
      %mul3A_379 = arith.constant 1 : i32
      %mul3A_380 = arith.muli %scan3A_378, %mul3A_379 : i32
      %add3A_381 = arith.constant 0 : i32
      %add3A_382 = arith.addi %add3A_381, %mul3A_380 : i32
      %mul3A_383 = arith.constant 16 : i32
      %mul3A_384 = arith.muli %add3A_382, %mul3A_383 : i32
      %broadcast_in_dim3A = arith.constant 0.000000e+00 : f32
      %broadcast_in_dim3A_385 = vector.broadcast %broadcast_in_dim3A : f32 to vector<16xf32>
      %scan3A_386 = arith.constant 0 : i32
      %scan3A_387 = arith.constant 4 : i32
      %scan3A_388 = arith.addi %scan3A_386, %scan3A_387 : i32
      %scan3A_389 = arith.constant 1 : i32
      %scan3A_390 = scf.for %scan3A_416 = %scan3A_386 to %scan3A_388 step %scan3A_389 iter_args(%scan3A_417 = %broadcast_in_dim3A_385) -> (vector<16xf32>)  : i32 {
        %mul3A_418 = arith.constant 4 : i32
        %mul3A_419 = arith.muli %scan3A_416, %mul3A_418 : i32
        %add3A_420 = arith.addi %mul3A_384, %mul3A_419 : i32
        %add3A_421 = arith.constant 0 : i32
        %add3A_422 = arith.addi %add3A_420, %add3A_421 : i32
        %get3A_423 = arith.index_cast %add3A_422 : i32 to index
        %get3A_424 = arith.constant 0 : index
        %get3A_425 = tpu.vector_load %arg24[%get3A_423, %get3A_424] {strides = array<i32>} : memref<128x128xf32, #tpu.memory_space<vmem>>, vector<16xf32>,
        %get3A_426 = arith.index_cast %add3A_422 : i32 to index
        %get3A_427 = arith.constant 0 : index
        %get3A_428 = tpu.vector_load %arg25[%get3A_426, %get3A_427] {strides = array<i32>} : memref<128x128xf32, #tpu.memory_space<vmem>>, vector<16xf32>,
        %mul3A_429 = arith.mulf %get3A_425, %get3A_428 : vector<16xf32>
        %get3A_430 = arith.index_cast %add3A_422 : i32 to index
        %get3A_431 = arith.constant 16 : index
        %get3A_432 = tpu.vector_load %arg24[%get3A_430, %get3A_431] {strides = array<i32>} : memref<128x128xf32, #tpu.memory_space<vmem>>, vector<16xf32>,
        %get3A_433 = arith.index_cast %add3A_422 : i32 to index
        %get3A_434 = arith.constant 16 : index
        %get3A_435 = tpu.vector_load %arg25[%get3A_433, %get3A_434] {strides = array<i32>} : memref<128x128xf32, #tpu.memory_space<vmem>>, vector<16xf32>,
        %mul3A_436 = arith.mulf %get3A_432, %get3A_435 : vector<16xf32>
        %get3A_437 = arith.index_cast %add3A_422 : i32 to index
        %get3A_438 = arith.constant 32 : index
        %get3A_439 = tpu.vector_load %arg24[%get3A_437, %get3A_438] {strides = array<i32>} : memref<128x128xf32, #tpu.memory_space<vmem>>, vector<16xf32>,
        %get3A_440 = arith.index_cast %add3A_422 : i32 to index
        %get3A_441 = arith.constant 32 : index
        %get3A_442 = tpu.vector_load %arg25[%get3A_440, %get3A_441] {strides = array<i32>} : memref<128x128xf32, #tpu.memory_space<vmem>>, vector<16xf32>,
        %mul3A_443 = arith.mulf %get3A_439, %get3A_442 : vector<16xf32>
        %get3A_444 = arith.index_cast %add3A_422 : i32 to index
        %get3A_445 = arith.constant 48 : index
        %get3A_446 = tpu.vector_load %arg24[%get3A_444, %get3A_445] {strides = array<i32>} : memref<128x128xf32, #tpu.memory_space<vmem>>, vector<16xf32>,
        %get3A_447 = arith.index_cast %add3A_422 : i32 to index
        %get3A_448 = arith.constant 48 : index
        %get3A_449 = tpu.vector_load %arg25[%get3A_447, %get3A_448] {strides = array<i32>} : memref<128x128xf32, #tpu.memory_space<vmem>>, vector<16xf32>,
        %mul3A_450 = arith.mulf %get3A_446, %get3A_449 : vector<16xf32>
        %get3A_451 = arith.index_cast %add3A_422 : i32 to index
        %get3A_452 = arith.constant 64 : index
        %get3A_453 = tpu.vector_load %arg24[%get3A_451, %get3A_452] {strides = array<i32>} : memref<128x128xf32, #tpu.memory_space<vmem>>, vector<16xf32>,
        %get3A_454 = arith.index_cast %add3A_422 : i32 to index
        %get3A_455 = arith.constant 64 : index
        %get3A_456 = tpu.vector_load %arg25[%get3A_454, %get3A_455] {strides = array<i32>} : memref<128x128xf32, #tpu.memory_space<vmem>>, vector<16xf32>,
        %mul3A_457 = arith.mulf %get3A_453, %get3A_456 : vector<16xf32>
        %get3A_458 = arith.index_cast %add3A_422 : i32 to index
        %get3A_459 = arith.constant 80 : index
        %get3A_460 = tpu.vector_load %arg24[%get3A_458, %get3A_459] {strides = array<i32>} : memref<128x128xf32, #tpu.memory_space<vmem>>, vector<16xf32>,
        %get3A_461 = arith.index_cast %add3A_422 : i32 to index
        %get3A_462 = arith.constant 80 : index
        %get3A_463 = tpu.vector_load %arg25[%get3A_461, %get3A_462] {strides = array<i32>} : memref<128x128xf32, #tpu.memory_space<vmem>>, vector<16xf32>,
        %mul3A_464 = arith.mulf %get3A_460, %get3A_463 : vector<16xf32>
        %get3A_465 = arith.index_cast %add3A_422 : i32 to index
        %get3A_466 = arith.constant 96 : index
        %get3A_467 = tpu.vector_load %arg24[%get3A_465, %get3A_466] {strides = array<i32>} : memref<128x128xf32, #tpu.memory_space<vmem>>, vector<16xf32>,
        %get3A_468 = arith.index_cast %add3A_422 : i32 to index
        %get3A_469 = arith.constant 96 : index
        %get3A_470 = tpu.vector_load %arg25[%get3A_468, %get3A_469] {strides = array<i32>} : memref<128x128xf32, #tpu.memory_space<vmem>>, vector<16xf32>,
        %mul3A_471 = arith.mulf %get3A_467, %get3A_470 : vector<16xf32>
        %get3A_472 = arith.index_cast %add3A_422 : i32 to index
        %get3A_473 = arith.constant 112 : index
        %get3A_474 = tpu.vector_load %arg24[%get3A_472, %get3A_473] {strides = array<i32>} : memref<128x128xf32, #tpu.memory_space<vmem>>, vector<16xf32>,
        %get3A_475 = arith.index_cast %add3A_422 : i32 to index
        %get3A_476 = arith.constant 112 : index
        %get3A_477 = tpu.vector_load %arg25[%get3A_475, %get3A_476] {strides = array<i32>} : memref<128x128xf32, #tpu.memory_space<vmem>>, vector<16xf32>,
        %mul3A_478 = arith.mulf %get3A_474, %get3A_477 : vector<16xf32>
        %add3A_479 = arith.addf %mul3A_429, %mul3A_436 : vector<16xf32>
        %add3A_480 = arith.addf %mul3A_443, %mul3A_450 : vector<16xf32>
        %add3A_481 = arith.addf %mul3A_457, %mul3A_464 : vector<16xf32>
        %add3A_482 = arith.addf %mul3A_471, %mul3A_478 : vector<16xf32>
        %add3A_483 = arith.addf %add3A_479, %add3A_480 : vector<16xf32>
        %add3A_484 = arith.addf %add3A_481, %add3A_482 : vector<16xf32>
        %add3A_485 = arith.addf %add3A_483, %add3A_484 : vector<16xf32>
        %mul3A_486 = arith.constant 4 : i32
        %mul3A_487 = arith.muli %scan3A_416, %mul3A_486 : i32
        %add3A_488 = arith.constant 0 : i32
        %add3A_489 = arith.addi %mul3A_487, %add3A_488 : i32
        %eq3A = vector.broadcast %add3A_489 : i32 to vector<16xi32>
        %eq3A_490 = arith.cmpi eq, %iota3A, %eq3A : vector<16xi32>
        %reduce_sum3A = arith.constant true
        %reduce_sum3A_491 = vector.broadcast %reduce_sum3A : i1 to vector<16xi1>
        %reduce_sum3A_492 = tpu.scan <sum>, %add3A_485 masked %reduce_sum3A_491 : vector<16xf32>, vector<16xi1> -> vector<16xf32>
        %reduce_sum3A_493 = vector.extract %reduce_sum3A_492[15] : f32 from vector<16xf32>
        %broadcast_in_dim3A_494 = vector.broadcast %reduce_sum3A_493 : f32 to vector<16xf32>
        %select_n3A = arith.select %eq3A_490, %broadcast_in_dim3A_494, %scan3A_417 : vector<16xi1>, vector<16xf32>
        %mul3A_495 = arith.constant 4 : i32
        %mul3A_496 = arith.muli %scan3A_416, %mul3A_495 : i32
        %add3A_497 = arith.addi %mul3A_384, %mul3A_496 : i32
        %add3A_498 = arith.constant 1 : i32
        %add3A_499 = arith.addi %add3A_497, %add3A_498 : i32
        %get3A_500 = arith.index_cast %add3A_499 : i32 to index
        %get3A_501 = arith.constant 0 : index
        %get3A_502 = tpu.vector_load %arg24[%get3A_500, %get3A_501] {strides = array<i32>} : memref<128x128xf32, #tpu.memory_space<vmem>>, vector<16xf32>,
        %get3A_503 = arith.index_cast %add3A_499 : i32 to index
        %get3A_504 = arith.constant 0 : index
        %get3A_505 = tpu.vector_load %arg25[%get3A_503, %get3A_504] {strides = array<i32>} : memref<128x128xf32, #tpu.memory_space<vmem>>, vector<16xf32>,
        %mul3A_506 = arith.mulf %get3A_502, %get3A_505 : vector<16xf32>
        %get3A_507 = arith.index_cast %add3A_499 : i32 to index
        %get3A_508 = arith.constant 16 : index
        %get3A_509 = tpu.vector_load %arg24[%get3A_507, %get3A_508] {strides = array<i32>} : memref<128x128xf32, #tpu.memory_space<vmem>>, vector<16xf32>,
        %get3A_510 = arith.index_cast %add3A_499 : i32 to index
        %get3A_511 = arith.constant 16 : index
        %get3A_512 = tpu.vector_load %arg25[%get3A_510, %get3A_511] {strides = array<i32>} : memref<128x128xf32, #tpu.memory_space<vmem>>, vector<16xf32>,
        %mul3A_513 = arith.mulf %get3A_509, %get3A_512 : vector<16xf32>
        %get3A_514 = arith.index_cast %add3A_499 : i32 to index
        %get3A_515 = arith.constant 32 : index
        %get3A_516 = tpu.vector_load %arg24[%get3A_514, %get3A_515] {strides = array<i32>} : memref<128x128xf32, #tpu.memory_space<vmem>>, vector<16xf32>,
        %get3A_517 = arith.index_cast %add3A_499 : i32 to index
        %get3A_518 = arith.constant 32 : index
        %get3A_519 = tpu.vector_load %arg25[%get3A_517, %get3A_518] {strides = array<i32>} : memref<128x128xf32, #tpu.memory_space<vmem>>, vector<16xf32>,
        %mul3A_520 = arith.mulf %get3A_516, %get3A_519 : vector<16xf32>
        %get3A_521 = arith.index_cast %add3A_499 : i32 to index
        %get3A_522 = arith.constant 48 : index
        %get3A_523 = tpu.vector_load %arg24[%get3A_521, %get3A_522] {strides = array<i32>} : memref<128x128xf32, #tpu.memory_space<vmem>>, vector<16xf32>,
        %get3A_524 = arith.index_cast %add3A_499 : i32 to index
        %get3A_525 = arith.constant 48 : index
        %get3A_526 = tpu.vector_load %arg25[%get3A_524, %get3A_525] {strides = array<i32>} : memref<128x128xf32, #tpu.memory_space<vmem>>, vector<16xf32>,
        %mul3A_527 = arith.mulf %get3A_523, %get3A_526 : vector<16xf32>
        %get3A_528 = arith.index_cast %add3A_499 : i32 to index
        %get3A_529 = arith.constant 64 : index
        %get3A_530 = tpu.vector_load %arg24[%get3A_528, %get3A_529] {strides = array<i32>} : memref<128x128xf32, #tpu.memory_space<vmem>>, vector<16xf32>,
        %get3A_531 = arith.index_cast %add3A_499 : i32 to index
        %get3A_532 = arith.constant 64 : index
        %get3A_533 = tpu.vector_load %arg25[%get3A_531, %get3A_532] {strides = array<i32>} : memref<128x128xf32, #tpu.memory_space<vmem>>, vector<16xf32>,
        %mul3A_534 = arith.mulf %get3A_530, %get3A_533 : vector<16xf32>
        %get3A_535 = arith.index_cast %add3A_499 : i32 to index
        %get3A_536 = arith.constant 80 : index
        %get3A_537 = tpu.vector_load %arg24[%get3A_535, %get3A_536] {strides = array<i32>} : memref<128x128xf32, #tpu.memory_space<vmem>>, vector<16xf32>,
        %get3A_538 = arith.index_cast %add3A_499 : i32 to index
        %get3A_539 = arith.constant 80 : index
        %get3A_540 = tpu.vector_load %arg25[%get3A_538, %get3A_539] {strides = array<i32>} : memref<128x128xf32, #tpu.memory_space<vmem>>, vector<16xf32>,
        %mul3A_541 = arith.mulf %get3A_537, %get3A_540 : vector<16xf32>
        %get3A_542 = arith.index_cast %add3A_499 : i32 to index
        %get3A_543 = arith.constant 96 : index
        %get3A_544 = tpu.vector_load %arg24[%get3A_542, %get3A_543] {strides = array<i32>} : memref<128x128xf32, #tpu.memory_space<vmem>>, vector<16xf32>,
        %get3A_545 = arith.index_cast %add3A_499 : i32 to index
        %get3A_546 = arith.constant 96 : index
        %get3A_547 = tpu.vector_load %arg25[%get3A_545, %get3A_546] {strides = array<i32>} : memref<128x128xf32, #tpu.memory_space<vmem>>, vector<16xf32>,
        %mul3A_548 = arith.mulf %get3A_544, %get3A_547 : vector<16xf32>
        %get3A_549 = arith.index_cast %add3A_499 : i32 to index
        %get3A_550 = arith.constant 112 : index
        %get3A_551 = tpu.vector_load %arg24[%get3A_549, %get3A_550] {strides = array<i32>} : memref<128x128xf32, #tpu.memory_space<vmem>>, vector<16xf32>,
        %get3A_552 = arith.index_cast %add3A_499 : i32 to index
        %get3A_553 = arith.constant 112 : index
        %get3A_554 = tpu.vector_load %arg25[%get3A_552, %get3A_553] {strides = array<i32>} : memref<128x128xf32, #tpu.memory_space<vmem>>, vector<16xf32>,
        %mul3A_555 = arith.mulf %get3A_551, %get3A_554 : vector<16xf32>
        %add3A_556 = arith.addf %mul3A_506, %mul3A_513 : vector<16xf32>
        %add3A_557 = arith.addf %mul3A_520, %mul3A_527 : vector<16xf32>
        %add3A_558 = arith.addf %mul3A_534, %mul3A_541 : vector<16xf32>
        %add3A_559 = arith.addf %mul3A_548, %mul3A_555 : vector<16xf32>
        %add3A_560 = arith.addf %add3A_556, %add3A_557 : vector<16xf32>
        %add3A_561 = arith.addf %add3A_558, %add3A_559 : vector<16xf32>
        %add3A_562 = arith.addf %add3A_560, %add3A_561 : vector<16xf32>
        %mul3A_563 = arith.constant 4 : i32
        %mul3A_564 = arith.muli %scan3A_416, %mul3A_563 : i32
        %add3A_565 = arith.constant 1 : i32
        %add3A_566 = arith.addi %mul3A_564, %add3A_565 : i32
        %eq3A_567 = vector.broadcast %add3A_566 : i32 to vector<16xi32>
        %eq3A_568 = arith.cmpi eq, %iota3A, %eq3A_567 : vector<16xi32>
        %reduce_sum3A_569 = arith.constant true
        %reduce_sum3A_570 = vector.broadcast %reduce_sum3A_569 : i1 to vector<16xi1>
        %reduce_sum3A_571 = tpu.scan <sum>, %add3A_562 masked %reduce_sum3A_570 : vector<16xf32>, vector<16xi1> -> vector<16xf32>
        %reduce_sum3A_572 = vector.extract %reduce_sum3A_571[15] : f32 from vector<16xf32>
        %broadcast_in_dim3A_573 = vector.broadcast %reduce_sum3A_572 : f32 to vector<16xf32>
        %select_n3A_574 = arith.select %eq3A_568, %broadcast_in_dim3A_573, %select_n3A : vector<16xi1>, vector<16xf32>
        %mul3A_575 = arith.constant 4 : i32
        %mul3A_576 = arith.muli %scan3A_416, %mul3A_575 : i32
        %add3A_577 = arith.addi %mul3A_384, %mul3A_576 : i32
        %add3A_578 = arith.constant 2 : i32
        %add3A_579 = arith.addi %add3A_577, %add3A_578 : i32
        %get3A_580 = arith.index_cast %add3A_579 : i32 to index
        %get3A_581 = arith.constant 0 : index
        %get3A_582 = tpu.vector_load %arg24[%get3A_580, %get3A_581] {strides = array<i32>} : memref<128x128xf32, #tpu.memory_space<vmem>>, vector<16xf32>,
        %get3A_583 = arith.index_cast %add3A_579 : i32 to index
        %get3A_584 = arith.constant 0 : index
        %get3A_585 = tpu.vector_load %arg25[%get3A_583, %get3A_584] {strides = array<i32>} : memref<128x128xf32, #tpu.memory_space<vmem>>, vector<16xf32>,
        %mul3A_586 = arith.mulf %get3A_582, %get3A_585 : vector<16xf32>
        %get3A_587 = arith.index_cast %add3A_579 : i32 to index
        %get3A_588 = arith.constant 16 : index
        %get3A_589 = tpu.vector_load %arg24[%get3A_587, %get3A_588] {strides = array<i32>} : memref<128x128xf32, #tpu.memory_space<vmem>>, vector<16xf32>,
        %get3A_590 = arith.index_cast %add3A_579 : i32 to index
        %get3A_591 = arith.constant 16 : index
        %get3A_592 = tpu.vector_load %arg25[%get3A_590, %get3A_591] {strides = array<i32>} : memref<128x128xf32, #tpu.memory_space<vmem>>, vector<16xf32>,
        %mul3A_593 = arith.mulf %get3A_589, %get3A_592 : vector<16xf32>
        %get3A_594 = arith.index_cast %add3A_579 : i32 to index
        %get3A_595 = arith.constant 32 : index
        %get3A_596 = tpu.vector_load %arg24[%get3A_594, %get3A_595] {strides = array<i32>} : memref<128x128xf32, #tpu.memory_space<vmem>>, vector<16xf32>,
        %get3A_597 = arith.index_cast %add3A_579 : i32 to index
        %get3A_598 = arith.constant 32 : index
        %get3A_599 = tpu.vector_load %arg25[%get3A_597, %get3A_598] {strides = array<i32>} : memref<128x128xf32, #tpu.memory_space<vmem>>, vector<16xf32>,
        %mul3A_600 = arith.mulf %get3A_596, %get3A_599 : vector<16xf32>
        %get3A_601 = arith.index_cast %add3A_579 : i32 to index
        %get3A_602 = arith.constant 48 : index
        %get3A_603 = tpu.vector_load %arg24[%get3A_601, %get3A_602] {strides = array<i32>} : memref<128x128xf32, #tpu.memory_space<vmem>>, vector<16xf32>,
        %get3A_604 = arith.index_cast %add3A_579 : i32 to index
        %get3A_605 = arith.constant 48 : index
        %get3A_606 = tpu.vector_load %arg25[%get3A_604, %get3A_605] {strides = array<i32>} : memref<128x128xf32, #tpu.memory_space<vmem>>, vector<16xf32>,
        %mul3A_607 = arith.mulf %get3A_603, %get3A_606 : vector<16xf32>
        %get3A_608 = arith.index_cast %add3A_579 : i32 to index
        %get3A_609 = arith.constant 64 : index
        %get3A_610 = tpu.vector_load %arg24[%get3A_608, %get3A_609] {strides = array<i32>} : memref<128x128xf32, #tpu.memory_space<vmem>>, vector<16xf32>,
        %get3A_611 = arith.index_cast %add3A_579 : i32 to index
        %get3A_612 = arith.constant 64 : index
        %get3A_613 = tpu.vector_load %arg25[%get3A_611, %get3A_612] {strides = array<i32>} : memref<128x128xf32, #tpu.memory_space<vmem>>, vector<16xf32>,
        %mul3A_614 = arith.mulf %get3A_610, %get3A_613 : vector<16xf32>
        %get3A_615 = arith.index_cast %add3A_579 : i32 to index
        %get3A_616 = arith.constant 80 : index
        %get3A_617 = tpu.vector_load %arg24[%get3A_615, %get3A_616] {strides = array<i32>} : memref<128x128xf32, #tpu.memory_space<vmem>>, vector<16xf32>,
        %get3A_618 = arith.index_cast %add3A_579 : i32 to index
        %get3A_619 = arith.constant 80 : index
        %get3A_620 = tpu.vector_load %arg25[%get3A_618, %get3A_619] {strides = array<i32>} : memref<128x128xf32, #tpu.memory_space<vmem>>, vector<16xf32>,
        %mul3A_621 = arith.mulf %get3A_617, %get3A_620 : vector<16xf32>
        %get3A_622 = arith.index_cast %add3A_579 : i32 to index
        %get3A_623 = arith.constant 96 : index
        %get3A_624 = tpu.vector_load %arg24[%get3A_622, %get3A_623] {strides = array<i32>} : memref<128x128xf32, #tpu.memory_space<vmem>>, vector<16xf32>,
        %get3A_625 = arith.index_cast %add3A_579 : i32 to index
        %get3A_626 = arith.constant 96 : index
        %get3A_627 = tpu.vector_load %arg25[%get3A_625, %get3A_626] {strides = array<i32>} : memref<128x128xf32, #tpu.memory_space<vmem>>, vector<16xf32>,
        %mul3A_628 = arith.mulf %get3A_624, %get3A_627 : vector<16xf32>
        %get3A_629 = arith.index_cast %add3A_579 : i32 to index
        %get3A_630 = arith.constant 112 : index
        %get3A_631 = tpu.vector_load %arg24[%get3A_629, %get3A_630] {strides = array<i32>} : memref<128x128xf32, #tpu.memory_space<vmem>>, vector<16xf32>,
        %get3A_632 = arith.index_cast %add3A_579 : i32 to index
        %get3A_633 = arith.constant 112 : index
        %get3A_634 = tpu.vector_load %arg25[%get3A_632, %get3A_633] {strides = array<i32>} : memref<128x128xf32, #tpu.memory_space<vmem>>, vector<16xf32>,
        %mul3A_635 = arith.mulf %get3A_631, %get3A_634 : vector<16xf32>
        %add3A_636 = arith.addf %mul3A_586, %mul3A_593 : vector<16xf32>
        %add3A_637 = arith.addf %mul3A_600, %mul3A_607 : vector<16xf32>
        %add3A_638 = arith.addf %mul3A_614, %mul3A_621 : vector<16xf32>
        %add3A_639 = arith.addf %mul3A_628, %mul3A_635 : vector<16xf32>
        %add3A_640 = arith.addf %add3A_636, %add3A_637 : vector<16xf32>
        %add3A_641 = arith.addf %add3A_638, %add3A_639 : vector<16xf32>
        %add3A_642 = arith.addf %add3A_640, %add3A_641 : vector<16xf32>
        %mul3A_643 = arith.constant 4 : i32
        %mul3A_644 = arith.muli %scan3A_416, %mul3A_643 : i32
        %add3A_645 = arith.constant 2 : i32
        %add3A_646 = arith.addi %mul3A_644, %add3A_645 : i32
        %eq3A_647 = vector.broadcast %add3A_646 : i32 to vector<16xi32>
        %eq3A_648 = arith.cmpi eq, %iota3A, %eq3A_647 : vector<16xi32>
        %reduce_sum3A_649 = arith.constant true
        %reduce_sum3A_650 = vector.broadcast %reduce_sum3A_649 : i1 to vector<16xi1>
        %reduce_sum3A_651 = tpu.scan <sum>, %add3A_642 masked %reduce_sum3A_650 : vector<16xf32>, vector<16xi1> -> vector<16xf32>
        %reduce_sum3A_652 = vector.extract %reduce_sum3A_651[15] : f32 from vector<16xf32>
        %broadcast_in_dim3A_653 = vector.broadcast %reduce_sum3A_652 : f32 to vector<16xf32>
        %select_n3A_654 = arith.select %eq3A_648, %broadcast_in_dim3A_653, %select_n3A_574 : vector<16xi1>, vector<16xf32>
        %mul3A_655 = arith.constant 4 : i32
        %mul3A_656 = arith.muli %scan3A_416, %mul3A_655 : i32
        %add3A_657 = arith.addi %mul3A_384, %mul3A_656 : i32
        %add3A_658 = arith.constant 3 : i32
        %add3A_659 = arith.addi %add3A_657, %add3A_658 : i32
        %get3A_660 = arith.index_cast %add3A_659 : i32 to index
        %get3A_661 = arith.constant 0 : index
        %get3A_662 = tpu.vector_load %arg24[%get3A_660, %get3A_661] {strides = array<i32>} : memref<128x128xf32, #tpu.memory_space<vmem>>, vector<16xf32>,
        %get3A_663 = arith.index_cast %add3A_659 : i32 to index
        %get3A_664 = arith.constant 0 : index
        %get3A_665 = tpu.vector_load %arg25[%get3A_663, %get3A_664] {strides = array<i32>} : memref<128x128xf32, #tpu.memory_space<vmem>>, vector<16xf32>,
        %mul3A_666 = arith.mulf %get3A_662, %get3A_665 : vector<16xf32>
        %get3A_667 = arith.index_cast %add3A_659 : i32 to index
        %get3A_668 = arith.constant 16 : index
        %get3A_669 = tpu.vector_load %arg24[%get3A_667, %get3A_668] {strides = array<i32>} : memref<128x128xf32, #tpu.memory_space<vmem>>, vector<16xf32>,
        %get3A_670 = arith.index_cast %add3A_659 : i32 to index
        %get3A_671 = arith.constant 16 : index
        %get3A_672 = tpu.vector_load %arg25[%get3A_670, %get3A_671] {strides = array<i32>} : memref<128x128xf32, #tpu.memory_space<vmem>>, vector<16xf32>,
        %mul3A_673 = arith.mulf %get3A_669, %get3A_672 : vector<16xf32>
        %get3A_674 = arith.index_cast %add3A_659 : i32 to index
        %get3A_675 = arith.constant 32 : index
        %get3A_676 = tpu.vector_load %arg24[%get3A_674, %get3A_675] {strides = array<i32>} : memref<128x128xf32, #tpu.memory_space<vmem>>, vector<16xf32>,
        %get3A_677 = arith.index_cast %add3A_659 : i32 to index
        %get3A_678 = arith.constant 32 : index
        %get3A_679 = tpu.vector_load %arg25[%get3A_677, %get3A_678] {strides = array<i32>} : memref<128x128xf32, #tpu.memory_space<vmem>>, vector<16xf32>,
        %mul3A_680 = arith.mulf %get3A_676, %get3A_679 : vector<16xf32>
        %get3A_681 = arith.index_cast %add3A_659 : i32 to index
        %get3A_682 = arith.constant 48 : index
        %get3A_683 = tpu.vector_load %arg24[%get3A_681, %get3A_682] {strides = array<i32>} : memref<128x128xf32, #tpu.memory_space<vmem>>, vector<16xf32>,
        %get3A_684 = arith.index_cast %add3A_659 : i32 to index
        %get3A_685 = arith.constant 48 : index
        %get3A_686 = tpu.vector_load %arg25[%get3A_684, %get3A_685] {strides = array<i32>} : memref<128x128xf32, #tpu.memory_space<vmem>>, vector<16xf32>,
        %mul3A_687 = arith.mulf %get3A_683, %get3A_686 : vector<16xf32>
        %get3A_688 = arith.index_cast %add3A_659 : i32 to index
        %get3A_689 = arith.constant 64 : index
        %get3A_690 = tpu.vector_load %arg24[%get3A_688, %get3A_689] {strides = array<i32>} : memref<128x128xf32, #tpu.memory_space<vmem>>, vector<16xf32>,
        %get3A_691 = arith.index_cast %add3A_659 : i32 to index
        %get3A_692 = arith.constant 64 : index
        %get3A_693 = tpu.vector_load %arg25[%get3A_691, %get3A_692] {strides = array<i32>} : memref<128x128xf32, #tpu.memory_space<vmem>>, vector<16xf32>,
        %mul3A_694 = arith.mulf %get3A_690, %get3A_693 : vector<16xf32>
        %get3A_695 = arith.index_cast %add3A_659 : i32 to index
        %get3A_696 = arith.constant 80 : index
        %get3A_697 = tpu.vector_load %arg24[%get3A_695, %get3A_696] {strides = array<i32>} : memref<128x128xf32, #tpu.memory_space<vmem>>, vector<16xf32>,
        %get3A_698 = arith.index_cast %add3A_659 : i32 to index
        %get3A_699 = arith.constant 80 : index
        %get3A_700 = tpu.vector_load %arg25[%get3A_698, %get3A_699] {strides = array<i32>} : memref<128x128xf32, #tpu.memory_space<vmem>>, vector<16xf32>,
        %mul3A_701 = arith.mulf %get3A_697, %get3A_700 : vector<16xf32>
        %get3A_702 = arith.index_cast %add3A_659 : i32 to index
        %get3A_703 = arith.constant 96 : index
        %get3A_704 = tpu.vector_load %arg24[%get3A_702, %get3A_703] {strides = array<i32>} : memref<128x128xf32, #tpu.memory_space<vmem>>, vector<16xf32>,
        %get3A_705 = arith.index_cast %add3A_659 : i32 to index
        %get3A_706 = arith.constant 96 : index
        %get3A_707 = tpu.vector_load %arg25[%get3A_705, %get3A_706] {strides = array<i32>} : memref<128x128xf32, #tpu.memory_space<vmem>>, vector<16xf32>,
        %mul3A_708 = arith.mulf %get3A_704, %get3A_707 : vector<16xf32>
        %get3A_709 = arith.index_cast %add3A_659 : i32 to index
        %get3A_710 = arith.constant 112 : index
        %get3A_711 = tpu.vector_load %arg24[%get3A_709, %get3A_710] {strides = array<i32>} : memref<128x128xf32, #tpu.memory_space<vmem>>, vector<16xf32>,
        %get3A_712 = arith.index_cast %add3A_659 : i32 to index
        %get3A_713 = arith.constant 112 : index
        %get3A_714 = tpu.vector_load %arg25[%get3A_712, %get3A_713] {strides = array<i32>} : memref<128x128xf32, #tpu.memory_space<vmem>>, vector<16xf32>,
        %mul3A_715 = arith.mulf %get3A_711, %get3A_714 : vector<16xf32>
        %add3A_716 = arith.addf %mul3A_666, %mul3A_673 : vector<16xf32>
        %add3A_717 = arith.addf %mul3A_680, %mul3A_687 : vector<16xf32>
        %add3A_718 = arith.addf %mul3A_694, %mul3A_701 : vector<16xf32>
        %add3A_719 = arith.addf %mul3A_708, %mul3A_715 : vector<16xf32>
        %add3A_720 = arith.addf %add3A_716, %add3A_717 : vector<16xf32>
        %add3A_721 = arith.addf %add3A_718, %add3A_719 : vector<16xf32>
        %add3A_722 = arith.addf %add3A_720, %add3A_721 : vector<16xf32>
        %mul3A_723 = arith.constant 4 : i32
        %mul3A_724 = arith.muli %scan3A_416, %mul3A_723 : i32
        %add3A_725 = arith.constant 3 : i32
        %add3A_726 = arith.addi %mul3A_724, %add3A_725 : i32
        %eq3A_727 = vector.broadcast %add3A_726 : i32 to vector<16xi32>
        %eq3A_728 = arith.cmpi eq, %iota3A, %eq3A_727 : vector<16xi32>
        %reduce_sum3A_729 = arith.constant true
        %reduce_sum3A_730 = vector.broadcast %reduce_sum3A_729 : i1 to vector<16xi1>
        %reduce_sum3A_731 = tpu.scan <sum>, %add3A_722 masked %reduce_sum3A_730 : vector<16xf32>, vector<16xi1> -> vector<16xf32>
        %reduce_sum3A_732 = vector.extract %reduce_sum3A_731[15] : f32 from vector<16xf32>
        %broadcast_in_dim3A_733 = vector.broadcast %reduce_sum3A_732 : f32 to vector<16xf32>
        %select_n3A_734 = arith.select %eq3A_728, %broadcast_in_dim3A_733, %select_n3A_654 : vector<16xi1>, vector<16xf32>
        scf.yield %select_n3A_734 : vector<16xf32>
      }
      %scan3A_391 = arith.constant 4 : i32
      %get3A = arith.constant 3 : i32
      %get3A_392 = arith.index_cast %get3A : i32 to index
      %get3A_393 = arith.index_cast %mul3A_384 : i32 to index
      %get3A_394 = tpu.vector_load %arg16[%get3A_392, %get3A_393] {strides = array<i32>} : memref<4x128xi32, #tpu.memory_space<vmem>>, vector<16xi32>,
      %gather3A = tpu.vector_load_idx %arg18[%get3A_394] : memref<32xf32, #tpu.memory_space<vmem>>[vector<16xi32>], vector<16xf32>,
      %get3A_395 = arith.index_cast %mul3A_384 : i32 to index
      %get3A_396 = tpu.vector_load %arg26[%get3A_395] {strides = array<i32>} : memref<128xf32, #tpu.memory_space<vmem>>, vector<16xf32>,
      %add3A_397 = arith.addf %scan3A_390, %get3A_396 : vector<16xf32>
      %get3A_398 = arith.index_cast %mul3A_384 : i32 to index
      %get3A_399 = tpu.vector_load %arg27[%get3A_398] {strides = array<i32>} : memref<128xf32, #tpu.memory_space<vmem>>, vector<16xf32>,
      %get3A_400 = arith.constant 3 : i32
      %get3A_401 = arith.index_cast %get3A_400 : i32 to index
      %get3A_402 = arith.index_cast %mul3A_384 : i32 to index
      %get3A_403 = tpu.vector_load %arg17[%get3A_401, %get3A_402] {strides = array<i32>} : memref<4x128xf32, #tpu.memory_space<vmem>>, vector<16xf32>,
      %mul3A_404 = arith.mulf %get3A_399, %get3A_403 : vector<16xf32>
      %add3A_405 = arith.addf %add3A_397, %mul3A_404 : vector<16xf32>
      %get3A_406 = arith.index_cast %mul3A_384 : i32 to index
      %get3A_407 = tpu.vector_load %arg28[%get3A_406] {strides = array<i32>} : memref<128xf32, #tpu.memory_space<vmem>>, vector<16xf32>,
      %add3A_408 = arith.addf %add3A_405, %get3A_407 : vector<16xf32>
      %add3A_409 = arith.addf %add3A_408, %gather3A : vector<16xf32>
      %add3A_410 = arith.constant 3.600000e+00 : f32
      %add3A_411 = vector.broadcast %add3A_410 : f32 to vector<16xf32>
      %add3A_412 = arith.addf %add3A_409, %add3A_411 : vector<16xf32>
      %swap3A = arith.constant 3 : i32
      %swap3A_413 = arith.index_cast %swap3A : i32 to index
      %swap3A_414 = arith.index_cast %mul3A_384 : i32 to index
      %swap3A_415 = tpu.vector_load %arg29[%swap3A_413, %swap3A_414] {strides = array<i32>} : memref<4x128xf32, #tpu.memory_space<vmem>>, vector<16xf32>,
      tpu.vector_store %arg29[%swap3A_413, %swap3A_414], %add3A_412 {strides = array<i32>} : memref<4x128xf32, #tpu.memory_space<vmem>>, vector<16xf32>,
    }
    %scan3A_377 = arith.constant 8 : i32
    "tpu.region"() ({
      %run_scoped3A = tpu.sem_alloc : memref<!tpu.dma_semaphore, #tpu.memory_space<semaphore_mem>>
      %dma_start3A_378 = arith.constant 0 : i32
      %dma_start3A_379 = arith.constant 0 : i32
      %dma_start3A_380 = tpu.memref_slice %arg11[%add3A, %dma_start3A_378, %dma_start3A_379] : memref<32x4x128xf32, #tpu.memory_space<hbm>> -> memref<1x4x128xf32, #tpu.memory_space<hbm>>
      %dma_start3A_381 = tpu.memref_squeeze %dma_start3A_380 : memref<1x4x128xf32, #tpu.memory_space<hbm>> -> memref<4x128xf32, #tpu.memory_space<hbm>>
      %dma_start3A_382 = arith.constant 0 : i32
      %dma_start3A_383 = arith.constant 0 : i32
      %dma_start3A_384 = tpu.memref_slice %arg11[%add3A, %dma_start3A_382, %dma_start3A_383] : memref<32x4x128xf32, #tpu.memory_space<hbm>> -> memref<1x4x128xf32, #tpu.memory_space<hbm>>
      %dma_start3A_385 = tpu.memref_squeeze %dma_start3A_384 : memref<1x4x128xf32, #tpu.memory_space<hbm>> -> memref<4x128xf32, #tpu.memory_space<hbm>>
      tpu.enqueue_dma source(%arg29 : memref<4x128xf32, #tpu.memory_space<vmem>>) target(%dma_start3A_385 : memref<4x128xf32, #tpu.memory_space<hbm>>) target_semaphore(%run_scoped3A : memref<!tpu.dma_semaphore, #tpu.memory_space<semaphore_mem>>)
      %dma_wait3A_386 = arith.constant 0 : i32
      %dma_wait3A_387 = arith.constant 0 : i32
      %dma_wait3A_388 = tpu.memref_slice %arg11[%add3A, %dma_wait3A_386, %dma_wait3A_387] : memref<32x4x128xf32, #tpu.memory_space<hbm>> -> memref<1x4x128xf32, #tpu.memory_space<hbm>>
      %dma_wait3A_389 = tpu.memref_squeeze %dma_wait3A_388 : memref<1x4x128xf32, #tpu.memory_space<hbm>> -> memref<4x128xf32, #tpu.memory_space<hbm>>
      %dma_wait3A_390 = arith.constant 0 : i32
      %dma_wait3A_391 = arith.constant 0 : i32
      %dma_wait3A_392 = tpu.memref_slice %arg11[%add3A, %dma_wait3A_390, %dma_wait3A_391] : memref<32x4x128xf32, #tpu.memory_space<hbm>> -> memref<1x4x128xf32, #tpu.memory_space<hbm>>
      %dma_wait3A_393 = tpu.memref_squeeze %dma_wait3A_392 : memref<1x4x128xf32, #tpu.memory_space<hbm>> -> memref<4x128xf32, #tpu.memory_space<hbm>>
      tpu.wait_dma2 semaphore(%run_scoped3A : memref<!tpu.dma_semaphore, #tpu.memory_space<semaphore_mem>>) src(%arg29 : memref<4x128xf32, #tpu.memory_space<vmem>>) dst(%dma_wait3A_393 : memref<4x128xf32, #tpu.memory_space<hbm>>)
      tpu.yield
    }) : () -> ()
    return
  }
}

</mosaic_0001>

<sc_bundles>
// kernel: kernel.3.cloned.1.call-start
scs
__scs_entry_jumppad:
0x0: {  	(pc) =	sbr.rel $0x88, $3  }
0x1: {  	(tag) =	ssettag $0x0;
	lr =	simm.s32 $0x1  }
0x2: {  	[smem:$0x3F97] =	sst lr;
	_ =	strace $0xD0000000  }
0x3: {  	_ = 	snop  }
0x4: {  	_ = 	snop  }
0x5: {  	_ = 	snop  }
0x6: {  	_ = 	snop  }
0x7: {  	_ = 	snop  }
__scs_overlays_trampoline_lowered:
0x8: {  	[smem:$0x3FA6] =	sst s0  }
0x9: {  	[smem:$0x3FA7] =	sst s1  }
0xa: {  	[smem:$0x3FA8] =	sst s2  }
0xb: {  	[smem:$0x3FA9] =	sst s3  }
0xc: {  	[smem:$0x3FAA] =	sst s4  }
0xd: {  	[smem:$0x3FAB] =	sst s5  }
0xe: {  	[smem:$0x3FAC] =	sst s6  }
0xf: {  	[smem:$0x3FAD] =	sst s7  }
0x10: {  	[smem:$0x3FAE] =	sst s8  }
0x11: {  	[smem:$0x3FAF] =	sst s9;
	s0 =	simm.s32 @!p0 $0x0  }
0x12: {  	s1 =	sld [smem:$0x3F95];
	s0 =	simm.s32 @p0 $0x1  }
0x13: {  	[smem:$0x3FB0] =	sst s0;
	s0 =	simm.s32 @!p1 $0x0  }
0x14: {  	s2 =	sld [smem:$0x3F94];
	s0 =	simm.s32 @p1 $0x1  }
0x15: {  	[smem:$0x3FB1] =	sst s0;
	s0 =	simm.s32 @!p2 $0x0  }
0x16: {  	s3 =	sld [smem:$0x3FDB];
	s0 =	simm.s32 @p2 $0x1  }
0x17: {  	s4 =	simm.s32 $0x1BF5;
	[smem:$0x3FB3] =	sst s0  }
0x18: {  	s0 =	sld [smem:$0x3F96];
	_ =	swait.ge [sflag:s4], $0x0  }
0x19: {  	s7 =	sld [smem:$0x3F97]  }
0x1a: {  	s8 =	sadd.s32 $0xFFFFE003, lr  }
0x1b: {  	s9 =	sadd.s32 $0xFFFFFEF7, lr;
	s5 =	simm.s32 $0xFFFFFFFF;
	p2 =	slt.u32 s8, $0xFFFFF086  }
0x1c: {  	p1 =	slt.u32 s9, $0xF7A;
	s5 =	simm.s32 @!p2 $0x0  }
0x1d: {  	s5 =	simm.s32 @p1 $0x1;
	p0 =	seq.s32 s7, s2  }
0x1e: {  	s7 =	smul.u32 @!p0 $0xF7A, s2;
	p2 =	seq.s32 @!p0 s5, $0x0  }
0x1f: {  	s9 =	smul.u32 $0xF7A, s1;
	s8 =	simm.s32 @!p0 $0x1BF5;
	p2 =	por !p2, p0  }
0x20: {  	[sflag:s8] =	ssyncset.s32 @!p0 $0xFFFFF086;
	s6 =	sadd.s32 @!p0 s3, s7;
	s7 =	simm.s32 @!p0 $0x108  }
0x21: {  	s3 =	sadd.s32 s3, s9;
	s6 =	sadd.s32 @!p0 $0x88, s6;
	s7 =	simm.s32 @p2 $0x1082  }
0x22: {  	[simem:s7], [sflag:s8] =	dma.local @!p0 [hbm:s6], $0xF7A  }
0x23: {  	s9 =	sor.u32 $0xD0000000, s2;
	s6 =	simm.s32 $0x108;
	_ =	swait.ge @!p0 [sflag:s8], $0x0  }
0x24: {  	s3 =	sadd.s32 $0x88, s3;
	s6 =	simm.s32 @!p1 $0x1082;
	[sflag:s4] =	ssyncset.s32 $0xFFFFF086  }
0x25: {  	[simem:s6], [sflag:s4] =	dma.local [hbm:s3], $0xF7A  }
0x26: {  	[smem:$0x3F97] =	sst s1;
	(tag) =	ssettag s2;
	_ =	strace s9  }
0x27: {  	s1 =	sld [smem:$0x3FA7]  }
0x28: {  	s2 =	sld [smem:$0x3FA8]  }
0x29: {  	s4 =	sld [smem:$0x3FAA]  }
0x2a: {  	p0 =	seq.s32 s5, $0x0;
	s5 =	sld [smem:$0x3FAB]  }
0x2b: {  	s6 =	sld [smem:$0x3FAC]  }
0x2c: {  	s7 =	sld [smem:$0x3FAD]  }
0x2d: {  	s3 =	simm.s32 $0x108;
	s8 =	sld [smem:$0x3FAE]  }
0x2e: {  	s3 =	simm.s32 @!p0 $0x1082;
	s9 =	sld [smem:$0x3FAF]  }
0x2f: {  	lr =	sadd.s32 s0, s3;
	s0 =	sld [smem:$0x3FA6]  }
0x30: {  	s3 =	sld [smem:$0x3FA9]  }
0x31: {  	[smem:$0x3FB2] =	sst s10  }
0x32: {  	s10 =	sld [smem:$0x3FB0];
	_ =	sdelay $0x3  }
0x33: {  	p0 =	seq.s32 s10, $0x1;
	s10 =	sld [smem:$0x3FB2];
	_ =	sdelay $0x3  }
0x34: {  	[smem:$0x3FB2] =	sst s10  }
0x35: {  	s10 =	sld [smem:$0x3FB1];
	_ =	sdelay $0x3  }
0x36: {  	p1 =	seq.s32 s10, $0x1;
	s10 =	sld [smem:$0x3FB2];
	_ =	sdelay $0x3  }
0x37: {  	[smem:$0x3FB2] =	sst s10  }
0x38: {  	s10 =	sld [smem:$0x3FB3]  }
0x39: {  	_ = 	snop;
	(pc) =	sbr.ind lr, $3  }
0x3a: {  	_ = 	snop  }
0x3b: {  	_ = 	snop  }
0x3c: {  	p2 =	seq.s32 s10, $0x1;
	s10 =	sld [smem:$0x3FB2]  }
0x3d: {  	_ =	shalt  }
0x3e: {  	_ =	shalt  }
0x3f: {  	_ =	shalt  }
0x40: {  	_ =	shalt  }
0x41: {  	_ =	shalt  }
0x42: {  	_ =	shalt  }
0x43: {  	_ =	shalt  }
0x44: {  	_ =	shalt  }
0x45: {  	_ =	shalt  }
0x46: {  	_ =	shalt  }
0x47: {  	_ =	shalt  }
0x48: {  	_ =	shalt  }
0x49: {  	_ =	shalt  }
0x4a: {  	_ =	shalt  }
0x4b: {  	_ =	shalt  }
0x4c: {  	_ =	shalt  }
0x4d: {  	_ =	shalt  }
0x4e: {  	_ =	shalt  }
0x4f: {  	_ =	shalt  }
0x50: {  	_ =	shalt  }
0x51: {  	_ =	shalt  }
0x52: {  	_ =	shalt  }
0x53: {  	_ =	shalt  }
0x54: {  	_ =	shalt  }
0x55: {  	_ =	shalt  }
0x56: {  	_ =	shalt  }
0x57: {  	_ =	shalt  }
0x58: {  	_ =	shalt  }
0x59: {  	_ =	shalt  }
0x5a: {  	_ =	shalt  }
0x5b: {  	_ =	shalt  }
0x5c: {  	_ =	shalt  }
0x5d: {  	_ =	shalt  }
0x5e: {  	_ =	shalt  }
0x5f: {  	_ =	shalt  }
0x60: {  	_ =	shalt  }
0x61: {  	_ =	shalt  }
0x62: {  	_ =	shalt  }
0x63: {  	_ =	shalt  }
0x64: {  	_ =	shalt  }
0x65: {  	_ =	shalt  }
0x66: {  	_ =	shalt  }
0x67: {  	_ =	shalt  }
0x68: {  	_ =	shalt  }
0x69: {  	_ =	shalt  }
0x6a: {  	_ =	shalt  }
0x6b: {  	_ =	shalt  }
0x6c: {  	_ =	shalt  }
0x6d: {  	_ =	shalt  }
0x6e: {  	_ =	shalt  }
0x6f: {  	_ =	shalt  }
0x70: {  	_ =	shalt  }
0x71: {  	_ =	shalt  }
0x72: {  	_ =	shalt  }
0x73: {  	_ =	shalt  }
0x74: {  	_ =	shalt  }
0x75: {  	_ =	shalt  }
0x76: {  	_ =	shalt  }
0x77: {  	_ =	shalt  }
0x78: {  	_ =	shalt  }
0x79: {  	_ =	shalt  }
0x7a: {  	_ =	shalt  }
0x7b: {  	_ =	shalt  }
0x7c: {  	_ =	shalt  }
0x7d: {  	_ =	shalt  }
0x7e: {  	_ =	shalt  }
0x7f: {  	_ =	shalt  }
0x80: {  	_ =	shalt  }
0x81: {  	_ =	shalt  }
0x82: {  	_ =	shalt  }
0x83: {  	_ =	shalt  }
0x84: {  	_ =	shalt  }
0x85: {  	_ =	shalt  }
0x86: {  	_ =	shalt  }
0x87: {  	_ =	shalt  }
.Lfunc_end0:
.L_simem_size_0:
called_computation_lowered:
.L_overlay_start_0:
0x88: {  	s2 =	sld [smem:$0x3FD9]  }
0x89: {  	s3 =	sld [smem:$0x3FFE];
	_ =	sdelay $0x1  }
0x8a: {  	s1 =	srdreg.scid  }
0x8b: {  	s0 =	sand.u32 $0x1, s1  }
0x8c: {  	s17 =	sshll.u32 s0, $0xA;
	s2 =	sadd.s32 s3, s2  }
0x8d: {  	s2 =	sadd.s32 s2, s17  }
0x8e: {  	[smem:$0x3FBE] =	sst s2  }
0x8f: {  	_ = 	snop  }
0x90: {  	s2 =	sld [smem:$0x3FC9]  }
0x91: {  	s18 =	sld [smem:$0x3FC8]  }
0x92: {  	s4 =	sld [smem:$0x3FC7]  }
0x93: {  	s5 =	sld [smem:$0x3FC6]  }
0x94: {  	s6 =	sld [smem:$0x3FC5]  }
0x95: {  	s7 =	sld [smem:$0x3FC4]  }
0x96: {  	s8 =	sld [smem:$0x3FD0];
	(tm) =	ssettm $0x1  }
0x97: {  	s9 =	sld [smem:$0x3FFB];
	_ =	sdelay $0x3  }
0x98: {  	_ =	strace s9  }
0x99: {  	s9 =	sld [smem:$0x3FFC];
	_ =	sdelay $0x3  }
0x9a: {  	_ =	strace s9  }
0x9b: {  	s9 =	sld [smem:$0x3FFD];
	_ =	sdelay $0x3  }
0x9c: {  	_ =	strace s9  }
0x9d: {  	_ =	strace $0x8FFFFFFF  }
0x9e: {  	s19 =	sld [smem:$0x3FDB];
	_ =	sdelay $0x1  }
0x9f: {  	s10 =	simm.s32 $_scs_section_size  }
0xa0: {  	s11 =	simm.s32 $_size__tile_overlayer_lowered;
	s12 =	simm.s32 $_tile_overlayer_lowered  }
0xa1: {  	s22 =	simm.s32 $0x1BFF;
	s21 =	sshll.u32 s12, $0x1;
	s9 =	sadd.s32 s10, s19  }
0xa2: {  	s13 =	simm.s32 $0x0;
	s20 =	sshll.u32 s11, $0x1;
	s11 =	sadd.s32 s21, s9  }
0xa3: {  	[timem:s13], [sflag:s22] =	dma.local [hbm:s11], s20  }
0xa4: {  	_ =	swait.ge [sflag:s22], s20  }
0xa5: {  	s10 =	ssub.s32 $0x0, s20;
	[sflag:s22] =	ssyncset.done $0x0  }
0xa6: {  	[sflag:s22] =	ssyncadd.s32 s10;
	_ =	sdelay $0x1  }
0xa7: {  	s23 =	simm.s32 $0x1B8B  }
0xa8: {  	_ =	swait.ge [sflag:s23], $0x1  }
0xa9: {  	[sflag:s23] =	ssyncset.done $0x0  }
0xaa: {  	s25 =	simm.s32 $0x1B8E;
	s24 =	sld [smem:$0x3FFE];
	[sflag:s23] =	ssyncadd.s32 $0xFFFFFFFF  }
0xab: {  	s26 =	simm.s32 $execute0_lowered;
	[smem:$0x3FD2] =	sst s25  }
0xac: {  	s11 =	sshll.u32 s26, $0x1;
	_ =	strace $0x80000046;
	[dreg:$0x1] =	wrdreg $0xFFFFFFFF  }
0xad: {  	s28 =	simm.s32 $_size_execute0_lowered;
	s9 =	sadd.s32 s9, s11;
	[dreg:$0x0] =	wrdreg $0x0  }
0xae: {  	s11 =	sshll.u32 s28, $0x1;
	[dreg:$0x2] =	wrdreg s9  }
0xaf: {  	[dreg:$0x3] =	wrdreg s11  }
0xb0: {  	[dreg:$0x4] =	wrdreg $0xC0  }
0xb1: {  	_ =	task [dreg:s13], $0x5FFFF  }
0xb2: {  	[dreg:$0x1] =	wrdreg $0xFFFFFFFF  }
0xb3: {  	[dreg:$0x0] =	wrdreg $0x60  }
0xb4: {  	[dreg:$0x2] =	wrdreg s2  }
0xb5: {  	[dreg:$0x3] =	wrdreg s18  }
0xb6: {  	[dreg:$0x4] =	wrdreg s24  }
0xb7: {  	[dreg:$0x5] =	wrdreg s4  }
0xb8: {  	[dreg:$0x6] =	wrdreg s5  }
0xb9: {  	[dreg:$0x7] =	wrdreg s6  }
0xba: {  	[dreg:$0x8] =	wrdreg s7  }
0xbb: {  	[dreg:$0x9] =	wrdreg s8  }
0xbc: {  	[dreg:$0xa] =	wrdreg $0x9  }
0xbd: {  	_ =	task.clear_ibuf [dreg:s13], $0xBFFFF;
	_ =	strace $0x90000046  }
0xbe: {  	s29 =	simm.s32 $0x9;
	_ =	strace $0x80000048  }
0xbf: {  	_ =	swait.ge [sflag:s29], $0x1  }
0xc0: {  	[sflag:s29] =	ssyncadd.s32 $0xFFFFFFFF  }
0xc1: {  	_ =	strace $0x90000048  }
0xc2: {  	_ =	sfence  }
0xc3: {  	s30 =	sld [smem:$0x0];
	_ =	sdelay $0x2  }
0xc4: {  	s31 =	sshll.u32 s1, $0xD;
	s1 =	sshrl.u32 s1, $0x2  }
0xc5: {  	s3 =	sand.u32 $0x4000, s31;
	s1 =	sadd.s32 s1, s30  }
0xc6: {  	s0 =	sor.u32 s3, s0;
	s1 =	sshll.u32 s1, $0x11  }
0xc7: {  	s0 =	sor.u32 s1, s0  }
0xc8: {  	s0 =	sadd.s32 $0x8F2B, s0  }
0xc9: {  	[sflag:s0] =	ssyncadd.remote.s32 $0x1  }
0xca: {  	_ =	sfence.sel $0xFFFF  }
0xcb: {  	[dreg:$0x0] =	wrdreg $0xFFFFFFFF;
	(pc) =	sbr.abs _section_cstart, $3  }
0xcc: {  	[dreg:$0x1] =	wrdreg $0xFFFFFFFF  }
0xcd: {  	_ =	task.clear_ibuf [dreg:s13], $0x2FFFF;
	_ =	strace $0x9FFFFFFF  }
0xce: {  	(tm) =	ssettm $0x7FFFFFFF  }
0xcf: {  	_ =	shalt  }
tec
execute0_lowered:
.L_overlay_start_1:
0x0: {  	(tag) =	ssettag $0x1  }
0x1: {  	s0 =	rddreg [dreg:$0x0]  }
0x2: {  	s3 =	rddreg [dreg:$0x1]  }
0x3: {  	s12 =	rddreg [dreg:$0x2]  }
0x4: {  	s10 =	rddreg [dreg:$0x3]  }
0x5: {  	s11 =	rddreg [dreg:$0x4]  }
0x6: {  	s1 =	rddreg [dreg:$0x5]  }
0x7: {  	s2 =	rddreg [dreg:$0x6]  }
0x8: {  	s13 =	rddreg [dreg:$0x7];
	s4 =	simm.s32 $0x0  }
0x9: {  	s5 =	srdreg.scid;
	s6 =	stileid.u32;
	s20 =	simm.s32 $0xC00  }
0xa: {  	s21 =	simm.s32 $0x1;
	s22 =	simm.s32 $0x80;
	s30 =	simm.s32 $0x10F00  }
0xb: {  	s19 =	simm.s32 $0x2;
	s16 =	simm.s32 $0x3;
	s17 =	simm.s32 $0x0  }
0xc: {  	[smem:$0x7FF] =	sst s4;
	s5 =	sand.u32 $0x1, s5;
	s6 =	sshll.u32 s6, $0x7  }
0xd: {  	s7 =	sshll.u32 s5, $0x6;
	s8 =	ssub.s32 $0x2, s5;
	_ =	strace $0x80000047  }
0xe: {  	s5 =	sadd.s32 $0x1C00, s12;
	s14 =	sor.u32 s7, s6;
	s29 =	sshrl.u32 s8, $0x1  }
0xf: {  	s9 =	sadd.s32 s14, s12;
	s15 =	ssub.s32 s8, s29;
	s0 =	sadd.s32 s0, s14  }
0x10: {  	s31 =	sadd.s32 s3, s14;
	s10 =	sadd.s32 s10, s14;
	s11 =	sadd.s32 s11, s14  }
0x11: {  	s12 =	sadd.s32 $0xAE7C, s12;
	s13 =	sadd.s32 s13, s14;
	[dreg:$0x9] =	wrdreg s0  }
0x12: {  	s3 =	simm.s32 $0x100;
	[dreg:$0xa] =	wrdreg s31;
	s8 =	sadd.s32 $0xC00, s9  }
0x13: {  	v0 =	vlaneseq.u32;
	s9 =	sadd.s32 $0x1400, s9;
	s14 =	smax.u32 s15, $0x1;
	s15 =	simm.s32 $0x180  }
.LBB2_1:
0x14: {  	s0 =	rddreg [dreg:$0x9]  }
0x15: {  	[tilespmem:s4], [sflag:$0x1] =	stream.linear.gather [hbm4b:s0+s4], $0x200, $0x38;
	[tilespmem:$0x11180] =	vst v63  }
0x16: {  	s23 =	rddreg [dreg:$0xa];
	s6 =	simm.s32 $0x200  }
0x17: {  	[tilespmem:s6], [sflag:$0x1] =	stream.linear.gather [hbm4b:s23+s4], $0x200, $0x38;
	[tilespmem:$0x11180] =	vst v63  }
0x18: {  	s24 =	simm.s32 $0x400  }
0x19: {  	[tilespmem:s24], [sflag:$0x1] =	stream.linear.gather [hbm4b:s8+s4], $0x200, $0x38;
	[tilespmem:$0x11180] =	vst v63  }
0x1a: {  	s7 =	simm.s32 $0x600  }
0x1b: {  	[tilespmem:s7], [sflag:$0x1] =	stream.linear.gather [hbm4b:s9+s4], $0x200, $0x38;
	[tilespmem:$0x11180] =	vst v63  }
0x1c: {  	s18 =	simm.s32 $0x800  }
0x1d: {  	[tilespmem:s18], [sflag:$0x1] =	stream.linear.gather [hbm4b:s10+s4], $0x200, $0x38;
	[tilespmem:$0x11180] =	vst v63  }
0x1e: {  	s25 =	simm.s32 $0xA00  }
0x1f: {  	[tilespmem:s25], [sflag:$0x1] =	stream.linear.gather [hbm4b:s11+s4], $0x200, $0x38;
	[tilespmem:$0x11180] =	vst v63  }
0x20: {  	_ = 	snop  }
0x21: {  	[tilespmem:s20], [sflag:$0x1] =	stream.linear.gather [hbm4b:s12+s4], $0x20, $0x38;
	[tilespmem:$0x11180] =	vst v63  }
0x22: {  	_ =	swait.ge [sflag:s21], $0x200  }
0x23: {  	[sflag:s21] =	ssyncset.done $0x0  }
0x24: {  	[sflag:s21] =	ssyncadd.s32 $0xFFFFFE00  }
0x25: {  	_ =	swait.ge [sflag:s21], $0x200  }
0x26: {  	[sflag:s21] =	ssyncset.done $0x0  }
0x27: {  	[sflag:s21] =	ssyncadd.s32 $0xFFFFFE00  }
0x28: {  	_ =	swait.ge [sflag:s21], $0x200  }
0x29: {  	[sflag:s21] =	ssyncset.done $0x0  }
0x2a: {  	[sflag:s21] =	ssyncadd.s32 $0xFFFFFE00  }
0x2b: {  	_ =	swait.ge [sflag:s21], $0x200  }
0x2c: {  	[sflag:s21] =	ssyncset.done $0x0  }
0x2d: {  	[sflag:s21] =	ssyncadd.s32 $0xFFFFFE00  }
0x2e: {  	_ =	swait.ge [sflag:s21], $0x200  }
0x2f: {  	[sflag:s21] =	ssyncset.done $0x0  }
0x30: {  	[sflag:s21] =	ssyncadd.s32 $0xFFFFFE00  }
0x31: {  	_ =	swait.ge [sflag:s21], $0x200  }
0x32: {  	[sflag:s21] =	ssyncset.done $0x0  }
0x33: {  	[sflag:s21] =	ssyncadd.s32 $0xFFFFFE00  }
0x34: {  	_ =	swait.ge [sflag:s21], $0x20  }
0x35: {  	[sflag:s21] =	ssyncset.done $0x0  }
0x36: {  	s26 =	simm.s32 $0xC80;
	[sflag:s21] =	ssyncadd.s32 $0xFFFFFFE0  }
0x37: {  	[tilespmem:s26], [sflag:$0x1] =	stream.indirect.gather [hbm4b:s1+s22], $0x80, s4, s22, $0xb8;
	[tilespmem:$0x11180] =	vst v63  }
0x38: {  	s28 =	simm.s32 $0x4C80  }
0x39: {  	[tilespmem:s28], [sflag:$0x1] =	stream.indirect.gather [hbm4b:s2+s22], $0x80, s6, s22, $0xb8;
	[tilespmem:$0x11180] =	vst v63  }
0x3a: {  	s29 =	simm.s32 $0x8C80  }
0x3b: {  	[tilespmem:s29], [sflag:$0x1] =	stream.indirect.gather [hbm4b:s5+s22], $0x1, s4, s22, $0xb8;
	[tilespmem:$0x11180] =	vst v63  }
0x3c: {  	s31 =	simm.s32 $0x8D00  }
0x3d: {  	[tilespmem:s31], [sflag:$0x1] =	stream.indirect.gather [hbm4b:s5+s22], $0x1, s24, s22, $0xb8;
	[tilespmem:$0x11180] =	vst v63  }
0x3e: {  	s18 =	simm.s32 $0x8D80  }
0x3f: {  	[tilespmem:s18], [sflag:$0x1] =	stream.indirect.gather [hbm4b:s5+s22], $0x1, s7, s22, $0xb8;
	[tilespmem:$0x11180] =	vst v63  }
0x40: {  	s23 =	simm.s32 $0x8E00  }
0x41: {  	[tilespmem:s23], [sflag:$0x2] =	stream.indirect.gather [hbm4b:s1+s22], $0x80, s22, s22, $0xb8;
	[tilespmem:$0x11180] =	vst v63  }
0x42: {  	s25 =	simm.s32 $0xCE00;
	s24 =	simm.s32 $0x280  }
0x43: {  	[tilespmem:s25], [sflag:$0x2] =	stream.indirect.gather [hbm4b:s2+s22], $0x80, s24, s22, $0xb8;
	[tilespmem:$0x11180] =	vst v63  }
0x44: {  	s26 =	simm.s32 $0x10E00  }
0x45: {  	[tilespmem:s26], [sflag:$0x2] =	stream.indirect.gather [hbm4b:s5+s22], $0x1, s22, s22, $0xb8;
	[tilespmem:$0x11180] =	vst v63  }
0x46: {  	s28 =	simm.s32 $0x480;
	s29 =	simm.s32 $0x10E80  }
0x47: {  	[tilespmem:s29], [sflag:$0x2] =	stream.indirect.gather [hbm4b:s5+s22], $0x1, s28, s22, $0xb8;
	[tilespmem:$0x11180] =	vst v63  }
0x48: {  	s31 =	simm.s32 $0x680  }
0x49: {  	[tilespmem:s30], [sflag:$0x2] =	stream.indirect.gather [hbm4b:s5+s22], $0x1, s31, s22, $0xb8;
	[tilespmem:$0x11180] =	vst v63  }
0x4a: {  	_ =	swait.ge [sflag:s21], $0x4000  }
0x4b: {  	[sflag:s21] =	ssyncset.done $0x0  }
0x4c: {  	[sflag:s21] =	ssyncadd.s32 $0xFFFFC000  }
0x4d: {  	_ =	swait.ge [sflag:s21], $0x4000  }
0x4e: {  	[sflag:s21] =	ssyncset.done $0x0  }
0x4f: {  	[sflag:s21] =	ssyncadd.s32 $0xFFFFC000  }
0x50: {  	_ =	swait.ge [sflag:s21], $0x80  }
0x51: {  	[sflag:s21] =	ssyncset.done $0x0  }
0x52: {  	[sflag:s21] =	ssyncadd.s32 $0xFFFFFF80  }
0x53: {  	_ =	swait.ge [sflag:s21], $0x80  }
0x54: {  	[sflag:s21] =	ssyncset.done $0x0  }
0x55: {  	[sflag:s21] =	ssyncadd.s32 $0xFFFFFF80  }
0x56: {  	_ =	swait.ge [sflag:s21], $0x80  }
0x57: {  	s23 =	simm.s32 $0xD80;
	[sflag:s21] =	ssyncset.done $0x0  }
0x58: {  	s24 =	simm.s32 $0x4D80;
	s25 =	simm.s32 $0x0;
	[sflag:s21] =	ssyncadd.s32 $0xFFFFFF80  }
.LBB2_2:
0x59: {  	v4 =	vld [tilespmem:s23+$0x80]  }
0x5a: {  	v5 =	vld [tilespmem:s24+$0x80]  }
0x5b: {  	v6 =	vld [tilespmem:s23+$0x90]  }
0x5c: {  	v7 =	vld [tilespmem:s24+$0x90]  }
0x5d: {  	v8 =	vld [tilespmem:s23+$0xA0]  }
0x5e: {  	v9 =	vld [tilespmem:s24+$0xA0]  }
0x5f: {  	v10 =	vld [tilespmem:s23+$0xB0]  }
0x60: {  	v11 =	vld [tilespmem:s24+$0xB0]  }
0x61: {  	v12 =	vld [tilespmem:s23+$0xC0]  }
0x62: {  	v13 =	vld [tilespmem:s24+$0xC0]  }
0x63: {  	v2 =	vld [tilespmem:s23+$0xD0]  }
0x64: {  	v3 =	vld [tilespmem:s24+$0xD0]  }
0x65: {  	v1 =	vld [tilespmem:s23+$0xE0]  }
0x66: {  	v14 =	vld [tilespmem:s23+$0x0]  }
0x67: {  	v15 =	vld [tilespmem:s24+$0x0]  }
0x68: {  	v16 =	vld [tilespmem:s23+$0x10]  }
0x69: {  	v17 =	vld [tilespmem:s24+$0x10]  }
0x6a: {  	v18 =	vld [tilespmem:s23+$0x20]  }
0x6b: {  	v19 =	vld [tilespmem:s24+$0x20]  }
0x6c: {  	v20 =	vld [tilespmem:s23+$0x30]  }
0x6d: {  	v21 =	vld [tilespmem:s24+$0x30]  }
0x6e: {  	v22 =	vld [tilespmem:s23+$0x40]  }
0x6f: {  	v23 =	vld [tilespmem:s24+$0x40]  }
0x70: {  	v24 =	vld [tilespmem:s23+$0x50]  }
0x71: {  	v25 =	vld [tilespmem:s24+$0x50]  }
0x72: {  	v26 =	vld [tilespmem:s23+$0x60]  }
0x73: {  	v27 =	vld [tilespmem:s24+$0x60]  }
0x74: {  	v28 =	vld [tilespmem:s23+$0x70]  }
0x75: {  	v29 =	vld [tilespmem:s24+$0x70]  }
0x76: {  	v30 =	vld [tilespmem:s23+$0xFFFFFF80]  }
0x77: {  	v31 =	vld [tilespmem:s24+$0xFFFFFF80]  }
0x78: {  	v32 =	vld [tilespmem:s23+$0xFFFFFF90]  }
0x79: {  	v33 =	vld [tilespmem:s24+$0xFFFFFF90]  }
0x7a: {  	v34 =	vld [tilespmem:s23+$0xFFFFFFA0]  }
0x7b: {  	v35 =	vld [tilespmem:s24+$0xFFFFFFA0]  }
0x7c: {  	v36 =	vld [tilespmem:s23+$0xFFFFFFB0]  }
0x7d: {  	v37 =	vld [tilespmem:s24+$0xFFFFFFB0]  }
0x7e: {  	v38 =	vld [tilespmem:s23+$0xFFFFFFC0]  }
0x7f: {  	v39 =	vld [tilespmem:s24+$0xFFFFFFC0]  }
0x80: {  	v40 =	vld [tilespmem:s23+$0xFFFFFFD0]  }
0x81: {  	v41 =	vld [tilespmem:s24+$0xFFFFFFD0]  }
0x82: {  	v42 =	vld [tilespmem:s23+$0xFFFFFFE0]  }
0x83: {  	v43 =	vld [tilespmem:s24+$0xFFFFFFE0]  }
0x84: {  	v44 =	vld [tilespmem:s23+$0xFFFFFFF0]  }
0x85: {  	v45 =	vld [tilespmem:s24+$0xFFFFFFF0]  }
0x86: {  	v46 =	vld [tilespmem:s23+$0xFFFFFF00]  }
0x87: {  	v47 =	vld [tilespmem:s24+$0xFFFFFF00]  }
0x88: {  	v48 =	vld [tilespmem:s23+$0xFFFFFF10]  }
0x89: {  	v49 =	vld [tilespmem:s24+$0xFFFFFF10];
	v50 =	vmul.f32 v5, v4;
	v51 =	vmul.f32 v7, v6  }
0x8a: {  	v52 =	vld [tilespmem:s23+$0xFFFFFF20];
	v6 =	vmul.f32 v9, v8;
	v7 =	vmul.f32 v11, v10  }
0x8b: {  	v53 =	vld [tilespmem:s24+$0xFFFFFF20];
	v54 =	vmul.f32 v15, v14;
	v5 =	vmul.f32 v13, v12  }
0x8c: {  	v8 =	vld [tilespmem:s23+$0xFFFFFF30];
	v13 =	vmul.f32 v17, v16;
	v55 =	vmul.f32 v19, v18  }
0x8d: {  	v10 =	vld [tilespmem:s24+$0xFFFFFF30];
	v56 =	vmul.f32 v21, v20;
	v57 =	vmul.f32 v23, v22  }
0x8e: {  	v9 =	vld [tilespmem:s23+$0xFFFFFF40];
	v58 =	vmul.f32 v25, v24;
	v16 =	vmul.f32 v27, v26  }
0x8f: {  	v12 =	vld [tilespmem:s24+$0xFFFFFF40];
	v19 =	vmul.f32 v31, v30;
	v20 =	vmul.f32 v29, v28  }
0x90: {  	v11 =	vld [tilespmem:s23+$0xFFFFFF50];
	v28 =	vmul.f32 v33, v32;
	v21 =	vmul.f32 v35, v34  }
0x91: {  	v17 =	vld [tilespmem:s24+$0xFFFFFF50];
	v25 =	vmul.f32 v37, v36;
	v26 =	vmul.f32 v39, v38  }
0x92: {  	v14 =	vld [tilespmem:s23+$0xFFFFFF60];
	v30 =	vmul.f32 v41, v40;
	v15 =	vmul.f32 v43, v42  }
0x93: {  	v4 =	vimm.f32 $0.0e+00;
	v18 =	vmul.f32 v47, v46;
	v24 =	vld [tilespmem:s24+$0xFFFFFF60];
	v22 =	vmul.f32 v45, v44  }
0x94: {  	s26 =	sshll.u32 s25, $0x4;
	s28 =	simm.s32 $0x0;
	v27 =	vmul.f32 v49, v48;
	v23 =	vld [tilespmem:s23+$0xFFFFFF70];
	v32 =	vadd.f32 v13, v54;
	v13 =	vadd.f32 v51, v50  }
0x95: {  	s0 =	simm.s32 $0x4;
	s29 =	smov.u32 s24;
	s31 =	smov.u32 s23;
	v29 =	vmul.f32 v53, v52;
	v31 =	vld [tilespmem:s24+$0xFFFFFF70];
	v33 =	vadd.f32 v56, v55;
	v34 =	vadd.f32 v58, v57  }
.LBB2_3:
0x96: {  	p0 =	sne.s32 s0, $0xC;
	v10 =	vmul.f32 v10, v8;
	v19 =	vadd.f32 v28, v19;
	v8 =	vadd.f32 v20, v16;
	v16 =	vld [tilespmem:s29+$0xE0]  }
0x97: {  	v12 =	vmul.f32 v12, v9;
	v20 =	vadd.f32 v25, v21;
	v21 =	vadd.f32 v30, v26;
	v25 =	vld [tilespmem:s31+$0xF0]  }
0x98: {  	v17 =	vmul.f32 v17, v11;
	v11 =	vadd.f32 v33, v32;
	s31 =	sadd.s32 $0x200, s31;
	v26 =	vadd.f32 v8, v34;
	v28 =	vld [tilespmem:s29+$0xF0]  }
0x99: {  	v18 =	vadd.f32 v27, v18;
	v15 =	vadd.f32 v22, v15;
	v14 =	vmul.f32 v24, v14;
	s29 =	sadd.s32 $0x200, s29;
	v8 =	vld [tilespmem:s31+$0x80]  }
0x9a: {  	v9 =	vld [tilespmem:s29+$0x80];
	v22 =	vmul.f32 v31, v23;
	v23 =	vadd.f32 v10, v29;
	v24 =	vadd.f32 v26, v11  }
0x9b: {  	v2 =	vmul.f32 v3, v2;
	v19 =	vadd.f32 v20, v19;
	v15 =	vadd.f32 v15, v21;
	v10 =	vld [tilespmem:s31+$0x90]  }
0x9c: {  	v3 =	vadd.f32 v17, v12;
	v1 =	vmul.f32 v16, v1;
	v11 =	vld [tilespmem:s29+$0x90];
	v14 =	vadd.f32 v22, v14;
	(xrf2) =	vadd.scan.msk.f32 $0xffff, v24  }
0x9d: {  	v6 =	vadd.f32 v7, v6;
	v15 =	vadd.f32 v15, v19;
	v12 =	vld [tilespmem:s31+$0xA0];
	v16 =	vmul.f32 v28, v25  }
0x9e: {  	v17 =	vadd.f32 v23, v18;
	v7 =	vld [tilespmem:s29+$0xA0];
	v3 =	vadd.f32 v14, v3  }
0x9f: {  	v2 =	vadd.f32 v2, v5;
	v14 =	vld [tilespmem:s31+$0xB0];
	v1 =	vadd.f32 v16, v1;
	(xrf2) =	vadd.scan.msk.f32 $0xffff, v15  }
0xa0: {  	v5 =	vld [tilespmem:s29+$0xB0];
	v3 =	vadd.f32 v3, v17  }
0xa1: {  	v6 =	vadd.f32 v6, v13;
	v15 =	vld [tilespmem:s31+$0xC0];
	v1 =	vadd.f32 v1, v2  }
0xa2: {  	v13 =	vld [tilespmem:s29+$0xC0];
	(xrf2) =	vadd.scan.msk.f32 $0xffff, v3  }
0xa3: {  	v2 =	vld [tilespmem:s31+$0xD0];
	v17 =	vadd.f32 v1, v6  }
0xa4: {  	v3 =	vld [tilespmem:s29+$0xD0]  }
0xa5: {  	v1 =	vld [tilespmem:s31+$0xE0];
	(xrf2) =	vadd.scan.msk.f32 $0xffff, v17  }
0xa6: {  	v16 =	vld [tilespmem:s31+$0x0];
	v6, _, _ =	vpop (xrf2)  }
0xa7: {  	v17 =	vld [tilespmem:s29+$0x0]  }
0xa8: {  	v18 =	vld [tilespmem:s31+$0x10]  }
0xa9: {  	v19 =	vld [tilespmem:s29+$0x10];
	v20, _, _ =	vpop (xrf2)  }
0xaa: {  	v21 =	vld [tilespmem:s31+$0x20]  }
0xab: {  	v22 =	vld [tilespmem:s29+$0x20]  }
0xac: {  	s18 =	sadd.s32 $0x2, s28;
	s6 =	sadd.s32 $0x3, s28;
	v24 =	vmov s28;
	v23 =	vld [tilespmem:s31+$0x30];
	v25, _, _ =	vpop (xrf2)  }
0xad: {  	s7 =	sadd.s32 $0x1, s28;
	v27 =	vmov s18;
	s28 =	smov.u32 s0;
	v28 =	vmov s6;
	v26 =	vld [tilespmem:s29+$0x30];
	v25 =	vbroadcast v25, $0xF  }
0xae: {  	v31 =	vmov s7;
	vm0 =	veq.s32 v24, v0;
	v20 =	vbroadcast v20, $0xF;
	v29 =	vld [tilespmem:s31+$0x40]  }
0xaf: {  	v6 =	vbroadcast v6, $0xF;
	v30 =	vld [tilespmem:s29+$0x40];
	v4 =	vsel vm0, v25, v4;
	vm0 =	veq.s32 v31, v0;
	v24, _, _ =	vpop (xrf2)  }
0xb0: {  	v25 =	vld [tilespmem:s31+$0x50];
	v4 =	vsel vm0, v20, v4;
	vm0 =	veq.s32 v27, v0;
	v20 =	vbroadcast v24, $0xF  }
0xb1: {  	v24 =	vld [tilespmem:s29+$0x50];
	v4 =	vsel vm0, v6, v4;
	vm0 =	veq.s32 v28, v0  }
0xb2: {  	v27 =	vld [tilespmem:s31+$0x60];
	v4 =	vsel vm0, v20, v4  }
0xb3: {  	v20 =	vld [tilespmem:s29+$0x60]  }
0xb4: {  	v28 =	vld [tilespmem:s31+$0x70]  }
0xb5: {  	v31 =	vld [tilespmem:s29+$0x70]  }
0xb6: {  	v32 =	vld [tilespmem:s31+$0xFFFFFF80]  }
0xb7: {  	v33 =	vld [tilespmem:s29+$0xFFFFFF80]  }
0xb8: {  	v34 =	vld [tilespmem:s31+$0xFFFFFF90]  }
0xb9: {  	v35 =	vld [tilespmem:s29+$0xFFFFFF90]  }
0xba: {  	v36 =	vld [tilespmem:s31+$0xFFFFFFA0]  }
0xbb: {  	v37 =	vld [tilespmem:s29+$0xFFFFFFA0]  }
0xbc: {  	v38 =	vld [tilespmem:s31+$0xFFFFFFB0]  }
0xbd: {  	v39 =	vld [tilespmem:s29+$0xFFFFFFB0]  }
0xbe: {  	v40 =	vld [tilespmem:s31+$0xFFFFFFC0]  }
0xbf: {  	v41 =	vld [tilespmem:s29+$0xFFFFFFC0]  }
0xc0: {  	v42 =	vld [tilespmem:s31+$0xFFFFFFD0]  }
0xc1: {  	v43 =	vld [tilespmem:s29+$0xFFFFFFD0]  }
0xc2: {  	v44 =	vld [tilespmem:s31+$0xFFFFFFE0]  }
0xc3: {  	v45 =	vld [tilespmem:s29+$0xFFFFFFE0]  }
0xc4: {  	v46 =	vld [tilespmem:s31+$0xFFFFFFF0]  }
0xc5: {  	v47 =	vld [tilespmem:s29+$0xFFFFFFF0]  }
0xc6: {  	v48 =	vld [tilespmem:s31+$0xFFFFFF00]  }
0xc7: {  	v49 =	vld [tilespmem:s29+$0xFFFFFF00]  }
0xc8: {  	v50 =	vld [tilespmem:s31+$0xFFFFFF10]  }
0xc9: {  	v52 =	vmul.f32 v9, v8;
	v53 =	vmul.f32 v11, v10;
	v51 =	vld [tilespmem:s29+$0xFFFFFF10]  }
0xca: {  	v6 =	vmul.f32 v7, v12;
	v7 =	vmul.f32 v5, v14;
	v54 =	vld [tilespmem:s31+$0xFFFFFF20]  }
0xcb: {  	v56 =	vmul.f32 v17, v16;
	v5 =	vmul.f32 v13, v15;
	v55 =	vld [tilespmem:s29+$0xFFFFFF20]  }
0xcc: {  	v57 =	vmul.f32 v22, v21;
	v13 =	vmul.f32 v19, v18;
	v8 =	vld [tilespmem:s31+$0xFFFFFF30]  }
0xcd: {  	v58 =	vmul.f32 v26, v23;
	v59 =	vmul.f32 v30, v29;
	v10 =	vld [tilespmem:s29+$0xFFFFFF30]  }
0xce: {  	v60 =	vmul.f32 v24, v25;
	v16 =	vmul.f32 v20, v27;
	v9 =	vld [tilespmem:s31+$0xFFFFFF40]  }
0xcf: {  	v20 =	vmul.f32 v31, v28;
	v19 =	vmul.f32 v33, v32;
	v12 =	vld [tilespmem:s29+$0xFFFFFF40]  }
0xd0: {  	v28 =	vmul.f32 v35, v34;
	v21 =	vmul.f32 v37, v36;
	v11 =	vld [tilespmem:s31+$0xFFFFFF50]  }
.Ltmp0:
0xd1: {  	v25 =	vmul.f32 v39, v38;
	v26 =	vmul.f32 v41, v40;
	v17 =	vld [tilespmem:s29+$0xFFFFFF50];
	(pc) =	sbr.rel @p0 .LBB2_3-.Ltmp0, $4  }
0xd2: {  	v30 =	vmul.f32 v43, v42;
	v15 =	vmul.f32 v45, v44;
	v14 =	vld [tilespmem:s31+$0xFFFFFF60]  }
0xd3: {  	v22 =	vmul.f32 v47, v46;
	v18 =	vmul.f32 v49, v48;
	v24 =	vld [tilespmem:s29+$0xFFFFFF60]  }
0xd4: {  	v32 =	vadd.f32 v13, v56;
	v13 =	vadd.f32 v53, v52;
	v27 =	vmul.f32 v51, v50;
	v23 =	vld [tilespmem:s31+$0xFFFFFF70]  }
0xd5: {  	s0 =	sadd.s32 $0x4, s0;
	v33 =	vadd.f32 v58, v57;
	v34 =	vadd.f32 v60, v59;
	v29 =	vmul.f32 v55, v54;
	v31 =	vld [tilespmem:s29+$0xFFFFFF70]  }
0xd6: {  	v8 =	vmul.f32 v10, v8;
	v40 =	vadd.f32 v28, v19  }
0xd7: {  	v16 =	vadd.f32 v20, v16;
	v41 =	vld [tilespmem:s29+$0xE0];
	v9 =	vmul.f32 v12, v9;
	v42 =	vadd.f32 v25, v21  }
0xd8: {  	v43 =	vadd.f32 v30, v26;
	v44 =	vld [tilespmem:s31+$0xF0];
	v11 =	vmul.f32 v17, v11;
	v18 =	vadd.f32 v27, v18  }
0xd9: {  	v46 =	vld [tilespmem:s29+$0xF0];
	v15 =	vadd.f32 v22, v15;
	v2 =	vmul.f32 v3, v2;
	v6 =	vadd.f32 v7, v6  }
0xda: {  	v45 =	vadd.f32 v33, v32;
	v16 =	vadd.f32 v16, v34;
	v14 =	vmul.f32 v24, v14  }
0xdb: {  	v8 =	vadd.f32 v8, v29;
	v10 =	vadd.f32 v42, v40;
	v47 =	vmul.f32 v31, v23  }
0xdc: {  	v48 =	vadd.f32 v15, v43;
	v3 =	vadd.f32 v11, v9  }
0xdd: {  	v2 =	vadd.f32 v2, v5;
	v49 =	vadd.f32 v47, v14  }
0xde: {  	v16 =	vadd.f32 v16, v45;
	v1 =	vmul.f32 v41, v1;
	v50 =	vmul.f32 v46, v44  }
0xdf: {  	v51 =	vadd.f32 v8, v18;
	v3 =	vadd.f32 v49, v3  }
0xe0: {  	v10 =	vadd.f32 v48, v10;
	v1 =	vadd.f32 v50, v1  }
0xe1: {  	(xrf2) =	vadd.scan.msk.f32 $0xffff, v16;
	v3 =	vadd.f32 v3, v51  }
0xe2: {  	v52 =	vadd.f32 v6, v13;
	(xrf2) =	vadd.scan.msk.f32 $0xffff, v10;
	v1 =	vadd.f32 v1, v2  }
0xe3: {  	(xrf2) =	vadd.scan.msk.f32 $0xffff, v3  }
0xe4: {  	v1 =	vadd.f32 v1, v52;
	_ =	sdelay $0x1  }
0xe5: {  	(xrf2) =	vadd.scan.msk.f32 $0xffff, v1;
	_ =	sdelay $0x4  }
0xe6: {  	v1, _, _ =	vpop (xrf2)  }
0xe7: {  	v55 =	vld [tilespmem:s26+$0x8C80];
	v2, _, _ =	vpop (xrf2)  }
0xe8: {  	v53 =	vmov s28;
	s0 =	sadd.s32 $0x2, s28;
	s6 =	sadd.s32 $0x3, s28;
	v3 =	vld [tilespmem:s26+$0x800];
	v54, _, _ =	vpop (xrf2)  }
0xe9: {  	s7 =	sadd.s32 $0x1, s28;
	v58 =	vld [tilespmem:s26+$0x8D00];
	v56 =	vmov s0;
	v57 =	vmov s6;
	v6 =	vbroadcast v54, $0xF  }
0xea: {  	v60 =	vld [tilespmem:s26+$0xA00];
	vm0 =	veq.s32 v53, v0;
	v59 =	vmov s7;
	v2 =	vbroadcast v2, $0xF  }
0xeb: {  	vm13 =	veq.s32 v59, v0;
	v1 =	vbroadcast v1, $0xF;
	v61, _, _ =	vpop (xrf2);
	v4 =	vsel vm0, v6, v4  }
0xec: {  	vm14 =	veq.s32 v56, v0;
	v62 =	vbroadcast v61, $0xF;
	v2 =	vsel vm13, v2, v4  }
0xed: {  	vm15 =	veq.s32 v57, v0;
	v1 =	vsel vm14, v1, v2  }
0xee: {  	v2 =	vld [tilespmem:s26+$0x8D80];
	v1 =	vsel vm15, v62, v1  }
0xef: {  	v63 =	vmul.f32 v60, v58;
	v1 =	vadd.f32 v55, v1  }
0xf0: {  	v3 =	vld.idx.msk [tilespmem:v3+s20+$0x0], $0xffff  }
0xf1: {  	v1 =	vadd.f32 v63, v1;
	_ =	sdelay $0x1  }
0xf2: {  	s25 =	sadd.s32 $0x1, s25;
	v1 =	vadd.f32 v1, v2  }
0xf3: {  	p0 =	sne.s32 s25, $0x8  }
.Ltmp1:
0xf4: {  	v1 =	vadd.f32 v1, v3;
	(pc) =	sbr.rel @p0 .LBB2_2-.Ltmp1, $3  }
0xf5: {  	_ = 	snop  }
0xf6: {  	v1 =	vadd.f32 $3.599999900e+00, v1;
	_ =	sdelay $0x1  }
0xf7: {  	s23 =	sadd.s32 $0x800, s23;
	s24 =	sadd.s32 $0x800, s24;
	[tilespmem:s26+$0x10F80] =	vst v1  }
0xf8: {  	s0 =	simm.s32 $0xC80  }
0xf9: {  	[tilespmem:s0], [sflag:$0x1] =	stream.indirect.gather [hbm4b:s1+s22], $0x80, s3, s22, $0xb8;
	[tilespmem:$0x11180] =	vst v63  }
0xfa: {  	s18 =	simm.s32 $0x4C80;
	s6 =	simm.s32 $0x300  }
0xfb: {  	[tilespmem:s18], [sflag:$0x1] =	stream.indirect.gather [hbm4b:s2+s22], $0x80, s6, s22, $0xb8;
	[tilespmem:$0x11180] =	vst v63  }
0xfc: {  	s23 =	simm.s32 $0x8C80  }
0xfd: {  	[tilespmem:s23], [sflag:$0x1] =	stream.indirect.gather [hbm4b:s5+s22], $0x1, s3, s22, $0xb8;
	[tilespmem:$0x11180] =	vst v63  }
0xfe: {  	s24 =	simm.s32 $0x8D00;
	s25 =	simm.s32 $0x500  }
0xff: {  	[tilespmem:s24], [sflag:$0x1] =	stream.indirect.gather [hbm4b:s5+s22], $0x1, s25, s22, $0xb8;
	[tilespmem:$0x11180] =	vst v63  }
0x100: {  	s26 =	simm.s32 $0x8D80;
	s28 =	simm.s32 $0x700  }
0x101: {  	[tilespmem:s26], [sflag:$0x1] =	stream.indirect.gather [hbm4b:s5+s22], $0x1, s28, s22, $0xb8;
	[tilespmem:$0x11180] =	vst v63  }
0x102: {  	_ =	swait.ge [sflag:s19], $0x4000  }
0x103: {  	[sflag:s19] =	ssyncset.done $0x0  }
0x104: {  	[sflag:s19] =	ssyncadd.s32 $0xFFFFC000  }
0x105: {  	_ =	swait.ge [sflag:s19], $0x4000  }
0x106: {  	[sflag:s19] =	ssyncset.done $0x0  }
0x107: {  	[sflag:s19] =	ssyncadd.s32 $0xFFFFC000  }
0x108: {  	_ =	swait.ge [sflag:s19], $0x80  }
0x109: {  	[sflag:s19] =	ssyncset.done $0x0  }
0x10a: {  	[sflag:s19] =	ssyncadd.s32 $0xFFFFFF80  }
0x10b: {  	_ =	swait.ge [sflag:s19], $0x80  }
0x10c: {  	[sflag:s19] =	ssyncset.done $0x0  }
0x10d: {  	[sflag:s19] =	ssyncadd.s32 $0xFFFFFF80  }
0x10e: {  	_ =	swait.ge [sflag:s19], $0x80  }
0x10f: {  	s31 =	simm.s32 $0x8F00;
	[sflag:s19] =	ssyncset.done $0x0  }
0x110: {  	s29 =	simm.s32 $0xCF00;
	s23 =	simm.s32 $0x0;
	[sflag:s19] =	ssyncadd.s32 $0xFFFFFF80  }
.LBB2_6:
0x111: {  	v4 =	vld [tilespmem:s31+$0x80]  }
0x112: {  	v5 =	vld [tilespmem:s29+$0x80]  }
0x113: {  	v6 =	vld [tilespmem:s31+$0x90]  }
0x114: {  	v7 =	vld [tilespmem:s29+$0x90]  }
0x115: {  	v8 =	vld [tilespmem:s31+$0xA0]  }
0x116: {  	v9 =	vld [tilespmem:s29+$0xA0]  }
0x117: {  	v10 =	vld [tilespmem:s31+$0xB0]  }
0x118: {  	v11 =	vld [tilespmem:s29+$0xB0]  }
0x119: {  	v12 =	vld [tilespmem:s31+$0xC0]  }
0x11a: {  	v13 =	vld [tilespmem:s29+$0xC0]  }
0x11b: {  	v2 =	vld [tilespmem:s31+$0xD0]  }
0x11c: {  	v3 =	vld [tilespmem:s29+$0xD0]  }
0x11d: {  	v1 =	vld [tilespmem:s31+$0xE0]  }
0x11e: {  	v14 =	vld [tilespmem:s31+$0x0]  }
0x11f: {  	v15 =	vld [tilespmem:s29+$0x0]  }
0x120: {  	v16 =	vld [tilespmem:s31+$0x10]  }
0x121: {  	v17 =	vld [tilespmem:s29+$0x10]  }
0x122: {  	v18 =	vld [tilespmem:s31+$0x20]  }
0x123: {  	v19 =	vld [tilespmem:s29+$0x20]  }
0x124: {  	v20 =	vld [tilespmem:s31+$0x30]  }
0x125: {  	v21 =	vld [tilespmem:s29+$0x30]  }
0x126: {  	v22 =	vld [tilespmem:s31+$0x40]  }
0x127: {  	v23 =	vld [tilespmem:s29+$0x40]  }
0x128: {  	v24 =	vld [tilespmem:s31+$0x50]  }
0x129: {  	v25 =	vld [tilespmem:s29+$0x50]  }
0x12a: {  	v26 =	vld [tilespmem:s31+$0x60]  }
0x12b: {  	v27 =	vld [tilespmem:s29+$0x60]  }
0x12c: {  	v28 =	vld [tilespmem:s31+$0x70]  }
0x12d: {  	v29 =	vld [tilespmem:s29+$0x70]  }
0x12e: {  	v30 =	vld [tilespmem:s31+$0xFFFFFF80]  }
0x12f: {  	v31 =	vld [tilespmem:s29+$0xFFFFFF80]  }
0x130: {  	v32 =	vld [tilespmem:s31+$0xFFFFFF90]  }
0x131: {  	v33 =	vld [tilespmem:s29+$0xFFFFFF90]  }
0x132: {  	v34 =	vld [tilespmem:s31+$0xFFFFFFA0]  }
0x133: {  	v35 =	vld [tilespmem:s29+$0xFFFFFFA0]  }
0x134: {  	v36 =	vld [tilespmem:s31+$0xFFFFFFB0]  }
0x135: {  	v37 =	vld [tilespmem:s29+$0xFFFFFFB0]  }
0x136: {  	v38 =	vld [tilespmem:s31+$0xFFFFFFC0]  }
0x137: {  	v39 =	vld [tilespmem:s29+$0xFFFFFFC0]  }
0x138: {  	v40 =	vld [tilespmem:s31+$0xFFFFFFD0]  }
0x139: {  	v41 =	vld [tilespmem:s29+$0xFFFFFFD0]  }
0x13a: {  	v42 =	vld [tilespmem:s31+$0xFFFFFFE0]  }
0x13b: {  	v43 =	vld [tilespmem:s29+$0xFFFFFFE0]  }
0x13c: {  	v44 =	vld [tilespmem:s31+$0xFFFFFFF0]  }
0x13d: {  	v45 =	vld [tilespmem:s29+$0xFFFFFFF0]  }
0x13e: {  	v46 =	vld [tilespmem:s31+$0xFFFFFF00]  }
0x13f: {  	v47 =	vld [tilespmem:s29+$0xFFFFFF00]  }
0x140: {  	v48 =	vld [tilespmem:s31+$0xFFFFFF10]  }
0x141: {  	v49 =	vld [tilespmem:s29+$0xFFFFFF10];
	v50 =	vmul.f32 v5, v4;
	v51 =	vmul.f32 v7, v6  }
0x142: {  	v52 =	vld [tilespmem:s31+$0xFFFFFF20];
	v6 =	vmul.f32 v9, v8;
	v7 =	vmul.f32 v11, v10  }
0x143: {  	v53 =	vld [tilespmem:s29+$0xFFFFFF20];
	v54 =	vmul.f32 v15, v14;
	v5 =	vmul.f32 v13, v12  }
0x144: {  	v8 =	vld [tilespmem:s31+$0xFFFFFF30];
	v13 =	vmul.f32 v17, v16;
	v55 =	vmul.f32 v19, v18  }
0x145: {  	v10 =	vld [tilespmem:s29+$0xFFFFFF30];
	v56 =	vmul.f32 v21, v20;
	v57 =	vmul.f32 v23, v22  }
0x146: {  	v9 =	vld [tilespmem:s31+$0xFFFFFF40];
	v58 =	vmul.f32 v25, v24;
	v16 =	vmul.f32 v27, v26  }
0x147: {  	v12 =	vld [tilespmem:s29+$0xFFFFFF40];
	v19 =	vmul.f32 v31, v30;
	v20 =	vmul.f32 v29, v28  }
0x148: {  	v11 =	vld [tilespmem:s31+$0xFFFFFF50];
	v29 =	vmul.f32 v33, v32;
	v21 =	vmul.f32 v35, v34  }
0x149: {  	v17 =	vld [tilespmem:s29+$0xFFFFFF50];
	v25 =	vmul.f32 v37, v36;
	v26 =	vmul.f32 v39, v38  }
0x14a: {  	v14 =	vld [tilespmem:s31+$0xFFFFFF60];
	v30 =	vmul.f32 v41, v40;
	v15 =	vmul.f32 v43, v42  }
0x14b: {  	v4 =	vimm.f32 $0.0e+00;
	v18 =	vmul.f32 v47, v46;
	v24 =	vld [tilespmem:s29+$0xFFFFFF60];
	v22 =	vmul.f32 v45, v44  }
0x14c: {  	s26 =	sshll.u32 s23, $0x4;
	s0 =	simm.s32 $0x4;
	v27 =	vmul.f32 v49, v48;
	v23 =	vld [tilespmem:s31+$0xFFFFFF70];
	v32 =	vadd.f32 v13, v54;
	v13 =	vadd.f32 v51, v50  }
0x14d: {  	s25 =	smov.u32 s29;
	s24 =	smov.u32 s31;
	s28 =	simm.s32 $0x0;
	v28 =	vmul.f32 v53, v52;
	v31 =	vld [tilespmem:s29+$0xFFFFFF70];
	v33 =	vadd.f32 v56, v55;
	v34 =	vadd.f32 v58, v57  }
.LBB2_7:
0x14e: {  	p0 =	sne.s32 s0, $0xC;
	v10 =	vmul.f32 v10, v8;
	v19 =	vadd.f32 v29, v19;
	v8 =	vadd.f32 v20, v16;
	v16 =	vld [tilespmem:s25+$0xE0]  }
0x14f: {  	v12 =	vmul.f32 v12, v9;
	v20 =	vadd.f32 v25, v21;
	v21 =	vadd.f32 v30, v26;
	v25 =	vld [tilespmem:s24+$0xF0]  }
0x150: {  	v17 =	vmul.f32 v17, v11;
	v11 =	vadd.f32 v33, v32;
	s24 =	sadd.s32 $0x200, s24;
	v26 =	vadd.f32 v8, v34;
	v29 =	vld [tilespmem:s25+$0xF0]  }
0x151: {  	v18 =	vadd.f32 v27, v18;
	v15 =	vadd.f32 v22, v15;
	v14 =	vmul.f32 v24, v14;
	s25 =	sadd.s32 $0x200, s25;
	v8 =	vld [tilespmem:s24+$0x80]  }
0x152: {  	v9 =	vld [tilespmem:s25+$0x80];
	v22 =	vmul.f32 v31, v23;
	v23 =	vadd.f32 v10, v28;
	v24 =	vadd.f32 v26, v11  }
0x153: {  	v2 =	vmul.f32 v3, v2;
	v19 =	vadd.f32 v20, v19;
	v15 =	vadd.f32 v15, v21;
	v10 =	vld [tilespmem:s24+$0x90]  }
0x154: {  	v3 =	vadd.f32 v17, v12;
	v1 =	vmul.f32 v16, v1;
	v11 =	vld [tilespmem:s25+$0x90];
	v14 =	vadd.f32 v22, v14;
	(xrf2) =	vadd.scan.msk.f32 $0xffff, v24  }
0x155: {  	v6 =	vadd.f32 v7, v6;
	v15 =	vadd.f32 v15, v19;
	v12 =	vld [tilespmem:s24+$0xA0];
	v16 =	vmul.f32 v29, v25  }
0x156: {  	v17 =	vadd.f32 v23, v18;
	v7 =	vld [tilespmem:s25+$0xA0];
	v3 =	vadd.f32 v14, v3  }
0x157: {  	v2 =	vadd.f32 v2, v5;
	v14 =	vld [tilespmem:s24+$0xB0];
	v1 =	vadd.f32 v16, v1;
	(xrf2) =	vadd.scan.msk.f32 $0xffff, v15  }
0x158: {  	v5 =	vld [tilespmem:s25+$0xB0];
	v3 =	vadd.f32 v3, v17  }
0x159: {  	v6 =	vadd.f32 v6, v13;
	v15 =	vld [tilespmem:s24+$0xC0];
	v1 =	vadd.f32 v1, v2  }
0x15a: {  	v13 =	vld [tilespmem:s25+$0xC0];
	(xrf2) =	vadd.scan.msk.f32 $0xffff, v3  }
0x15b: {  	v2 =	vld [tilespmem:s24+$0xD0];
	v17 =	vadd.f32 v1, v6  }
0x15c: {  	v3 =	vld [tilespmem:s25+$0xD0]  }
0x15d: {  	v1 =	vld [tilespmem:s24+$0xE0];
	(xrf2) =	vadd.scan.msk.f32 $0xffff, v17  }
0x15e: {  	v16 =	vld [tilespmem:s24+$0x0];
	v6, _, _ =	vpop (xrf2)  }
0x15f: {  	v17 =	vld [tilespmem:s25+$0x0]  }
0x160: {  	v18 =	vld [tilespmem:s24+$0x10]  }
0x161: {  	v19 =	vld [tilespmem:s25+$0x10];
	v20, _, _ =	vpop (xrf2)  }
0x162: {  	v21 =	vld [tilespmem:s24+$0x20]  }
0x163: {  	v22 =	vld [tilespmem:s25+$0x20]  }
0x164: {  	s6 =	sadd.s32 $0x2, s28;
	s7 =	sadd.s32 $0x3, s28;
	v24 =	vmov s28;
	v23 =	vld [tilespmem:s24+$0x30];
	v25, _, _ =	vpop (xrf2)  }
0x165: {  	s18 =	sadd.s32 $0x1, s28;
	v27 =	vmov s6;
	v28 =	vmov s7;
	s28 =	smov.u32 s0;
	v26 =	vld [tilespmem:s25+$0x30];
	v25 =	vbroadcast v25, $0xF  }
0x166: {  	v31 =	vmov s18;
	vm0 =	veq.s32 v24, v0;
	v20 =	vbroadcast v20, $0xF;
	v29 =	vld [tilespmem:s24+$0x40]  }
0x167: {  	v6 =	vbroadcast v6, $0xF;
	v30 =	vld [tilespmem:s25+$0x40];
	v4 =	vsel vm0, v25, v4;
	vm0 =	veq.s32 v31, v0;
	v24, _, _ =	vpop (xrf2)  }
0x168: {  	v25 =	vld [tilespmem:s24+$0x50];
	v4 =	vsel vm0, v20, v4;
	vm0 =	veq.s32 v27, v0;
	v20 =	vbroadcast v24, $0xF  }
0x169: {  	v24 =	vld [tilespmem:s25+$0x50];
	v4 =	vsel vm0, v6, v4;
	vm0 =	veq.s32 v28, v0  }
0x16a: {  	v27 =	vld [tilespmem:s24+$0x60];
	v4 =	vsel vm0, v20, v4  }
0x16b: {  	v20 =	vld [tilespmem:s25+$0x60]  }
0x16c: {  	v28 =	vld [tilespmem:s24+$0x70]  }
0x16d: {  	v31 =	vld [tilespmem:s25+$0x70]  }
0x16e: {  	v32 =	vld [tilespmem:s24+$0xFFFFFF80]  }
0x16f: {  	v33 =	vld [tilespmem:s25+$0xFFFFFF80]  }
0x170: {  	v34 =	vld [tilespmem:s24+$0xFFFFFF90]  }
0x171: {  	v35 =	vld [tilespmem:s25+$0xFFFFFF90]  }
0x172: {  	v36 =	vld [tilespmem:s24+$0xFFFFFFA0]  }
0x173: {  	v37 =	vld [tilespmem:s25+$0xFFFFFFA0]  }
0x174: {  	v38 =	vld [tilespmem:s24+$0xFFFFFFB0]  }
0x175: {  	v39 =	vld [tilespmem:s25+$0xFFFFFFB0]  }
0x176: {  	v40 =	vld [tilespmem:s24+$0xFFFFFFC0]  }
0x177: {  	v41 =	vld [tilespmem:s25+$0xFFFFFFC0]  }
0x178: {  	v42 =	vld [tilespmem:s24+$0xFFFFFFD0]  }
0x179: {  	v43 =	vld [tilespmem:s25+$0xFFFFFFD0]  }
0x17a: {  	v44 =	vld [tilespmem:s24+$0xFFFFFFE0]  }
0x17b: {  	v45 =	vld [tilespmem:s25+$0xFFFFFFE0]  }
0x17c: {  	v46 =	vld [tilespmem:s24+$0xFFFFFFF0]  }
0x17d: {  	v47 =	vld [tilespmem:s25+$0xFFFFFFF0]  }
0x17e: {  	v48 =	vld [tilespmem:s24+$0xFFFFFF00]  }
0x17f: {  	v49 =	vld [tilespmem:s25+$0xFFFFFF00]  }
0x180: {  	v50 =	vld [tilespmem:s24+$0xFFFFFF10]  }
0x181: {  	v52 =	vmul.f32 v9, v8;
	v53 =	vmul.f32 v11, v10;
	v51 =	vld [tilespmem:s25+$0xFFFFFF10]  }
0x182: {  	v6 =	vmul.f32 v7, v12;
	v7 =	vmul.f32 v5, v14;
	v54 =	vld [tilespmem:s24+$0xFFFFFF20]  }
0x183: {  	v56 =	vmul.f32 v17, v16;
	v5 =	vmul.f32 v13, v15;
	v55 =	vld [tilespmem:s25+$0xFFFFFF20]  }
0x184: {  	v57 =	vmul.f32 v22, v21;
	v13 =	vmul.f32 v19, v18;
	v8 =	vld [tilespmem:s24+$0xFFFFFF30]  }
0x185: {  	v58 =	vmul.f32 v26, v23;
	v59 =	vmul.f32 v30, v29;
	v10 =	vld [tilespmem:s25+$0xFFFFFF30]  }
0x186: {  	v60 =	vmul.f32 v24, v25;
	v16 =	vmul.f32 v20, v27;
	v9 =	vld [tilespmem:s24+$0xFFFFFF40]  }
0x187: {  	v20 =	vmul.f32 v31, v28;
	v19 =	vmul.f32 v33, v32;
	v12 =	vld [tilespmem:s25+$0xFFFFFF40]  }
0x188: {  	v29 =	vmul.f32 v35, v34;
	v21 =	vmul.f32 v37, v36;
	v11 =	vld [tilespmem:s24+$0xFFFFFF50]  }
.Ltmp2:
0x189: {  	v25 =	vmul.f32 v39, v38;
	v26 =	vmul.f32 v41, v40;
	v17 =	vld [tilespmem:s25+$0xFFFFFF50];
	(pc) =	sbr.rel @p0 .LBB2_7-.Ltmp2, $4  }
0x18a: {  	v30 =	vmul.f32 v43, v42;
	v15 =	vmul.f32 v45, v44;
	v14 =	vld [tilespmem:s24+$0xFFFFFF60]  }
0x18b: {  	v22 =	vmul.f32 v47, v46;
	v18 =	vmul.f32 v49, v48;
	v24 =	vld [tilespmem:s25+$0xFFFFFF60]  }
0x18c: {  	v32 =	vadd.f32 v13, v56;
	v13 =	vadd.f32 v53, v52;
	v27 =	vmul.f32 v51, v50;
	v23 =	vld [tilespmem:s24+$0xFFFFFF70]  }
0x18d: {  	s0 =	sadd.s32 $0x4, s0;
	v33 =	vadd.f32 v58, v57;
	v34 =	vadd.f32 v60, v59;
	v28 =	vmul.f32 v55, v54;
	v31 =	vld [tilespmem:s25+$0xFFFFFF70]  }
0x18e: {  	v8 =	vmul.f32 v10, v8;
	v40 =	vadd.f32 v29, v19  }
0x18f: {  	v16 =	vadd.f32 v20, v16;
	v41 =	vld [tilespmem:s25+$0xE0];
	v9 =	vmul.f32 v12, v9;
	v42 =	vadd.f32 v25, v21  }
0x190: {  	v43 =	vadd.f32 v30, v26;
	v44 =	vld [tilespmem:s24+$0xF0];
	v11 =	vmul.f32 v17, v11;
	v18 =	vadd.f32 v27, v18  }
0x191: {  	v46 =	vld [tilespmem:s25+$0xF0];
	v15 =	vadd.f32 v22, v15;
	v2 =	vmul.f32 v3, v2;
	v6 =	vadd.f32 v7, v6  }
0x192: {  	v45 =	vadd.f32 v33, v32;
	v16 =	vadd.f32 v16, v34;
	v14 =	vmul.f32 v24, v14  }
0x193: {  	v8 =	vadd.f32 v8, v28;
	v10 =	vadd.f32 v42, v40;
	v47 =	vmul.f32 v31, v23  }
0x194: {  	v48 =	vadd.f32 v15, v43;
	v3 =	vadd.f32 v11, v9  }
0x195: {  	v2 =	vadd.f32 v2, v5;
	v49 =	vadd.f32 v47, v14  }
0x196: {  	v16 =	vadd.f32 v16, v45;
	v1 =	vmul.f32 v41, v1;
	v50 =	vmul.f32 v46, v44  }
0x197: {  	v51 =	vadd.f32 v8, v18;
	v3 =	vadd.f32 v49, v3  }
0x198: {  	v10 =	vadd.f32 v48, v10;
	v1 =	vadd.f32 v50, v1  }
0x199: {  	(xrf2) =	vadd.scan.msk.f32 $0xffff, v16;
	v3 =	vadd.f32 v3, v51  }
0x19a: {  	v52 =	vadd.f32 v6, v13;
	(xrf2) =	vadd.scan.msk.f32 $0xffff, v10;
	v1 =	vadd.f32 v1, v2  }
0x19b: {  	(xrf2) =	vadd.scan.msk.f32 $0xffff, v3  }
0x19c: {  	v1 =	vadd.f32 v1, v52;
	_ =	sdelay $0x1  }
0x19d: {  	(xrf2) =	vadd.scan.msk.f32 $0xffff, v1;
	_ =	sdelay $0x4  }
0x19e: {  	v1, _, _ =	vpop (xrf2)  }
0x19f: {  	v55 =	vld [tilespmem:s26+$0x10E00];
	v2, _, _ =	vpop (xrf2)  }
0x1a0: {  	v53 =	vmov s28;
	s0 =	sadd.s32 $0x2, s28;
	s6 =	sadd.s32 $0x3, s28;
	v3 =	vld [tilespmem:s26+$0x880];
	v54, _, _ =	vpop (xrf2)  }
0x1a1: {  	s7 =	sadd.s32 $0x1, s28;
	v58 =	vld [tilespmem:s26+$0x10E80];
	v56 =	vmov s0;
	v57 =	vmov s6;
	v6 =	vbroadcast v54, $0xF  }
0x1a2: {  	v60 =	vld [tilespmem:s26+$0xA80];
	vm0 =	veq.s32 v53, v0;
	v59 =	vmov s7;
	v2 =	vbroadcast v2, $0xF  }
0x1a3: {  	vm13 =	veq.s32 v59, v0;
	v1 =	vbroadcast v1, $0xF;
	v61, _, _ =	vpop (xrf2);
	v4 =	vsel vm0, v6, v4  }
0x1a4: {  	vm14 =	veq.s32 v56, v0;
	v62 =	vbroadcast v61, $0xF;
	v2 =	vsel vm13, v2, v4  }
0x1a5: {  	vm15 =	veq.s32 v57, v0;
	v1 =	vsel vm14, v1, v2  }
0x1a6: {  	v2 =	vld [tilespmem:s26+$0x10F00];
	v1 =	vsel vm15, v62, v1  }
0x1a7: {  	v63 =	vmul.f32 v60, v58;
	v1 =	vadd.f32 v55, v1  }
0x1a8: {  	v3 =	vld.idx.msk [tilespmem:v3+s20+$0x0], $0xffff  }
0x1a9: {  	v1 =	vadd.f32 v63, v1;
	_ =	sdelay $0x1  }
0x1aa: {  	s23 =	sadd.s32 $0x1, s23;
	v1 =	vadd.f32 v1, v2  }
0x1ab: {  	p0 =	sne.s32 s23, $0x8  }
.Ltmp3:
0x1ac: {  	v1 =	vadd.f32 v1, v3;
	(pc) =	sbr.rel @p0 .LBB2_6-.Ltmp3, $3  }
0x1ad: {  	_ = 	snop  }
0x1ae: {  	v1 =	vadd.f32 $3.599999900e+00, v1;
	_ =	sdelay $0x1  }
0x1af: {  	s31 =	sadd.s32 $0x800, s31;
	s29 =	sadd.s32 $0x800, s29;
	[tilespmem:s26+$0x11000] =	vst v1  }
0x1b0: {  	s0 =	simm.s32 $0x8E00  }
0x1b1: {  	[tilespmem:s0], [sflag:$0x2] =	stream.indirect.gather [hbm4b:s1+s22], $0x80, s15, s22, $0xb8;
	[tilespmem:$0x11180] =	vst v63  }
0x1b2: {  	s25 =	simm.s32 $0xCE00;
	s6 =	simm.s32 $0x380  }
0x1b3: {  	[tilespmem:s25], [sflag:$0x2] =	stream.indirect.gather [hbm4b:s2+s22], $0x80, s6, s22, $0xb8;
	[tilespmem:$0x11180] =	vst v63  }
0x1b4: {  	s26 =	simm.s32 $0x10E00  }
0x1b5: {  	[tilespmem:s26], [sflag:$0x2] =	stream.indirect.gather [hbm4b:s5+s22], $0x1, s15, s22, $0xb8;
	[tilespmem:$0x11180] =	vst v63  }
0x1b6: {  	s28 =	simm.s32 $0x10E80;
	s29 =	simm.s32 $0x580  }
0x1b7: {  	[tilespmem:s28], [sflag:$0x2] =	stream.indirect.gather [hbm4b:s5+s22], $0x1, s29, s22, $0xb8;
	[tilespmem:$0x11180] =	vst v63  }
0x1b8: {  	s31 =	simm.s32 $0x780  }
0x1b9: {  	[tilespmem:s30], [sflag:$0x2] =	stream.indirect.gather [hbm4b:s5+s22], $0x1, s31, s22, $0xb8;
	[tilespmem:$0x11180] =	vst v63  }
0x1ba: {  	_ =	swait.ge [sflag:s21], $0x4000  }
0x1bb: {  	[sflag:s21] =	ssyncset.done $0x0  }
0x1bc: {  	[sflag:s21] =	ssyncadd.s32 $0xFFFFC000  }
0x1bd: {  	_ =	swait.ge [sflag:s21], $0x4000  }
0x1be: {  	[sflag:s21] =	ssyncset.done $0x0  }
0x1bf: {  	[sflag:s21] =	ssyncadd.s32 $0xFFFFC000  }
0x1c0: {  	_ =	swait.ge [sflag:s21], $0x80  }
0x1c1: {  	[sflag:s21] =	ssyncset.done $0x0  }
0x1c2: {  	[sflag:s21] =	ssyncadd.s32 $0xFFFFFF80  }
0x1c3: {  	_ =	swait.ge [sflag:s21], $0x80  }
0x1c4: {  	[sflag:s21] =	ssyncset.done $0x0  }
0x1c5: {  	[sflag:s21] =	ssyncadd.s32 $0xFFFFFF80  }
0x1c6: {  	_ =	swait.ge [sflag:s21], $0x80  }
0x1c7: {  	s23 =	simm.s32 $0x0;
	[sflag:s21] =	ssyncset.done $0x0  }
0x1c8: {  	s24 =	simm.s32 $0xD80;
	s25 =	simm.s32 $0x4D80;
	[sflag:s21] =	ssyncadd.s32 $0xFFFFFF80  }
.LBB2_10:
0x1c9: {  	v4 =	vld [tilespmem:s24+$0x80]  }
0x1ca: {  	v5 =	vld [tilespmem:s25+$0x80]  }
0x1cb: {  	v6 =	vld [tilespmem:s24+$0x90]  }
0x1cc: {  	v7 =	vld [tilespmem:s25+$0x90]  }
0x1cd: {  	v8 =	vld [tilespmem:s24+$0xA0]  }
0x1ce: {  	v9 =	vld [tilespmem:s25+$0xA0]  }
0x1cf: {  	v10 =	vld [tilespmem:s24+$0xB0]  }
0x1d0: {  	v11 =	vld [tilespmem:s25+$0xB0]  }
0x1d1: {  	v12 =	vld [tilespmem:s24+$0xC0]  }
0x1d2: {  	v13 =	vld [tilespmem:s25+$0xC0]  }
0x1d3: {  	v2 =	vld [tilespmem:s24+$0xD0]  }
0x1d4: {  	v3 =	vld [tilespmem:s25+$0xD0]  }
0x1d5: {  	v1 =	vld [tilespmem:s24+$0xE0]  }
0x1d6: {  	v14 =	vld [tilespmem:s24+$0x0]  }
0x1d7: {  	v15 =	vld [tilespmem:s25+$0x0]  }
0x1d8: {  	v16 =	vld [tilespmem:s24+$0x10]  }
0x1d9: {  	v17 =	vld [tilespmem:s25+$0x10]  }
0x1da: {  	v18 =	vld [tilespmem:s24+$0x20]  }
0x1db: {  	v19 =	vld [tilespmem:s25+$0x20]  }
0x1dc: {  	v20 =	vld [tilespmem:s24+$0x30]  }
0x1dd: {  	v21 =	vld [tilespmem:s25+$0x30]  }
0x1de: {  	v22 =	vld [tilespmem:s24+$0x40]  }
0x1df: {  	v23 =	vld [tilespmem:s25+$0x40]  }
0x1e0: {  	v24 =	vld [tilespmem:s24+$0x50]  }
0x1e1: {  	v25 =	vld [tilespmem:s25+$0x50]  }
0x1e2: {  	v26 =	vld [tilespmem:s24+$0x60]  }
0x1e3: {  	v27 =	vld [tilespmem:s25+$0x60]  }
0x1e4: {  	v28 =	vld [tilespmem:s24+$0x70]  }
0x1e5: {  	v29 =	vld [tilespmem:s25+$0x70]  }
0x1e6: {  	v30 =	vld [tilespmem:s24+$0xFFFFFF80]  }
0x1e7: {  	v31 =	vld [tilespmem:s25+$0xFFFFFF80]  }
0x1e8: {  	v32 =	vld [tilespmem:s24+$0xFFFFFF90]  }
0x1e9: {  	v33 =	vld [tilespmem:s25+$0xFFFFFF90]  }
0x1ea: {  	v34 =	vld [tilespmem:s24+$0xFFFFFFA0]  }
0x1eb: {  	v35 =	vld [tilespmem:s25+$0xFFFFFFA0]  }
0x1ec: {  	v36 =	vld [tilespmem:s24+$0xFFFFFFB0]  }
0x1ed: {  	v37 =	vld [tilespmem:s25+$0xFFFFFFB0]  }
0x1ee: {  	v38 =	vld [tilespmem:s24+$0xFFFFFFC0]  }
0x1ef: {  	v39 =	vld [tilespmem:s25+$0xFFFFFFC0]  }
0x1f0: {  	v40 =	vld [tilespmem:s24+$0xFFFFFFD0]  }
0x1f1: {  	v41 =	vld [tilespmem:s25+$0xFFFFFFD0]  }
0x1f2: {  	v42 =	vld [tilespmem:s24+$0xFFFFFFE0]  }
0x1f3: {  	v43 =	vld [tilespmem:s25+$0xFFFFFFE0]  }
0x1f4: {  	v44 =	vld [tilespmem:s24+$0xFFFFFFF0]  }
0x1f5: {  	v45 =	vld [tilespmem:s25+$0xFFFFFFF0]  }
0x1f6: {  	v46 =	vld [tilespmem:s24+$0xFFFFFF00]  }
0x1f7: {  	v47 =	vld [tilespmem:s25+$0xFFFFFF00]  }
0x1f8: {  	v48 =	vld [tilespmem:s24+$0xFFFFFF10]  }
0x1f9: {  	v49 =	vld [tilespmem:s25+$0xFFFFFF10];
	v50 =	vmul.f32 v5, v4;
	v51 =	vmul.f32 v7, v6  }
0x1fa: {  	v52 =	vld [tilespmem:s24+$0xFFFFFF20];
	v6 =	vmul.f32 v9, v8;
	v7 =	vmul.f32 v11, v10  }
0x1fb: {  	v53 =	vld [tilespmem:s25+$0xFFFFFF20];
	v54 =	vmul.f32 v15, v14;
	v5 =	vmul.f32 v13, v12  }
0x1fc: {  	v8 =	vld [tilespmem:s24+$0xFFFFFF30];
	v13 =	vmul.f32 v17, v16;
	v55 =	vmul.f32 v19, v18  }
0x1fd: {  	v10 =	vld [tilespmem:s25+$0xFFFFFF30];
	v56 =	vmul.f32 v21, v20;
	v57 =	vmul.f32 v23, v22  }
0x1fe: {  	v9 =	vld [tilespmem:s24+$0xFFFFFF40];
	v58 =	vmul.f32 v25, v24;
	v16 =	vmul.f32 v27, v26  }
0x1ff: {  	v12 =	vld [tilespmem:s25+$0xFFFFFF40];
	v19 =	vmul.f32 v31, v30;
	v20 =	vmul.f32 v29, v28  }
0x200: {  	v11 =	vld [tilespmem:s24+$0xFFFFFF50];
	v29 =	vmul.f32 v33, v32;
	v21 =	vmul.f32 v35, v34  }
0x201: {  	v17 =	vld [tilespmem:s25+$0xFFFFFF50];
	v25 =	vmul.f32 v37, v36;
	v26 =	vmul.f32 v39, v38  }
0x202: {  	v14 =	vld [tilespmem:s24+$0xFFFFFF60];
	v30 =	vmul.f32 v41, v40;
	v15 =	vmul.f32 v43, v42  }
0x203: {  	v4 =	vimm.f32 $0.0e+00;
	v18 =	vmul.f32 v47, v46;
	v24 =	vld [tilespmem:s25+$0xFFFFFF60];
	v22 =	vmul.f32 v45, v44  }
0x204: {  	s26 =	sshll.u32 s23, $0x4;
	s0 =	simm.s32 $0x4;
	v27 =	vmul.f32 v49, v48;
	v23 =	vld [tilespmem:s24+$0xFFFFFF70];
	v32 =	vadd.f32 v13, v54;
	v13 =	vadd.f32 v51, v50  }
0x205: {  	s29 =	smov.u32 s25;
	s31 =	smov.u32 s24;
	s28 =	simm.s32 $0x0;
	v28 =	vmul.f32 v53, v52;
	v31 =	vld [tilespmem:s25+$0xFFFFFF70];
	v33 =	vadd.f32 v56, v55;
	v34 =	vadd.f32 v58, v57  }
.LBB2_11:
0x206: {  	p0 =	sne.s32 s0, $0xC;
	v10 =	vmul.f32 v10, v8;
	v19 =	vadd.f32 v29, v19;
	v8 =	vadd.f32 v20, v16;
	v16 =	vld [tilespmem:s29+$0xE0]  }
0x207: {  	v12 =	vmul.f32 v12, v9;
	v20 =	vadd.f32 v25, v21;
	v21 =	vadd.f32 v30, v26;
	v25 =	vld [tilespmem:s31+$0xF0]  }
0x208: {  	v17 =	vmul.f32 v17, v11;
	v11 =	vadd.f32 v33, v32;
	s31 =	sadd.s32 $0x200, s31;
	v26 =	vadd.f32 v8, v34;
	v29 =	vld [tilespmem:s29+$0xF0]  }
0x209: {  	v18 =	vadd.f32 v27, v18;
	v15 =	vadd.f32 v22, v15;
	v14 =	vmul.f32 v24, v14;
	s29 =	sadd.s32 $0x200, s29;
	v8 =	vld [tilespmem:s31+$0x80]  }
0x20a: {  	v9 =	vld [tilespmem:s29+$0x80];
	v22 =	vmul.f32 v31, v23;
	v23 =	vadd.f32 v10, v28;
	v24 =	vadd.f32 v26, v11  }
0x20b: {  	v2 =	vmul.f32 v3, v2;
	v19 =	vadd.f32 v20, v19;
	v15 =	vadd.f32 v15, v21;
	v10 =	vld [tilespmem:s31+$0x90]  }
0x20c: {  	v3 =	vadd.f32 v17, v12;
	v1 =	vmul.f32 v16, v1;
	v11 =	vld [tilespmem:s29+$0x90];
	v14 =	vadd.f32 v22, v14;
	(xrf2) =	vadd.scan.msk.f32 $0xffff, v24  }
0x20d: {  	v6 =	vadd.f32 v7, v6;
	v15 =	vadd.f32 v15, v19;
	v12 =	vld [tilespmem:s31+$0xA0];
	v16 =	vmul.f32 v29, v25  }
0x20e: {  	v17 =	vadd.f32 v23, v18;
	v7 =	vld [tilespmem:s29+$0xA0];
	v3 =	vadd.f32 v14, v3  }
0x20f: {  	v2 =	vadd.f32 v2, v5;
	v14 =	vld [tilespmem:s31+$0xB0];
	v1 =	vadd.f32 v16, v1;
	(xrf2) =	vadd.scan.msk.f32 $0xffff, v15  }
0x210: {  	v5 =	vld [tilespmem:s29+$0xB0];
	v3 =	vadd.f32 v3, v17  }
0x211: {  	v6 =	vadd.f32 v6, v13;
	v15 =	vld [tilespmem:s31+$0xC0];
	v1 =	vadd.f32 v1, v2  }
0x212: {  	v13 =	vld [tilespmem:s29+$0xC0];
	(xrf2) =	vadd.scan.msk.f32 $0xffff, v3  }
0x213: {  	v2 =	vld [tilespmem:s31+$0xD0];
	v17 =	vadd.f32 v1, v6  }
0x214: {  	v3 =	vld [tilespmem:s29+$0xD0]  }
0x215: {  	v1 =	vld [tilespmem:s31+$0xE0];
	(xrf2) =	vadd.scan.msk.f32 $0xffff, v17  }
0x216: {  	v16 =	vld [tilespmem:s31+$0x0];
	v6, _, _ =	vpop (xrf2)  }
0x217: {  	v17 =	vld [tilespmem:s29+$0x0]  }
0x218: {  	v18 =	vld [tilespmem:s31+$0x10]  }
0x219: {  	v19 =	vld [tilespmem:s29+$0x10];
	v20, _, _ =	vpop (xrf2)  }
0x21a: {  	v21 =	vld [tilespmem:s31+$0x20]  }
0x21b: {  	v22 =	vld [tilespmem:s29+$0x20]  }
0x21c: {  	s6 =	sadd.s32 $0x2, s28;
	s7 =	sadd.s32 $0x3, s28;
	v24 =	vmov s28;
	v23 =	vld [tilespmem:s31+$0x30];
	v25, _, _ =	vpop (xrf2)  }
0x21d: {  	s18 =	sadd.s32 $0x1, s28;
	v27 =	vmov s6;
	v28 =	vmov s7;
	s28 =	smov.u32 s0;
	v26 =	vld [tilespmem:s29+$0x30];
	v25 =	vbroadcast v25, $0xF  }
0x21e: {  	v31 =	vmov s18;
	vm0 =	veq.s32 v24, v0;
	v20 =	vbroadcast v20, $0xF;
	v29 =	vld [tilespmem:s31+$0x40]  }
0x21f: {  	v6 =	vbroadcast v6, $0xF;
	v30 =	vld [tilespmem:s29+$0x40];
	v4 =	vsel vm0, v25, v4;
	vm0 =	veq.s32 v31, v0;
	v24, _, _ =	vpop (xrf2)  }
0x220: {  	v25 =	vld [tilespmem:s31+$0x50];
	v4 =	vsel vm0, v20, v4;
	vm0 =	veq.s32 v27, v0;
	v20 =	vbroadcast v24, $0xF  }
0x221: {  	v24 =	vld [tilespmem:s29+$0x50];
	v4 =	vsel vm0, v6, v4;
	vm0 =	veq.s32 v28, v0  }
0x222: {  	v27 =	vld [tilespmem:s31+$0x60];
	v4 =	vsel vm0, v20, v4  }
0x223: {  	v20 =	vld [tilespmem:s29+$0x60]  }
0x224: {  	v28 =	vld [tilespmem:s31+$0x70]  }
0x225: {  	v31 =	vld [tilespmem:s29+$0x70]  }
0x226: {  	v32 =	vld [tilespmem:s31+$0xFFFFFF80]  }
0x227: {  	v33 =	vld [tilespmem:s29+$0xFFFFFF80]  }
0x228: {  	v34 =	vld [tilespmem:s31+$0xFFFFFF90]  }
0x229: {  	v35 =	vld [tilespmem:s29+$0xFFFFFF90]  }
0x22a: {  	v36 =	vld [tilespmem:s31+$0xFFFFFFA0]  }
0x22b: {  	v37 =	vld [tilespmem:s29+$0xFFFFFFA0]  }
0x22c: {  	v38 =	vld [tilespmem:s31+$0xFFFFFFB0]  }
0x22d: {  	v39 =	vld [tilespmem:s29+$0xFFFFFFB0]  }
0x22e: {  	v40 =	vld [tilespmem:s31+$0xFFFFFFC0]  }
0x22f: {  	v41 =	vld [tilespmem:s29+$0xFFFFFFC0]  }
0x230: {  	v42 =	vld [tilespmem:s31+$0xFFFFFFD0]  }
0x231: {  	v43 =	vld [tilespmem:s29+$0xFFFFFFD0]  }
0x232: {  	v44 =	vld [tilespmem:s31+$0xFFFFFFE0]  }
0x233: {  	v45 =	vld [tilespmem:s29+$0xFFFFFFE0]  }
0x234: {  	v46 =	vld [tilespmem:s31+$0xFFFFFFF0]  }
0x235: {  	v47 =	vld [tilespmem:s29+$0xFFFFFFF0]  }
0x236: {  	v48 =	vld [tilespmem:s31+$0xFFFFFF00]  }
0x237: {  	v49 =	vld [tilespmem:s29+$0xFFFFFF00]  }
0x238: {  	v50 =	vld [tilespmem:s31+$0xFFFFFF10]  }
0x239: {  	v52 =	vmul.f32 v9, v8;
	v53 =	vmul.f32 v11, v10;
	v51 =	vld [tilespmem:s29+$0xFFFFFF10]  }
0x23a: {  	v6 =	vmul.f32 v7, v12;
	v7 =	vmul.f32 v5, v14;
	v54 =	vld [tilespmem:s31+$0xFFFFFF20]  }
0x23b: {  	v56 =	vmul.f32 v17, v16;
	v5 =	vmul.f32 v13, v15;
	v55 =	vld [tilespmem:s29+$0xFFFFFF20]  }
0x23c: {  	v57 =	vmul.f32 v22, v21;
	v13 =	vmul.f32 v19, v18;
	v8 =	vld [tilespmem:s31+$0xFFFFFF30]  }
0x23d: {  	v58 =	vmul.f32 v26, v23;
	v59 =	vmul.f32 v30, v29;
	v10 =	vld [tilespmem:s29+$0xFFFFFF30]  }
0x23e: {  	v60 =	vmul.f32 v24, v25;
	v16 =	vmul.f32 v20, v27;
	v9 =	vld [tilespmem:s31+$0xFFFFFF40]  }
0x23f: {  	v20 =	vmul.f32 v31, v28;
	v19 =	vmul.f32 v33, v32;
	v12 =	vld [tilespmem:s29+$0xFFFFFF40]  }
0x240: {  	v29 =	vmul.f32 v35, v34;
	v21 =	vmul.f32 v37, v36;
	v11 =	vld [tilespmem:s31+$0xFFFFFF50]  }
.Ltmp4:
0x241: {  	v25 =	vmul.f32 v39, v38;
	v26 =	vmul.f32 v41, v40;
	v17 =	vld [tilespmem:s29+$0xFFFFFF50];
	(pc) =	sbr.rel @p0 .LBB2_11-.Ltmp4, $4  }
0x242: {  	v30 =	vmul.f32 v43, v42;
	v15 =	vmul.f32 v45, v44;
	v14 =	vld [tilespmem:s31+$0xFFFFFF60]  }
0x243: {  	v22 =	vmul.f32 v47, v46;
	v18 =	vmul.f32 v49, v48;
	v24 =	vld [tilespmem:s29+$0xFFFFFF60]  }
0x244: {  	v32 =	vadd.f32 v13, v56;
	v13 =	vadd.f32 v53, v52;
	v27 =	vmul.f32 v51, v50;
	v23 =	vld [tilespmem:s31+$0xFFFFFF70]  }
0x245: {  	s0 =	sadd.s32 $0x4, s0;
	v33 =	vadd.f32 v58, v57;
	v34 =	vadd.f32 v60, v59;
	v28 =	vmul.f32 v55, v54;
	v31 =	vld [tilespmem:s29+$0xFFFFFF70]  }
0x246: {  	v8 =	vmul.f32 v10, v8;
	v40 =	vadd.f32 v29, v19  }
0x247: {  	v16 =	vadd.f32 v20, v16;
	v41 =	vld [tilespmem:s29+$0xE0];
	v9 =	vmul.f32 v12, v9;
	v42 =	vadd.f32 v25, v21  }
0x248: {  	v43 =	vadd.f32 v30, v26;
	v44 =	vld [tilespmem:s31+$0xF0];
	v11 =	vmul.f32 v17, v11;
	v18 =	vadd.f32 v27, v18  }
0x249: {  	v46 =	vld [tilespmem:s29+$0xF0];
	v15 =	vadd.f32 v22, v15;
	v2 =	vmul.f32 v3, v2;
	v6 =	vadd.f32 v7, v6  }
0x24a: {  	v45 =	vadd.f32 v33, v32;
	v16 =	vadd.f32 v16, v34;
	v14 =	vmul.f32 v24, v14  }
0x24b: {  	v8 =	vadd.f32 v8, v28;
	v10 =	vadd.f32 v42, v40;
	v47 =	vmul.f32 v31, v23  }
0x24c: {  	v48 =	vadd.f32 v15, v43;
	v3 =	vadd.f32 v11, v9  }
0x24d: {  	v2 =	vadd.f32 v2, v5;
	v49 =	vadd.f32 v47, v14  }
0x24e: {  	v16 =	vadd.f32 v16, v45;
	v1 =	vmul.f32 v41, v1;
	v50 =	vmul.f32 v46, v44  }
0x24f: {  	v51 =	vadd.f32 v8, v18;
	v3 =	vadd.f32 v49, v3  }
0x250: {  	v10 =	vadd.f32 v48, v10;
	v1 =	vadd.f32 v50, v1  }
0x251: {  	(xrf2) =	vadd.scan.msk.f32 $0xffff, v16;
	v3 =	vadd.f32 v3, v51  }
0x252: {  	v52 =	vadd.f32 v6, v13;
	(xrf2) =	vadd.scan.msk.f32 $0xffff, v10;
	v1 =	vadd.f32 v1, v2  }
0x253: {  	(xrf2) =	vadd.scan.msk.f32 $0xffff, v3  }
0x254: {  	v1 =	vadd.f32 v1, v52;
	_ =	sdelay $0x1  }
0x255: {  	(xrf2) =	vadd.scan.msk.f32 $0xffff, v1;
	_ =	sdelay $0x4  }
0x256: {  	v1, _, _ =	vpop (xrf2)  }
0x257: {  	v55 =	vld [tilespmem:s26+$0x8C80];
	v2, _, _ =	vpop (xrf2)  }
0x258: {  	v53 =	vmov s28;
	s0 =	sadd.s32 $0x2, s28;
	s6 =	sadd.s32 $0x3, s28;
	v3 =	vld [tilespmem:s26+$0x900];
	v54, _, _ =	vpop (xrf2)  }
0x259: {  	s7 =	sadd.s32 $0x1, s28;
	v58 =	vld [tilespmem:s26+$0x8D00];
	v56 =	vmov s0;
	v57 =	vmov s6;
	v6 =	vbroadcast v54, $0xF  }
0x25a: {  	v60 =	vld [tilespmem:s26+$0xB00];
	vm0 =	veq.s32 v53, v0;
	v59 =	vmov s7;
	v2 =	vbroadcast v2, $0xF  }
0x25b: {  	vm13 =	veq.s32 v59, v0;
	v1 =	vbroadcast v1, $0xF;
	v61, _, _ =	vpop (xrf2);
	v4 =	vsel vm0, v6, v4  }
0x25c: {  	vm14 =	veq.s32 v56, v0;
	v62 =	vbroadcast v61, $0xF;
	v2 =	vsel vm13, v2, v4  }
0x25d: {  	vm15 =	veq.s32 v57, v0;
	v1 =	vsel vm14, v1, v2  }
0x25e: {  	v2 =	vld [tilespmem:s26+$0x8D80];
	v1 =	vsel vm15, v62, v1  }
0x25f: {  	v63 =	vmul.f32 v60, v58;
	v1 =	vadd.f32 v55, v1  }
0x260: {  	v3 =	vld.idx.msk [tilespmem:v3+s20+$0x0], $0xffff  }
0x261: {  	v1 =	vadd.f32 v63, v1;
	_ =	sdelay $0x1  }
0x262: {  	s23 =	sadd.s32 $0x1, s23;
	v1 =	vadd.f32 v1, v2  }
0x263: {  	p0 =	sne.s32 s23, $0x8  }
.Ltmp5:
0x264: {  	v1 =	vadd.f32 v1, v3;
	(pc) =	sbr.rel @p0 .LBB2_10-.Ltmp5, $3  }
0x265: {  	_ = 	snop  }
0x266: {  	v1 =	vadd.f32 $3.599999900e+00, v1;
	_ =	sdelay $0x1  }
0x267: {  	s24 =	sadd.s32 $0x800, s24;
	s25 =	sadd.s32 $0x800, s25;
	[tilespmem:s26+$0x11080] =	vst v1  }
0x268: {  	_ =	swait.ge [sflag:s19], $0x4000  }
0x269: {  	[sflag:s19] =	ssyncset.done $0x0  }
0x26a: {  	[sflag:s19] =	ssyncadd.s32 $0xFFFFC000  }
0x26b: {  	_ =	swait.ge [sflag:s19], $0x4000  }
0x26c: {  	[sflag:s19] =	ssyncset.done $0x0  }
0x26d: {  	[sflag:s19] =	ssyncadd.s32 $0xFFFFC000  }
0x26e: {  	_ =	swait.ge [sflag:s19], $0x80  }
0x26f: {  	[sflag:s19] =	ssyncset.done $0x0  }
0x270: {  	[sflag:s19] =	ssyncadd.s32 $0xFFFFFF80  }
0x271: {  	_ =	swait.ge [sflag:s19], $0x80  }
0x272: {  	[sflag:s19] =	ssyncset.done $0x0  }
0x273: {  	[sflag:s19] =	ssyncadd.s32 $0xFFFFFF80  }
0x274: {  	_ =	swait.ge [sflag:s19], $0x80  }
0x275: {  	s23 =	simm.s32 $0x0;
	[sflag:s19] =	ssyncset.done $0x0  }
0x276: {  	s24 =	simm.s32 $0x8F00;
	s25 =	simm.s32 $0xCF00;
	[sflag:s19] =	ssyncadd.s32 $0xFFFFFF80  }
.LBB2_14:
0x277: {  	v4 =	vld [tilespmem:s24+$0x80]  }
0x278: {  	v5 =	vld [tilespmem:s25+$0x80]  }
0x279: {  	v6 =	vld [tilespmem:s24+$0x90]  }
0x27a: {  	v7 =	vld [tilespmem:s25+$0x90]  }
0x27b: {  	v8 =	vld [tilespmem:s24+$0xA0]  }
0x27c: {  	v9 =	vld [tilespmem:s25+$0xA0]  }
0x27d: {  	v10 =	vld [tilespmem:s24+$0xB0]  }
0x27e: {  	v11 =	vld [tilespmem:s25+$0xB0]  }
0x27f: {  	v12 =	vld [tilespmem:s24+$0xC0]  }
0x280: {  	v13 =	vld [tilespmem:s25+$0xC0]  }
0x281: {  	v2 =	vld [tilespmem:s24+$0xD0]  }
0x282: {  	v3 =	vld [tilespmem:s25+$0xD0]  }
0x283: {  	v1 =	vld [tilespmem:s24+$0xE0]  }
0x284: {  	v14 =	vld [tilespmem:s24+$0x0]  }
0x285: {  	v15 =	vld [tilespmem:s25+$0x0]  }
0x286: {  	v16 =	vld [tilespmem:s24+$0x10]  }
0x287: {  	v17 =	vld [tilespmem:s25+$0x10]  }
0x288: {  	v18 =	vld [tilespmem:s24+$0x20]  }
0x289: {  	v19 =	vld [tilespmem:s25+$0x20]  }
0x28a: {  	v20 =	vld [tilespmem:s24+$0x30]  }
0x28b: {  	v21 =	vld [tilespmem:s25+$0x30]  }
0x28c: {  	v22 =	vld [tilespmem:s24+$0x40]  }
0x28d: {  	v23 =	vld [tilespmem:s25+$0x40]  }
0x28e: {  	v24 =	vld [tilespmem:s24+$0x50]  }
0x28f: {  	v25 =	vld [tilespmem:s25+$0x50]  }
0x290: {  	v26 =	vld [tilespmem:s24+$0x60]  }
0x291: {  	v27 =	vld [tilespmem:s25+$0x60]  }
0x292: {  	v28 =	vld [tilespmem:s24+$0x70]  }
0x293: {  	v29 =	vld [tilespmem:s25+$0x70]  }
0x294: {  	v30 =	vld [tilespmem:s24+$0xFFFFFF80]  }
0x295: {  	v31 =	vld [tilespmem:s25+$0xFFFFFF80]  }
0x296: {  	v32 =	vld [tilespmem:s24+$0xFFFFFF90]  }
0x297: {  	v33 =	vld [tilespmem:s25+$0xFFFFFF90]  }
0x298: {  	v34 =	vld [tilespmem:s24+$0xFFFFFFA0]  }
0x299: {  	v35 =	vld [tilespmem:s25+$0xFFFFFFA0]  }
0x29a: {  	v36 =	vld [tilespmem:s24+$0xFFFFFFB0]  }
0x29b: {  	v37 =	vld [tilespmem:s25+$0xFFFFFFB0]  }
0x29c: {  	v38 =	vld [tilespmem:s24+$0xFFFFFFC0]  }
0x29d: {  	v39 =	vld [tilespmem:s25+$0xFFFFFFC0]  }
0x29e: {  	v40 =	vld [tilespmem:s24+$0xFFFFFFD0]  }
0x29f: {  	v41 =	vld [tilespmem:s25+$0xFFFFFFD0]  }
0x2a0: {  	v42 =	vld [tilespmem:s24+$0xFFFFFFE0]  }
0x2a1: {  	v43 =	vld [tilespmem:s25+$0xFFFFFFE0]  }
0x2a2: {  	v44 =	vld [tilespmem:s24+$0xFFFFFFF0]  }
0x2a3: {  	v45 =	vld [tilespmem:s25+$0xFFFFFFF0]  }
0x2a4: {  	v46 =	vld [tilespmem:s24+$0xFFFFFF00]  }
0x2a5: {  	v47 =	vld [tilespmem:s25+$0xFFFFFF00]  }
0x2a6: {  	v48 =	vld [tilespmem:s24+$0xFFFFFF10]  }
0x2a7: {  	v49 =	vld [tilespmem:s25+$0xFFFFFF10];
	v50 =	vmul.f32 v5, v4;
	v51 =	vmul.f32 v7, v6  }
0x2a8: {  	v52 =	vld [tilespmem:s24+$0xFFFFFF20];
	v6 =	vmul.f32 v9, v8;
	v7 =	vmul.f32 v11, v10  }
0x2a9: {  	v53 =	vld [tilespmem:s25+$0xFFFFFF20];
	v54 =	vmul.f32 v15, v14;
	v5 =	vmul.f32 v13, v12  }
0x2aa: {  	v8 =	vld [tilespmem:s24+$0xFFFFFF30];
	v13 =	vmul.f32 v17, v16;
	v55 =	vmul.f32 v19, v18  }
0x2ab: {  	v10 =	vld [tilespmem:s25+$0xFFFFFF30];
	v56 =	vmul.f32 v21, v20;
	v57 =	vmul.f32 v23, v22  }
0x2ac: {  	v9 =	vld [tilespmem:s24+$0xFFFFFF40];
	v58 =	vmul.f32 v25, v24;
	v16 =	vmul.f32 v27, v26  }
0x2ad: {  	v12 =	vld [tilespmem:s25+$0xFFFFFF40];
	v19 =	vmul.f32 v31, v30;
	v20 =	vmul.f32 v29, v28  }
0x2ae: {  	v11 =	vld [tilespmem:s24+$0xFFFFFF50];
	v29 =	vmul.f32 v33, v32;
	v21 =	vmul.f32 v35, v34  }
0x2af: {  	v17 =	vld [tilespmem:s25+$0xFFFFFF50];
	v25 =	vmul.f32 v37, v36;
	v26 =	vmul.f32 v39, v38  }
0x2b0: {  	v14 =	vld [tilespmem:s24+$0xFFFFFF60];
	v30 =	vmul.f32 v41, v40;
	v15 =	vmul.f32 v43, v42  }
0x2b1: {  	v4 =	vimm.f32 $0.0e+00;
	v18 =	vmul.f32 v47, v46;
	v24 =	vld [tilespmem:s25+$0xFFFFFF60];
	v22 =	vmul.f32 v45, v44  }
0x2b2: {  	s26 =	sshll.u32 s23, $0x4;
	s0 =	simm.s32 $0x4;
	v27 =	vmul.f32 v49, v48;
	v23 =	vld [tilespmem:s24+$0xFFFFFF70];
	v32 =	vadd.f32 v13, v54;
	v13 =	vadd.f32 v51, v50  }
0x2b3: {  	s29 =	smov.u32 s25;
	s31 =	smov.u32 s24;
	s28 =	simm.s32 $0x0;
	v28 =	vmul.f32 v53, v52;
	v31 =	vld [tilespmem:s25+$0xFFFFFF70];
	v33 =	vadd.f32 v56, v55;
	v34 =	vadd.f32 v58, v57  }
.LBB2_15:
0x2b4: {  	p0 =	sne.s32 s0, $0xC;
	v10 =	vmul.f32 v10, v8;
	v19 =	vadd.f32 v29, v19;
	v8 =	vadd.f32 v20, v16;
	v16 =	vld [tilespmem:s29+$0xE0]  }
0x2b5: {  	v12 =	vmul.f32 v12, v9;
	v20 =	vadd.f32 v25, v21;
	v21 =	vadd.f32 v30, v26;
	v25 =	vld [tilespmem:s31+$0xF0]  }
0x2b6: {  	v17 =	vmul.f32 v17, v11;
	v11 =	vadd.f32 v33, v32;
	s31 =	sadd.s32 $0x200, s31;
	v26 =	vadd.f32 v8, v34;
	v29 =	vld [tilespmem:s29+$0xF0]  }
0x2b7: {  	v18 =	vadd.f32 v27, v18;
	v15 =	vadd.f32 v22, v15;
	v14 =	vmul.f32 v24, v14;
	s29 =	sadd.s32 $0x200, s29;
	v8 =	vld [tilespmem:s31+$0x80]  }
0x2b8: {  	v9 =	vld [tilespmem:s29+$0x80];
	v22 =	vmul.f32 v31, v23;
	v23 =	vadd.f32 v10, v28;
	v24 =	vadd.f32 v26, v11  }
0x2b9: {  	v2 =	vmul.f32 v3, v2;
	v19 =	vadd.f32 v20, v19;
	v15 =	vadd.f32 v15, v21;
	v10 =	vld [tilespmem:s31+$0x90]  }
0x2ba: {  	v3 =	vadd.f32 v17, v12;
	v1 =	vmul.f32 v16, v1;
	v11 =	vld [tilespmem:s29+$0x90];
	v14 =	vadd.f32 v22, v14;
	(xrf2) =	vadd.scan.msk.f32 $0xffff, v24  }
0x2bb: {  	v6 =	vadd.f32 v7, v6;
	v15 =	vadd.f32 v15, v19;
	v12 =	vld [tilespmem:s31+$0xA0];
	v16 =	vmul.f32 v29, v25  }
0x2bc: {  	v17 =	vadd.f32 v23, v18;
	v7 =	vld [tilespmem:s29+$0xA0];
	v3 =	vadd.f32 v14, v3  }
0x2bd: {  	v2 =	vadd.f32 v2, v5;
	v14 =	vld [tilespmem:s31+$0xB0];
	v1 =	vadd.f32 v16, v1;
	(xrf2) =	vadd.scan.msk.f32 $0xffff, v15  }
0x2be: {  	v5 =	vld [tilespmem:s29+$0xB0];
	v3 =	vadd.f32 v3, v17  }
0x2bf: {  	v6 =	vadd.f32 v6, v13;
	v15 =	vld [tilespmem:s31+$0xC0];
	v1 =	vadd.f32 v1, v2  }
0x2c0: {  	v13 =	vld [tilespmem:s29+$0xC0];
	(xrf2) =	vadd.scan.msk.f32 $0xffff, v3  }
0x2c1: {  	v2 =	vld [tilespmem:s31+$0xD0];
	v17 =	vadd.f32 v1, v6  }
0x2c2: {  	v3 =	vld [tilespmem:s29+$0xD0]  }
0x2c3: {  	v1 =	vld [tilespmem:s31+$0xE0];
	(xrf2) =	vadd.scan.msk.f32 $0xffff, v17  }
0x2c4: {  	v16 =	vld [tilespmem:s31+$0x0];
	v6, _, _ =	vpop (xrf2)  }
0x2c5: {  	v17 =	vld [tilespmem:s29+$0x0]  }
0x2c6: {  	v18 =	vld [tilespmem:s31+$0x10]  }
0x2c7: {  	v19 =	vld [tilespmem:s29+$0x10];
	v20, _, _ =	vpop (xrf2)  }
0x2c8: {  	v21 =	vld [tilespmem:s31+$0x20]  }
0x2c9: {  	v22 =	vld [tilespmem:s29+$0x20]  }
0x2ca: {  	s6 =	sadd.s32 $0x2, s28;
	s7 =	sadd.s32 $0x3, s28;
	v24 =	vmov s28;
	v23 =	vld [tilespmem:s31+$0x30];
	v25, _, _ =	vpop (xrf2)  }
0x2cb: {  	s18 =	sadd.s32 $0x1, s28;
	v27 =	vmov s6;
	v28 =	vmov s7;
	s28 =	smov.u32 s0;
	v26 =	vld [tilespmem:s29+$0x30];
	v25 =	vbroadcast v25, $0xF  }
0x2cc: {  	v31 =	vmov s18;
	vm0 =	veq.s32 v24, v0;
	v20 =	vbroadcast v20, $0xF;
	v29 =	vld [tilespmem:s31+$0x40]  }
0x2cd: {  	v6 =	vbroadcast v6, $0xF;
	v30 =	vld [tilespmem:s29+$0x40];
	v4 =	vsel vm0, v25, v4;
	vm0 =	veq.s32 v31, v0;
	v24, _, _ =	vpop (xrf2)  }
0x2ce: {  	v25 =	vld [tilespmem:s31+$0x50];
	v4 =	vsel vm0, v20, v4;
	vm0 =	veq.s32 v27, v0;
	v20 =	vbroadcast v24, $0xF  }
0x2cf: {  	v24 =	vld [tilespmem:s29+$0x50];
	v4 =	vsel vm0, v6, v4;
	vm0 =	veq.s32 v28, v0  }
0x2d0: {  	v27 =	vld [tilespmem:s31+$0x60];
	v4 =	vsel vm0, v20, v4  }
0x2d1: {  	v20 =	vld [tilespmem:s29+$0x60]  }
0x2d2: {  	v28 =	vld [tilespmem:s31+$0x70]  }
0x2d3: {  	v31 =	vld [tilespmem:s29+$0x70]  }
0x2d4: {  	v32 =	vld [tilespmem:s31+$0xFFFFFF80]  }
0x2d5: {  	v33 =	vld [tilespmem:s29+$0xFFFFFF80]  }
0x2d6: {  	v34 =	vld [tilespmem:s31+$0xFFFFFF90]  }
0x2d7: {  	v35 =	vld [tilespmem:s29+$0xFFFFFF90]  }
0x2d8: {  	v36 =	vld [tilespmem:s31+$0xFFFFFFA0]  }
0x2d9: {  	v37 =	vld [tilespmem:s29+$0xFFFFFFA0]  }
0x2da: {  	v38 =	vld [tilespmem:s31+$0xFFFFFFB0]  }
0x2db: {  	v39 =	vld [tilespmem:s29+$0xFFFFFFB0]  }
0x2dc: {  	v40 =	vld [tilespmem:s31+$0xFFFFFFC0]  }
0x2dd: {  	v41 =	vld [tilespmem:s29+$0xFFFFFFC0]  }
0x2de: {  	v42 =	vld [tilespmem:s31+$0xFFFFFFD0]  }
0x2df: {  	v43 =	vld [tilespmem:s29+$0xFFFFFFD0]  }
0x2e0: {  	v44 =	vld [tilespmem:s31+$0xFFFFFFE0]  }
0x2e1: {  	v45 =	vld [tilespmem:s29+$0xFFFFFFE0]  }
0x2e2: {  	v46 =	vld [tilespmem:s31+$0xFFFFFFF0]  }
0x2e3: {  	v47 =	vld [tilespmem:s29+$0xFFFFFFF0]  }
0x2e4: {  	v48 =	vld [tilespmem:s31+$0xFFFFFF00]  }
0x2e5: {  	v49 =	vld [tilespmem:s29+$0xFFFFFF00]  }
0x2e6: {  	v50 =	vld [tilespmem:s31+$0xFFFFFF10]  }
0x2e7: {  	v52 =	vmul.f32 v9, v8;
	v53 =	vmul.f32 v11, v10;
	v51 =	vld [tilespmem:s29+$0xFFFFFF10]  }
0x2e8: {  	v6 =	vmul.f32 v7, v12;
	v7 =	vmul.f32 v5, v14;
	v54 =	vld [tilespmem:s31+$0xFFFFFF20]  }
0x2e9: {  	v56 =	vmul.f32 v17, v16;
	v5 =	vmul.f32 v13, v15;
	v55 =	vld [tilespmem:s29+$0xFFFFFF20]  }
0x2ea: {  	v57 =	vmul.f32 v22, v21;
	v13 =	vmul.f32 v19, v18;
	v8 =	vld [tilespmem:s31+$0xFFFFFF30]  }
0x2eb: {  	v58 =	vmul.f32 v26, v23;
	v59 =	vmul.f32 v30, v29;
	v10 =	vld [tilespmem:s29+$0xFFFFFF30]  }
0x2ec: {  	v60 =	vmul.f32 v24, v25;
	v16 =	vmul.f32 v20, v27;
	v9 =	vld [tilespmem:s31+$0xFFFFFF40]  }
0x2ed: {  	v20 =	vmul.f32 v31, v28;
	v19 =	vmul.f32 v33, v32;
	v12 =	vld [tilespmem:s29+$0xFFFFFF40]  }
0x2ee: {  	v29 =	vmul.f32 v35, v34;
	v21 =	vmul.f32 v37, v36;
	v11 =	vld [tilespmem:s31+$0xFFFFFF50]  }
.Ltmp6:
0x2ef: {  	v25 =	vmul.f32 v39, v38;
	v26 =	vmul.f32 v41, v40;
	v17 =	vld [tilespmem:s29+$0xFFFFFF50];
	(pc) =	sbr.rel @p0 .LBB2_15-.Ltmp6, $4  }
0x2f0: {  	v30 =	vmul.f32 v43, v42;
	v15 =	vmul.f32 v45, v44;
	v14 =	vld [tilespmem:s31+$0xFFFFFF60]  }
0x2f1: {  	v22 =	vmul.f32 v47, v46;
	v18 =	vmul.f32 v49, v48;
	v24 =	vld [tilespmem:s29+$0xFFFFFF60]  }
0x2f2: {  	v32 =	vadd.f32 v13, v56;
	v13 =	vadd.f32 v53, v52;
	v27 =	vmul.f32 v51, v50;
	v23 =	vld [tilespmem:s31+$0xFFFFFF70]  }
0x2f3: {  	s0 =	sadd.s32 $0x4, s0;
	v33 =	vadd.f32 v58, v57;
	v34 =	vadd.f32 v60, v59;
	v28 =	vmul.f32 v55, v54;
	v31 =	vld [tilespmem:s29+$0xFFFFFF70]  }
0x2f4: {  	v8 =	vmul.f32 v10, v8;
	v40 =	vadd.f32 v29, v19  }
0x2f5: {  	v16 =	vadd.f32 v20, v16;
	v41 =	vld [tilespmem:s29+$0xE0];
	v9 =	vmul.f32 v12, v9;
	v42 =	vadd.f32 v25, v21  }
0x2f6: {  	v43 =	vadd.f32 v30, v26;
	v44 =	vld [tilespmem:s31+$0xF0];
	v11 =	vmul.f32 v17, v11;
	v18 =	vadd.f32 v27, v18  }
0x2f7: {  	v46 =	vld [tilespmem:s29+$0xF0];
	v15 =	vadd.f32 v22, v15;
	v2 =	vmul.f32 v3, v2;
	v6 =	vadd.f32 v7, v6  }
0x2f8: {  	v45 =	vadd.f32 v33, v32;
	v16 =	vadd.f32 v16, v34;
	v14 =	vmul.f32 v24, v14  }
0x2f9: {  	v8 =	vadd.f32 v8, v28;
	v10 =	vadd.f32 v42, v40;
	v47 =	vmul.f32 v31, v23  }
0x2fa: {  	v48 =	vadd.f32 v15, v43;
	v3 =	vadd.f32 v11, v9  }
0x2fb: {  	v2 =	vadd.f32 v2, v5;
	v49 =	vadd.f32 v47, v14  }
0x2fc: {  	v16 =	vadd.f32 v16, v45;
	v1 =	vmul.f32 v41, v1;
	v50 =	vmul.f32 v46, v44  }
0x2fd: {  	v51 =	vadd.f32 v8, v18;
	v3 =	vadd.f32 v49, v3  }
0x2fe: {  	v10 =	vadd.f32 v48, v10;
	v1 =	vadd.f32 v50, v1  }
0x2ff: {  	(xrf2) =	vadd.scan.msk.f32 $0xffff, v16;
	v3 =	vadd.f32 v3, v51  }
0x300: {  	v52 =	vadd.f32 v6, v13;
	(xrf2) =	vadd.scan.msk.f32 $0xffff, v10;
	v1 =	vadd.f32 v1, v2  }
0x301: {  	(xrf2) =	vadd.scan.msk.f32 $0xffff, v3  }
0x302: {  	v1 =	vadd.f32 v1, v52;
	_ =	sdelay $0x1  }
0x303: {  	(xrf2) =	vadd.scan.msk.f32 $0xffff, v1;
	_ =	sdelay $0x4  }
0x304: {  	v1, _, _ =	vpop (xrf2)  }
0x305: {  	v55 =	vld [tilespmem:s26+$0x10E00];
	v2, _, _ =	vpop (xrf2)  }
0x306: {  	v53 =	vmov s28;
	s0 =	sadd.s32 $0x2, s28;
	s6 =	sadd.s32 $0x3, s28;
	v3 =	vld [tilespmem:s26+$0x980];
	v54, _, _ =	vpop (xrf2)  }
0x307: {  	s7 =	sadd.s32 $0x1, s28;
	v58 =	vld [tilespmem:s26+$0x10E80];
	v56 =	vmov s0;
	v57 =	vmov s6;
	v6 =	vbroadcast v54, $0xF  }
0x308: {  	v60 =	vld [tilespmem:s26+$0xB80];
	vm0 =	veq.s32 v53, v0;
	v59 =	vmov s7;
	v2 =	vbroadcast v2, $0xF  }
0x309: {  	vm13 =	veq.s32 v59, v0;
	v1 =	vbroadcast v1, $0xF;
	v61, _, _ =	vpop (xrf2);
	v4 =	vsel vm0, v6, v4  }
0x30a: {  	vm14 =	veq.s32 v56, v0;
	v62 =	vbroadcast v61, $0xF;
	v2 =	vsel vm13, v2, v4  }
0x30b: {  	vm15 =	veq.s32 v57, v0;
	v1 =	vsel vm14, v1, v2  }
0x30c: {  	v2 =	vld [tilespmem:s26+$0x10F00];
	v1 =	vsel vm15, v62, v1  }
0x30d: {  	v63 =	vmul.f32 v60, v58;
	v1 =	vadd.f32 v55, v1  }
0x30e: {  	v3 =	vld.idx.msk [tilespmem:v3+s20+$0x0], $0xffff  }
0x30f: {  	v1 =	vadd.f32 v63, v1;
	_ =	sdelay $0x1  }
0x310: {  	s23 =	sadd.s32 $0x1, s23;
	v1 =	vadd.f32 v1, v2  }
0x311: {  	p0 =	sne.s32 s23, $0x8  }
.Ltmp7:
0x312: {  	v1 =	vadd.f32 v1, v3;
	(pc) =	sbr.rel @p0 .LBB2_14-.Ltmp7, $3  }
0x313: {  	_ = 	snop  }
0x314: {  	v1 =	vadd.f32 $3.599999900e+00, v1;
	_ =	sdelay $0x1  }
0x315: {  	s24 =	sadd.s32 $0x800, s24;
	s25 =	sadd.s32 $0x800, s25;
	[tilespmem:s26+$0x11100] =	vst v1  }
0x316: {  	s17 =	sadd.s32 $0x1, s17  }
0x317: {  	p0 =	sne.s32 s17, s14  }
.Ltmp8:
0x318: {  	s0 =	simm.s32 $0x10F80;
	(pc) =	sbr.rel @p0 .LBB2_1-.Ltmp8, $4  }
0x319: {  	[hbm4b:s13+s4] =	stream.linear.scatter [tilespmem:s0], [sflag:$0x3], $0x200, $0x38;
	[tilespmem:$0x11180] =	vst v63  }
0x31a: {  	_ =	swait.ge [sflag:s16], $0x200  }
0x31b: {  	[sflag:s16] =	ssyncset.done $0x0  }
0x31c: {  	[sflag:s16] =	ssyncadd.s32 $0xFFFFFE00  }
0x31d: {  	_ =	sfence.sel $0x180000  }
0x31e: {  	[bflag:$0x0] =	sbarrier.arrive $0xFFFF  }
0x31f: {  	_ =	strace $0x90000047  }
0x320: {  	s0 =	stileid.u32;
	[bflag:$0x2] =	sbarrier.arrive $0xFFFF  }
0x321: {  	p0 =	sne.s32 s0, $0x0;
	s0 =	rddreg [dreg:$0x8]  }
0x322: {  	s0 =	sadd.s32 @!p0 $0x100000, s0  }
0x323: {  	[sflag:s0] =	ssyncadd.tile.s32 @!p0 $0x1;
	_ =	shalt  }
.Lfunc_end2:
_tile_overlayer_lowered:
.L_overlay_start_2:
0x324: {  	(tag) =	ssettag $0x2  }
0x325: {  	s0 =	rddreg [dreg:$0x0];
	s2 =	stileid.u32  }
0x326: {  	s1 =	rddreg [dreg:$0x1];
	p0 =	sne.s32 s2, $0x0  }
0x327: {  	s3 =	rddreg [dreg:$0x2];
	[bflag:$0x3] =	sbarrier.arrive $0xFFFF;
	s2 =	simm.s32 @!p0 $0x1C03  }
0x328: {  	[timem:s3], [sflag:s2] =	dma.local @!p0 [hbm:s0], s1  }
0x329: {  	s0 =	simm.s32 @!p0 $0x3  }
0x32a: {  	_ =	swait.ge @!p0 [sflag:s0], s1  }
0x32b: {  	s1 =	ssub.s32 @!p0 $0x0, s1;
	[sflag:s0] =	ssyncset.done @!p0 $0x0  }
0x32c: {  	[sflag:s0] =	ssyncadd.s32 @!p0 s1  }
0x32d: {  	[bflag:$0x3] =	sbarrier.arrive $0xFFFF  }
0x32e: {  	_ =	shalt  }

</sc_bundles>
